<compile_context>
chip_gen: v7x
topology: tpu7x:2x2x1
jax: 0.10.2.dev20260603
libtpu: 0.0.44.dev20260713+nightly
codegen_flags: <defaults>
</compile_context>

<pallas_src>
import functools

import jax
import jax.numpy as jnp
from jax import lax
from jax.experimental import pallas as pl
from jax.experimental.pallas import tpu as pltpu
from jax.experimental.pallas import tpu_sc as plsc

BLK = 1024
CHUNK = 128
HW = 8


def _dist_argmin_kernel(z_ref, wt_ref, idx_ref, loss_ref, w2_s):
    i = pl.program_id(0)
    blk, k = z_ref.shape[0], wt_ref.shape[1]

    @pl.when(i == 0)
    def _init():
        wt0 = wt_ref[...]
        w2_s[...] = jnp.sum(wt0 * wt0, axis=0, keepdims=True)
        loss_ref[...] = jnp.zeros_like(loss_ref)

    z = z_ref[...] * 2.0
    z2 = jnp.sum(z * z, axis=1, keepdims=True) * 0.25
    scores = jnp.dot(z, wt_ref[...], preferred_element_type=jnp.float32)
    w2 = w2_s[...]
    lanes = lax.broadcasted_iota(jnp.int32, (1, 128), 1).astype(jnp.float32)
    v = (z2 + w2[:, 0:128]) - scores[:, 0:128]
    bi = jnp.broadcast_to(lanes, v.shape)
    for c in range(1, k // 128):
        sl = slice(c * 128, (c + 1) * 128)
        d = (z2 + w2[:, sl]) - scores[:, sl]
        cmp = d < v
        v = jnp.where(cmp, d, v)
        bi = jnp.where(cmp, lanes + float(c * 128), bi)
    m = jnp.min(v, axis=1, keepdims=True)
    idx_f = jnp.min(jnp.where(v == m, bi, float(k)), axis=1, keepdims=True)
    idx_ref[...] = idx_f.astype(jnp.int32).reshape(blk // 128, 128)
    loss_ref[...] = loss_ref[...] + jnp.full((1, 1), jnp.sum(m), jnp.float32)


def _make_sc_gather_hist(n_tok, n_emb, dim, nc, ns):
    nw = nc * ns
    bpw = n_tok // nw
    nch = bpw // CHUNK
    half = nch // 2

    mesh = plsc.VectorSubcoreMesh(core_axis_name="c", subcore_axis_name="s")

    @functools.partial(
        pl.kernel,
        out_type=[
            jax.ShapeDtypeStruct((n_tok, dim), jnp.float32),
            jax.ShapeDtypeStruct((nc, n_emb, HW), jnp.float32),
        ],
        mesh=mesh,
        scratch_types=[
            pltpu.VMEM((nch, CHUNK), jnp.int32),
            pltpu.VMEM((half * CHUNK, dim), jnp.float32),
            pltpu.VMEM((CHUNK, HW), jnp.float32),
            pltpu.VMEM_SHARED((n_emb, HW), jnp.float32),
            pltpu.SemaphoreType.DMA,
            pltpu.SemaphoreType.DMA,
        ],
        compiler_params=pltpu.CompilerParams(use_tc_tiling_on_sc=False),
    )
    def sc_kernel(w_hbm, idx_hbm, ones_hbm, zeros_hbm, q_hbm, cnt_hbm,
                  idx_v, rows_v, ones_v, counts_v, sem_g, sem_h):
        c = lax.axis_index("c")
        s = lax.axis_index("s")
        wid = s * nc + c
        rps = n_emb // ns
        pltpu.sync_copy(idx_hbm.at[pl.ds(wid * nch, nch)], idx_v)
        pltpu.sync_copy(zeros_hbm.at[pl.ds(s * rps, rps)],
                        counts_v.at[pl.ds(s * rps, rps)])
        pltpu.sync_copy(ones_hbm, ones_v)
        plsc.subcore_barrier()
        hists = [
            pltpu.async_copy(ones_v, counts_v.at[idx_v.at[j]], sem_h, add=True)
            for j in range(nch)
        ]
        for h2 in range(2):
            gathers = [
                pltpu.async_copy(w_hbm.at[idx_v.at[h2 * half + j]],
                                 rows_v.at[pl.ds(j * CHUNK, CHUNK)], sem_g)
                for j in range(half)
            ]
            for g in gathers:
                g.wait()
            pltpu.sync_copy(
                rows_v, q_hbm.at[pl.ds(wid * bpw + h2 * half * CHUNK,
                                       half * CHUNK)])
        for h in hists:
            h.wait()
        plsc.subcore_barrier()

        @pl.when(s == 0)
        def _export():
            pltpu.sync_copy(counts_v, cnt_hbm.at[c])

    return sc_kernel


def _finalize_kernel(cnt_ref, loss_ref, loss_out, perp_out, *, n_tok, dim):
    counts = jnp.sum(cnt_ref[...], axis=0, keepdims=True)
    probs = counts * (1.0 / n_tok)
    ent = -jnp.sum(probs * jnp.log(probs + 1e-10))
    perp_out[...] = jnp.full((1, 1), jnp.exp(ent), dtype=jnp.float32)
    loss_out[...] = jnp.full(
        (1, 1), 0.25 * loss_ref[0, 0] / (n_tok * dim), dtype=jnp.float32)


def _vq_forward(z_e, w, blk, interpret=False):
    n_tok, dim = z_e.shape
    n_emb = w.shape[0]
    nb = n_tok // blk
    idx, loss_sum = pl.pallas_call(
        _dist_argmin_kernel,
        grid=(nb,),
        in_specs=[
            pl.BlockSpec((blk, dim), lambda i: (i, 0)),
            pl.BlockSpec((dim, n_emb), lambda i: (0, 0)),
        ],
        out_specs=[
            pl.BlockSpec((blk // 128, 128), lambda i: (i, 0)),
            pl.BlockSpec((1, 1), lambda i: (0, 0)),
        ],
        out_shape=[
            jax.ShapeDtypeStruct((n_tok // 128, 128), jnp.int32),
            jax.ShapeDtypeStruct((1, 1), jnp.float32),
        ],
        scratch_shapes=[pltpu.VMEM((1, n_emb), jnp.float32)],
        compiler_params=pltpu.CompilerParams(
            dimension_semantics=("arbitrary",),
        ),
        interpret=interpret,
    )(z_e, w.T)

    info = plsc.get_sparse_core_info()
    nc, ns = info.num_cores, info.num_subcores
    sc = _make_sc_gather_hist(n_tok, n_emb, dim, nc, ns)
    idx_grid = idx
    ones = jnp.zeros((CHUNK, HW), jnp.float32).at[:, 0].set(1.0)
    zeros = jnp.zeros((n_emb, HW), jnp.float32)
    q, cnt = sc(w, idx_grid, ones, zeros)
    cnt = cnt.reshape(cnt.shape[0], cnt.shape[1] * cnt.shape[2])

    loss, perp = pl.pallas_call(
        functools.partial(_finalize_kernel, n_tok=n_tok, dim=dim),
        out_shape=[
            jax.ShapeDtypeStruct((1, 1), jnp.float32),
            jax.ShapeDtypeStruct((1, 1), jnp.float32),
        ],
        interpret=interpret,
    )(cnt, loss_sum)
    return loss.reshape(()), q, perp.reshape(())


def kernel(z_e, embedding_weight):
    loss, q, perp = _vq_forward(z_e, embedding_weight, BLK)
    return (loss, q, perp)

# --- scband reference (transcript-rebuilt; emitter-appended) ---
"""Pipeline reference for scband-vector-quantizer-ema-19232863552081 (READ-ONLY COPY).

The authoritative reference and input builder live on the scoring server;
editing this copy changes nothing except your own understanding.
"""

import jax, jax.numpy as jnp
import numpy as np

NUM_EMBEDDINGS = 8192
EMBEDDING_DIM = 32
COMMITMENT_COST = 0.25
N_TOKENS = 65536


def setup_inputs(seed: int = 0) -> dict:
    key = jax.random.key(seed)
    k1, k2 = jax.random.split(key)
    z_e = jax.random.normal(k1, (N_TOKENS, EMBEDDING_DIM), dtype=jnp.float32)
    embedding_weight = jax.random.normal(k2, (NUM_EMBEDDINGS, EMBEDDING_DIM), dtype=jnp.float32)
    return {"z_e": z_e, "embedding_weight": embedding_weight}


def reference(z_e, embedding_weight):
    # distances[n, k] = ||z_e[n]||^2 + ||w[k]||^2 - 2 z_e[n] . w[k]
    distances = (jnp.sum(z_e ** 2, axis=1, keepdims=True)
                 + jnp.sum(embedding_weight ** 2, axis=1)
                 - 2.0 * jnp.matmul(z_e, embedding_weight.T))
    encoding_indices = jnp.argmin(distances, axis=1)
    encodings = jax.nn.one_hot(encoding_indices, NUM_EMBEDDINGS, dtype=jnp.float32)
    quantized = jnp.take(embedding_weight, encoding_indices, axis=0)
    # Note: EMA buffer updates in the torch module mutate state but do not
    # affect this forward's returned outputs (quantized is gathered before
    # the update), so eval-mode math is output-equivalent.
    commitment_loss = jnp.mean((jax.lax.stop_gradient(quantized) - z_e) ** 2)
    loss = COMMITMENT_COST * commitment_loss
    quantized_st = z_e + jax.lax.stop_gradient(quantized - z_e)
    avg_probs = jnp.mean(encodings, axis=0)
    perplexity = jnp.exp(-jnp.sum(avg_probs * jnp.log(avg_probs + 1e-10)))
    return (loss, quantized_st, perplexity)

if __name__ == "__main__":
    import jax
    _d = setup_inputs()
    print(jax.jit(kernel)(*tuple(_d.values())))

</pallas_src>

<mosaic_0001>
#map = affine_map<(d0, d1) -> (0, 0)>
#map1 = affine_map<(d0, d1) -> (0, 0, 0)>
module attributes {stable_mosaic.version = 14 : i64} {
  func.func @sc_kernel(%arg0: i32, %arg1: i32, %arg2: memref<8192x32xf32, #tpu.memory_space<hbm>>, %arg3: memref<512x128xi32, #tpu.memory_space<hbm>>, %arg4: memref<128x8xf32, #tpu.memory_space<hbm>>, %arg5: memref<8192x8xf32, #tpu.memory_space<hbm>>, %arg6: memref<65536x32xf32, #tpu.memory_space<hbm>>, %arg7: memref<2x8192x8xf32, #tpu.memory_space<hbm>>, %arg8: memref<16x128xi32, #tpu.memory_space<vmem>>, %arg9: memref<1024x32xf32, #tpu.memory_space<vmem>>, %arg10: memref<128x8xf32, #tpu.memory_space<vmem>>, %arg11: memref<8192x8xf32, #tpu.memory_space<vmem_shared>>, %arg12: memref<!tpu.dma_semaphore, #tpu.memory_space<semaphore_mem>>, %arg13: memref<!tpu.dma_semaphore, #tpu.memory_space<semaphore_mem>>) attributes {dimension_semantics = [#tpu.dimension_semantics<core_parallel>, #tpu.dimension_semantics<subcore_parallel>], iteration_bounds = array<i64: 2, 16>, scalar_prefetch = 0 : i64, scratch_operands = 6 : i64, tpu.core_type = #tpu.core_type<sc_vector_subcore>, window_params = [{transform_indices = #map}, {transform_indices = #map}, {transform_indices = #map}, {transform_indices = #map}, {transform_indices = #map}, {transform_indices = #map1}]} {
    %mul3A = arith.constant 2 : i32
    %mul3A_0 = arith.muli %arg1, %mul3A : i32
    %add3A = arith.addi %mul3A_0, %arg0 : i32
    %mul3A_1 = arith.constant 16 : i32
    %mul3A_2 = arith.muli %add3A, %mul3A_1 : i32
    "tpu.region"() ({
      %run_scoped3A = tpu.sem_alloc : memref<!tpu.dma_semaphore, #tpu.memory_space<semaphore_mem>>
      %dma_start3A_560 = arith.constant 0 : i32
      %dma_start3A_561 = tpu.memref_slice %arg3[%mul3A_2, %dma_start3A_560] : memref<512x128xi32, #tpu.memory_space<hbm>> -> memref<16x128xi32, #tpu.memory_space<hbm>>
      %dma_start3A_562 = arith.constant 0 : i32
      %dma_start3A_563 = tpu.memref_slice %arg3[%mul3A_2, %dma_start3A_562] : memref<512x128xi32, #tpu.memory_space<hbm>> -> memref<16x128xi32, #tpu.memory_space<hbm>>
      tpu.enqueue_dma source(%dma_start3A_563 : memref<16x128xi32, #tpu.memory_space<hbm>>) target(%arg8 : memref<16x128xi32, #tpu.memory_space<vmem>>) target_semaphore(%run_scoped3A : memref<!tpu.dma_semaphore, #tpu.memory_space<semaphore_mem>>)
      %dma_wait3A_564 = arith.constant 0 : i32
      %dma_wait3A_565 = tpu.memref_slice %arg3[%mul3A_2, %dma_wait3A_564] : memref<512x128xi32, #tpu.memory_space<hbm>> -> memref<16x128xi32, #tpu.memory_space<hbm>>
      %dma_wait3A_566 = arith.constant 0 : i32
      %dma_wait3A_567 = tpu.memref_slice %arg3[%mul3A_2, %dma_wait3A_566] : memref<512x128xi32, #tpu.memory_space<hbm>> -> memref<16x128xi32, #tpu.memory_space<hbm>>
      tpu.wait_dma2 semaphore(%run_scoped3A : memref<!tpu.dma_semaphore, #tpu.memory_space<semaphore_mem>>) src(%dma_wait3A_567 : memref<16x128xi32, #tpu.memory_space<hbm>>) dst(%arg8 : memref<16x128xi32, #tpu.memory_space<vmem>>)
      tpu.yield
    }) : () -> ()
    %mul3A_3 = arith.constant 512 : i32
    %mul3A_4 = arith.muli %arg1, %mul3A_3 : i32
    %mul3A_5 = arith.constant 512 : i32
    %mul3A_6 = arith.muli %arg1, %mul3A_5 : i32
    "tpu.region"() ({
      %run_scoped3A = tpu.sem_alloc : memref<!tpu.dma_semaphore, #tpu.memory_space<semaphore_mem>>
      %dma_start3A_560 = arith.constant 0 : i32
      %dma_start3A_561 = tpu.memref_slice %arg11[%mul3A_6, %dma_start3A_560] : memref<8192x8xf32, #tpu.memory_space<vmem_shared>> -> memref<512x8xf32, #tpu.memory_space<vmem_shared>>
      %dma_start3A_562 = arith.constant 0 : i32
      %dma_start3A_563 = tpu.memref_slice %arg5[%mul3A_4, %dma_start3A_562] : memref<8192x8xf32, #tpu.memory_space<hbm>> -> memref<512x8xf32, #tpu.memory_space<hbm>>
      tpu.enqueue_dma source(%dma_start3A_563 : memref<512x8xf32, #tpu.memory_space<hbm>>) target(%dma_start3A_561 : memref<512x8xf32, #tpu.memory_space<vmem_shared>>) target_semaphore(%run_scoped3A : memref<!tpu.dma_semaphore, #tpu.memory_space<semaphore_mem>>)
      %dma_wait3A_564 = arith.constant 0 : i32
      %dma_wait3A_565 = tpu.memref_slice %arg11[%mul3A_6, %dma_wait3A_564] : memref<8192x8xf32, #tpu.memory_space<vmem_shared>> -> memref<512x8xf32, #tpu.memory_space<vmem_shared>>
      %dma_wait3A_566 = arith.constant 0 : i32
      %dma_wait3A_567 = tpu.memref_slice %arg5[%mul3A_4, %dma_wait3A_566] : memref<8192x8xf32, #tpu.memory_space<hbm>> -> memref<512x8xf32, #tpu.memory_space<hbm>>
      tpu.wait_dma2 semaphore(%run_scoped3A : memref<!tpu.dma_semaphore, #tpu.memory_space<semaphore_mem>>) src(%dma_wait3A_567 : memref<512x8xf32, #tpu.memory_space<hbm>>) dst(%dma_wait3A_565 : memref<512x8xf32, #tpu.memory_space<vmem_shared>>)
      tpu.yield
    }) : () -> ()
    "tpu.region"() ({
      %run_scoped3A = tpu.sem_alloc : memref<!tpu.dma_semaphore, #tpu.memory_space<semaphore_mem>>
      tpu.enqueue_dma source(%arg4 : memref<128x8xf32, #tpu.memory_space<hbm>>) target(%arg10 : memref<128x8xf32, #tpu.memory_space<vmem>>) target_semaphore(%run_scoped3A : memref<!tpu.dma_semaphore, #tpu.memory_space<semaphore_mem>>)
      tpu.wait_dma2 semaphore(%run_scoped3A : memref<!tpu.dma_semaphore, #tpu.memory_space<semaphore_mem>>) src(%arg4 : memref<128x8xf32, #tpu.memory_space<hbm>>) dst(%arg10 : memref<128x8xf32, #tpu.memory_space<vmem>>)
      tpu.yield
    }) : () -> ()
    %barrier3A = arith.constant 0 : index
    tpu.barrier barrier_id(%barrier3A)
    %dma_start3A = arith.constant 0 : i32
    %dma_start3A_7 = arith.constant 0 : i32
    %dma_start3A_8 = tpu.memref_slice %arg8[%dma_start3A, %dma_start3A_7] : memref<16x128xi32, #tpu.memory_space<vmem>> -> memref<1x128xi32, #tpu.memory_space<vmem>>
    %dma_start3A_9 = tpu.memref_squeeze %dma_start3A_8 : memref<1x128xi32, #tpu.memory_space<vmem>> -> memref<128xi32, #tpu.memory_space<vmem>>
    %dma_start3A_10 = arith.constant 0 : i32
    %dma_start3A_11 = arith.constant 0 : i32
    %dma_start3A_12 = tpu.memref_slice %arg11[%dma_start3A_10, %dma_start3A_11] : memref<8192x8xf32, #tpu.memory_space<vmem_shared>> -> memref<8192x8xf32, #tpu.memory_space<vmem_shared>>
    tpu.enqueue_indirect_dma source(%arg10 : memref<128x8xf32, #tpu.memory_space<vmem>>) target(%dma_start3A_12 : memref<8192x8xf32, #tpu.memory_space<vmem_shared>>) offsets(%dma_start3A_9 : memref<128xi32, #tpu.memory_space<vmem>>) semaphore(%arg13 : memref<!tpu.dma_semaphore, #tpu.memory_space<semaphore_mem>>) {add = true}
    %dma_start3A_13 = arith.constant 1 : i32
    %dma_start3A_14 = arith.constant 0 : i32
    %dma_start3A_15 = tpu.memref_slice %arg8[%dma_start3A_13, %dma_start3A_14] : memref<16x128xi32, #tpu.memory_space<vmem>> -> memref<1x128xi32, #tpu.memory_space<vmem>>
    %dma_start3A_16 = tpu.memref_squeeze %dma_start3A_15 : memref<1x128xi32, #tpu.memory_space<vmem>> -> memref<128xi32, #tpu.memory_space<vmem>>
    %dma_start3A_17 = arith.constant 0 : i32
    %dma_start3A_18 = arith.constant 0 : i32
    %dma_start3A_19 = tpu.memref_slice %arg11[%dma_start3A_17, %dma_start3A_18] : memref<8192x8xf32, #tpu.memory_space<vmem_shared>> -> memref<8192x8xf32, #tpu.memory_space<vmem_shared>>
    tpu.enqueue_indirect_dma source(%arg10 : memref<128x8xf32, #tpu.memory_space<vmem>>) target(%dma_start3A_19 : memref<8192x8xf32, #tpu.memory_space<vmem_shared>>) offsets(%dma_start3A_16 : memref<128xi32, #tpu.memory_space<vmem>>) semaphore(%arg13 : memref<!tpu.dma_semaphore, #tpu.memory_space<semaphore_mem>>) {add = true}
    %dma_start3A_20 = arith.constant 2 : i32
    %dma_start3A_21 = arith.constant 0 : i32
    %dma_start3A_22 = tpu.memref_slice %arg8[%dma_start3A_20, %dma_start3A_21] : memref<16x128xi32, #tpu.memory_space<vmem>> -> memref<1x128xi32, #tpu.memory_space<vmem>>
    %dma_start3A_23 = tpu.memref_squeeze %dma_start3A_22 : memref<1x128xi32, #tpu.memory_space<vmem>> -> memref<128xi32, #tpu.memory_space<vmem>>
    %dma_start3A_24 = arith.constant 0 : i32
    %dma_start3A_25 = arith.constant 0 : i32
    %dma_start3A_26 = tpu.memref_slice %arg11[%dma_start3A_24, %dma_start3A_25] : memref<8192x8xf32, #tpu.memory_space<vmem_shared>> -> memref<8192x8xf32, #tpu.memory_space<vmem_shared>>
    tpu.enqueue_indirect_dma source(%arg10 : memref<128x8xf32, #tpu.memory_space<vmem>>) target(%dma_start3A_26 : memref<8192x8xf32, #tpu.memory_space<vmem_shared>>) offsets(%dma_start3A_23 : memref<128xi32, #tpu.memory_space<vmem>>) semaphore(%arg13 : memref<!tpu.dma_semaphore, #tpu.memory_space<semaphore_mem>>) {add = true}
    %dma_start3A_27 = arith.constant 3 : i32
    %dma_start3A_28 = arith.constant 0 : i32
    %dma_start3A_29 = tpu.memref_slice %arg8[%dma_start3A_27, %dma_start3A_28] : memref<16x128xi32, #tpu.memory_space<vmem>> -> memref<1x128xi32, #tpu.memory_space<vmem>>
    %dma_start3A_30 = tpu.memref_squeeze %dma_start3A_29 : memref<1x128xi32, #tpu.memory_space<vmem>> -> memref<128xi32, #tpu.memory_space<vmem>>
    %dma_start3A_31 = arith.constant 0 : i32
    %dma_start3A_32 = arith.constant 0 : i32
    %dma_start3A_33 = tpu.memref_slice %arg11[%dma_start3A_31, %dma_start3A_32] : memref<8192x8xf32, #tpu.memory_space<vmem_shared>> -> memref<8192x8xf32, #tpu.memory_space<vmem_shared>>
    tpu.enqueue_indirect_dma source(%arg10 : memref<128x8xf32, #tpu.memory_space<vmem>>) target(%dma_start3A_33 : memref<8192x8xf32, #tpu.memory_space<vmem_shared>>) offsets(%dma_start3A_30 : memref<128xi32, #tpu.memory_space<vmem>>) semaphore(%arg13 : memref<!tpu.dma_semaphore, #tpu.memory_space<semaphore_mem>>) {add = true}
    %dma_start3A_34 = arith.constant 4 : i32
    %dma_start3A_35 = arith.constant 0 : i32
    %dma_start3A_36 = tpu.memref_slice %arg8[%dma_start3A_34, %dma_start3A_35] : memref<16x128xi32, #tpu.memory_space<vmem>> -> memref<1x128xi32, #tpu.memory_space<vmem>>
    %dma_start3A_37 = tpu.memref_squeeze %dma_start3A_36 : memref<1x128xi32, #tpu.memory_space<vmem>> -> memref<128xi32, #tpu.memory_space<vmem>>
    %dma_start3A_38 = arith.constant 0 : i32
    %dma_start3A_39 = arith.constant 0 : i32
    %dma_start3A_40 = tpu.memref_slice %arg11[%dma_start3A_38, %dma_start3A_39] : memref<8192x8xf32, #tpu.memory_space<vmem_shared>> -> memref<8192x8xf32, #tpu.memory_space<vmem_shared>>
    tpu.enqueue_indirect_dma source(%arg10 : memref<128x8xf32, #tpu.memory_space<vmem>>) target(%dma_start3A_40 : memref<8192x8xf32, #tpu.memory_space<vmem_shared>>) offsets(%dma_start3A_37 : memref<128xi32, #tpu.memory_space<vmem>>) semaphore(%arg13 : memref<!tpu.dma_semaphore, #tpu.memory_space<semaphore_mem>>) {add = true}
    %dma_start3A_41 = arith.constant 5 : i32
    %dma_start3A_42 = arith.constant 0 : i32
    %dma_start3A_43 = tpu.memref_slice %arg8[%dma_start3A_41, %dma_start3A_42] : memref<16x128xi32, #tpu.memory_space<vmem>> -> memref<1x128xi32, #tpu.memory_space<vmem>>
    %dma_start3A_44 = tpu.memref_squeeze %dma_start3A_43 : memref<1x128xi32, #tpu.memory_space<vmem>> -> memref<128xi32, #tpu.memory_space<vmem>>
    %dma_start3A_45 = arith.constant 0 : i32
    %dma_start3A_46 = arith.constant 0 : i32
    %dma_start3A_47 = tpu.memref_slice %arg11[%dma_start3A_45, %dma_start3A_46] : memref<8192x8xf32, #tpu.memory_space<vmem_shared>> -> memref<8192x8xf32, #tpu.memory_space<vmem_shared>>
    tpu.enqueue_indirect_dma source(%arg10 : memref<128x8xf32, #tpu.memory_space<vmem>>) target(%dma_start3A_47 : memref<8192x8xf32, #tpu.memory_space<vmem_shared>>) offsets(%dma_start3A_44 : memref<128xi32, #tpu.memory_space<vmem>>) semaphore(%arg13 : memref<!tpu.dma_semaphore, #tpu.memory_space<semaphore_mem>>) {add = true}
    %dma_start3A_48 = arith.constant 6 : i32
    %dma_start3A_49 = arith.constant 0 : i32
    %dma_start3A_50 = tpu.memref_slice %arg8[%dma_start3A_48, %dma_start3A_49] : memref<16x128xi32, #tpu.memory_space<vmem>> -> memref<1x128xi32, #tpu.memory_space<vmem>>
    %dma_start3A_51 = tpu.memref_squeeze %dma_start3A_50 : memref<1x128xi32, #tpu.memory_space<vmem>> -> memref<128xi32, #tpu.memory_space<vmem>>
    %dma_start3A_52 = arith.constant 0 : i32
    %dma_start3A_53 = arith.constant 0 : i32
    %dma_start3A_54 = tpu.memref_slice %arg11[%dma_start3A_52, %dma_start3A_53] : memref<8192x8xf32, #tpu.memory_space<vmem_shared>> -> memref<8192x8xf32, #tpu.memory_space<vmem_shared>>
    tpu.enqueue_indirect_dma source(%arg10 : memref<128x8xf32, #tpu.memory_space<vmem>>) target(%dma_start3A_54 : memref<8192x8xf32, #tpu.memory_space<vmem_shared>>) offsets(%dma_start3A_51 : memref<128xi32, #tpu.memory_space<vmem>>) semaphore(%arg13 : memref<!tpu.dma_semaphore, #tpu.memory_space<semaphore_mem>>) {add = true}
    %dma_start3A_55 = arith.constant 7 : i32
    %dma_start3A_56 = arith.constant 0 : i32
    %dma_start3A_57 = tpu.memref_slice %arg8[%dma_start3A_55, %dma_start3A_56] : memref<16x128xi32, #tpu.memory_space<vmem>> -> memref<1x128xi32, #tpu.memory_space<vmem>>
    %dma_start3A_58 = tpu.memref_squeeze %dma_start3A_57 : memref<1x128xi32, #tpu.memory_space<vmem>> -> memref<128xi32, #tpu.memory_space<vmem>>
    %dma_start3A_59 = arith.constant 0 : i32
    %dma_start3A_60 = arith.constant 0 : i32
    %dma_start3A_61 = tpu.memref_slice %arg11[%dma_start3A_59, %dma_start3A_60] : memref<8192x8xf32, #tpu.memory_space<vmem_shared>> -> memref<8192x8xf32, #tpu.memory_space<vmem_shared>>
    tpu.enqueue_indirect_dma source(%arg10 : memref<128x8xf32, #tpu.memory_space<vmem>>) target(%dma_start3A_61 : memref<8192x8xf32, #tpu.memory_space<vmem_shared>>) offsets(%dma_start3A_58 : memref<128xi32, #tpu.memory_space<vmem>>) semaphore(%arg13 : memref<!tpu.dma_semaphore, #tpu.memory_space<semaphore_mem>>) {add = true}
    %dma_start3A_62 = arith.constant 8 : i32
    %dma_start3A_63 = arith.constant 0 : i32
    %dma_start3A_64 = tpu.memref_slice %arg8[%dma_start3A_62, %dma_start3A_63] : memref<16x128xi32, #tpu.memory_space<vmem>> -> memref<1x128xi32, #tpu.memory_space<vmem>>
    %dma_start3A_65 = tpu.memref_squeeze %dma_start3A_64 : memref<1x128xi32, #tpu.memory_space<vmem>> -> memref<128xi32, #tpu.memory_space<vmem>>
    %dma_start3A_66 = arith.constant 0 : i32
    %dma_start3A_67 = arith.constant 0 : i32
    %dma_start3A_68 = tpu.memref_slice %arg11[%dma_start3A_66, %dma_start3A_67] : memref<8192x8xf32, #tpu.memory_space<vmem_shared>> -> memref<8192x8xf32, #tpu.memory_space<vmem_shared>>
    tpu.enqueue_indirect_dma source(%arg10 : memref<128x8xf32, #tpu.memory_space<vmem>>) target(%dma_start3A_68 : memref<8192x8xf32, #tpu.memory_space<vmem_shared>>) offsets(%dma_start3A_65 : memref<128xi32, #tpu.memory_space<vmem>>) semaphore(%arg13 : memref<!tpu.dma_semaphore, #tpu.memory_space<semaphore_mem>>) {add = true}
    %dma_start3A_69 = arith.constant 9 : i32
    %dma_start3A_70 = arith.constant 0 : i32
    %dma_start3A_71 = tpu.memref_slice %arg8[%dma_start3A_69, %dma_start3A_70] : memref<16x128xi32, #tpu.memory_space<vmem>> -> memref<1x128xi32, #tpu.memory_space<vmem>>
    %dma_start3A_72 = tpu.memref_squeeze %dma_start3A_71 : memref<1x128xi32, #tpu.memory_space<vmem>> -> memref<128xi32, #tpu.memory_space<vmem>>
    %dma_start3A_73 = arith.constant 0 : i32
    %dma_start3A_74 = arith.constant 0 : i32
    %dma_start3A_75 = tpu.memref_slice %arg11[%dma_start3A_73, %dma_start3A_74] : memref<8192x8xf32, #tpu.memory_space<vmem_shared>> -> memref<8192x8xf32, #tpu.memory_space<vmem_shared>>
    tpu.enqueue_indirect_dma source(%arg10 : memref<128x8xf32, #tpu.memory_space<vmem>>) target(%dma_start3A_75 : memref<8192x8xf32, #tpu.memory_space<vmem_shared>>) offsets(%dma_start3A_72 : memref<128xi32, #tpu.memory_space<vmem>>) semaphore(%arg13 : memref<!tpu.dma_semaphore, #tpu.memory_space<semaphore_mem>>) {add = true}
    %dma_start3A_76 = arith.constant 10 : i32
    %dma_start3A_77 = arith.constant 0 : i32
    %dma_start3A_78 = tpu.memref_slice %arg8[%dma_start3A_76, %dma_start3A_77] : memref<16x128xi32, #tpu.memory_space<vmem>> -> memref<1x128xi32, #tpu.memory_space<vmem>>
    %dma_start3A_79 = tpu.memref_squeeze %dma_start3A_78 : memref<1x128xi32, #tpu.memory_space<vmem>> -> memref<128xi32, #tpu.memory_space<vmem>>
    %dma_start3A_80 = arith.constant 0 : i32
    %dma_start3A_81 = arith.constant 0 : i32
    %dma_start3A_82 = tpu.memref_slice %arg11[%dma_start3A_80, %dma_start3A_81] : memref<8192x8xf32, #tpu.memory_space<vmem_shared>> -> memref<8192x8xf32, #tpu.memory_space<vmem_shared>>
    tpu.enqueue_indirect_dma source(%arg10 : memref<128x8xf32, #tpu.memory_space<vmem>>) target(%dma_start3A_82 : memref<8192x8xf32, #tpu.memory_space<vmem_shared>>) offsets(%dma_start3A_79 : memref<128xi32, #tpu.memory_space<vmem>>) semaphore(%arg13 : memref<!tpu.dma_semaphore, #tpu.memory_space<semaphore_mem>>) {add = true}
    %dma_start3A_83 = arith.constant 11 : i32
    %dma_start3A_84 = arith.constant 0 : i32
    %dma_start3A_85 = tpu.memref_slice %arg8[%dma_start3A_83, %dma_start3A_84] : memref<16x128xi32, #tpu.memory_space<vmem>> -> memref<1x128xi32, #tpu.memory_space<vmem>>
    %dma_start3A_86 = tpu.memref_squeeze %dma_start3A_85 : memref<1x128xi32, #tpu.memory_space<vmem>> -> memref<128xi32, #tpu.memory_space<vmem>>
    %dma_start3A_87 = arith.constant 0 : i32
    %dma_start3A_88 = arith.constant 0 : i32
    %dma_start3A_89 = tpu.memref_slice %arg11[%dma_start3A_87, %dma_start3A_88] : memref<8192x8xf32, #tpu.memory_space<vmem_shared>> -> memref<8192x8xf32, #tpu.memory_space<vmem_shared>>
    tpu.enqueue_indirect_dma source(%arg10 : memref<128x8xf32, #tpu.memory_space<vmem>>) target(%dma_start3A_89 : memref<8192x8xf32, #tpu.memory_space<vmem_shared>>) offsets(%dma_start3A_86 : memref<128xi32, #tpu.memory_space<vmem>>) semaphore(%arg13 : memref<!tpu.dma_semaphore, #tpu.memory_space<semaphore_mem>>) {add = true}
    %dma_start3A_90 = arith.constant 12 : i32
    %dma_start3A_91 = arith.constant 0 : i32
    %dma_start3A_92 = tpu.memref_slice %arg8[%dma_start3A_90, %dma_start3A_91] : memref<16x128xi32, #tpu.memory_space<vmem>> -> memref<1x128xi32, #tpu.memory_space<vmem>>
    %dma_start3A_93 = tpu.memref_squeeze %dma_start3A_92 : memref<1x128xi32, #tpu.memory_space<vmem>> -> memref<128xi32, #tpu.memory_space<vmem>>
    %dma_start3A_94 = arith.constant 0 : i32
    %dma_start3A_95 = arith.constant 0 : i32
    %dma_start3A_96 = tpu.memref_slice %arg11[%dma_start3A_94, %dma_start3A_95] : memref<8192x8xf32, #tpu.memory_space<vmem_shared>> -> memref<8192x8xf32, #tpu.memory_space<vmem_shared>>
    tpu.enqueue_indirect_dma source(%arg10 : memref<128x8xf32, #tpu.memory_space<vmem>>) target(%dma_start3A_96 : memref<8192x8xf32, #tpu.memory_space<vmem_shared>>) offsets(%dma_start3A_93 : memref<128xi32, #tpu.memory_space<vmem>>) semaphore(%arg13 : memref<!tpu.dma_semaphore, #tpu.memory_space<semaphore_mem>>) {add = true}
    %dma_start3A_97 = arith.constant 13 : i32
    %dma_start3A_98 = arith.constant 0 : i32
    %dma_start3A_99 = tpu.memref_slice %arg8[%dma_start3A_97, %dma_start3A_98] : memref<16x128xi32, #tpu.memory_space<vmem>> -> memref<1x128xi32, #tpu.memory_space<vmem>>
    %dma_start3A_100 = tpu.memref_squeeze %dma_start3A_99 : memref<1x128xi32, #tpu.memory_space<vmem>> -> memref<128xi32, #tpu.memory_space<vmem>>
    %dma_start3A_101 = arith.constant 0 : i32
    %dma_start3A_102 = arith.constant 0 : i32
    %dma_start3A_103 = tpu.memref_slice %arg11[%dma_start3A_101, %dma_start3A_102] : memref<8192x8xf32, #tpu.memory_space<vmem_shared>> -> memref<8192x8xf32, #tpu.memory_space<vmem_shared>>
    tpu.enqueue_indirect_dma source(%arg10 : memref<128x8xf32, #tpu.memory_space<vmem>>) target(%dma_start3A_103 : memref<8192x8xf32, #tpu.memory_space<vmem_shared>>) offsets(%dma_start3A_100 : memref<128xi32, #tpu.memory_space<vmem>>) semaphore(%arg13 : memref<!tpu.dma_semaphore, #tpu.memory_space<semaphore_mem>>) {add = true}
    %dma_start3A_104 = arith.constant 14 : i32
    %dma_start3A_105 = arith.constant 0 : i32
    %dma_start3A_106 = tpu.memref_slice %arg8[%dma_start3A_104, %dma_start3A_105] : memref<16x128xi32, #tpu.memory_space<vmem>> -> memref<1x128xi32, #tpu.memory_space<vmem>>
    %dma_start3A_107 = tpu.memref_squeeze %dma_start3A_106 : memref<1x128xi32, #tpu.memory_space<vmem>> -> memref<128xi32, #tpu.memory_space<vmem>>
    %dma_start3A_108 = arith.constant 0 : i32
    %dma_start3A_109 = arith.constant 0 : i32
    %dma_start3A_110 = tpu.memref_slice %arg11[%dma_start3A_108, %dma_start3A_109] : memref<8192x8xf32, #tpu.memory_space<vmem_shared>> -> memref<8192x8xf32, #tpu.memory_space<vmem_shared>>
    tpu.enqueue_indirect_dma source(%arg10 : memref<128x8xf32, #tpu.memory_space<vmem>>) target(%dma_start3A_110 : memref<8192x8xf32, #tpu.memory_space<vmem_shared>>) offsets(%dma_start3A_107 : memref<128xi32, #tpu.memory_space<vmem>>) semaphore(%arg13 : memref<!tpu.dma_semaphore, #tpu.memory_space<semaphore_mem>>) {add = true}
    %dma_start3A_111 = arith.constant 15 : i32
    %dma_start3A_112 = arith.constant 0 : i32
    %dma_start3A_113 = tpu.memref_slice %arg8[%dma_start3A_111, %dma_start3A_112] : memref<16x128xi32, #tpu.memory_space<vmem>> -> memref<1x128xi32, #tpu.memory_space<vmem>>
    %dma_start3A_114 = tpu.memref_squeeze %dma_start3A_113 : memref<1x128xi32, #tpu.memory_space<vmem>> -> memref<128xi32, #tpu.memory_space<vmem>>
    %dma_start3A_115 = arith.constant 0 : i32
    %dma_start3A_116 = arith.constant 0 : i32
    %dma_start3A_117 = tpu.memref_slice %arg11[%dma_start3A_115, %dma_start3A_116] : memref<8192x8xf32, #tpu.memory_space<vmem_shared>> -> memref<8192x8xf32, #tpu.memory_space<vmem_shared>>
    tpu.enqueue_indirect_dma source(%arg10 : memref<128x8xf32, #tpu.memory_space<vmem>>) target(%dma_start3A_117 : memref<8192x8xf32, #tpu.memory_space<vmem_shared>>) offsets(%dma_start3A_114 : memref<128xi32, #tpu.memory_space<vmem>>) semaphore(%arg13 : memref<!tpu.dma_semaphore, #tpu.memory_space<semaphore_mem>>) {add = true}
    %dma_start3A_118 = arith.constant 0 : i32
    %dma_start3A_119 = arith.constant 0 : i32
    %dma_start3A_120 = arith.constant 0 : i32
    %dma_start3A_121 = tpu.memref_slice %arg9[%dma_start3A_119, %dma_start3A_120] : memref<1024x32xf32, #tpu.memory_space<vmem>> -> memref<128x32xf32, #tpu.memory_space<vmem>>
    %dma_start3A_122 = arith.constant 0 : i32
    %dma_start3A_123 = tpu.memref_slice %arg8[%dma_start3A_118, %dma_start3A_122] : memref<16x128xi32, #tpu.memory_space<vmem>> -> memref<1x128xi32, #tpu.memory_space<vmem>>
    %dma_start3A_124 = tpu.memref_squeeze %dma_start3A_123 : memref<1x128xi32, #tpu.memory_space<vmem>> -> memref<128xi32, #tpu.memory_space<vmem>>
    %dma_start3A_125 = arith.constant 0 : i32
    %dma_start3A_126 = arith.constant 0 : i32
    %dma_start3A_127 = tpu.memref_slice %arg2[%dma_start3A_125, %dma_start3A_126] : memref<8192x32xf32, #tpu.memory_space<hbm>> -> memref<8192x32xf32, #tpu.memory_space<hbm>>
    tpu.enqueue_indirect_dma source(%dma_start3A_127 : memref<8192x32xf32, #tpu.memory_space<hbm>>) target(%dma_start3A_121 : memref<128x32xf32, #tpu.memory_space<vmem>>) offsets(%dma_start3A_124 : memref<128xi32, #tpu.memory_space<vmem>>) semaphore(%arg12 : memref<!tpu.dma_semaphore, #tpu.memory_space<semaphore_mem>>)
    %dma_start3A_128 = arith.constant 1 : i32
    %dma_start3A_129 = arith.constant 128 : i32
    %dma_start3A_130 = arith.constant 0 : i32
    %dma_start3A_131 = tpu.memref_slice %arg9[%dma_start3A_129, %dma_start3A_130] : memref<1024x32xf32, #tpu.memory_space<vmem>> -> memref<128x32xf32, #tpu.memory_space<vmem>>
    %dma_start3A_132 = arith.constant 0 : i32
    %dma_start3A_133 = tpu.memref_slice %arg8[%dma_start3A_128, %dma_start3A_132] : memref<16x128xi32, #tpu.memory_space<vmem>> -> memref<1x128xi32, #tpu.memory_space<vmem>>
    %dma_start3A_134 = tpu.memref_squeeze %dma_start3A_133 : memref<1x128xi32, #tpu.memory_space<vmem>> -> memref<128xi32, #tpu.memory_space<vmem>>
    %dma_start3A_135 = arith.constant 0 : i32
    %dma_start3A_136 = arith.constant 0 : i32
    %dma_start3A_137 = tpu.memref_slice %arg2[%dma_start3A_135, %dma_start3A_136] : memref<8192x32xf32, #tpu.memory_space<hbm>> -> memref<8192x32xf32, #tpu.memory_space<hbm>>
    tpu.enqueue_indirect_dma source(%dma_start3A_137 : memref<8192x32xf32, #tpu.memory_space<hbm>>) target(%dma_start3A_131 : memref<128x32xf32, #tpu.memory_space<vmem>>) offsets(%dma_start3A_134 : memref<128xi32, #tpu.memory_space<vmem>>) semaphore(%arg12 : memref<!tpu.dma_semaphore, #tpu.memory_space<semaphore_mem>>)
    %dma_start3A_138 = arith.constant 2 : i32
    %dma_start3A_139 = arith.constant 256 : i32
    %dma_start3A_140 = arith.constant 0 : i32
    %dma_start3A_141 = tpu.memref_slice %arg9[%dma_start3A_139, %dma_start3A_140] : memref<1024x32xf32, #tpu.memory_space<vmem>> -> memref<128x32xf32, #tpu.memory_space<vmem>>
    %dma_start3A_142 = arith.constant 0 : i32
    %dma_start3A_143 = tpu.memref_slice %arg8[%dma_start3A_138, %dma_start3A_142] : memref<16x128xi32, #tpu.memory_space<vmem>> -> memref<1x128xi32, #tpu.memory_space<vmem>>
    %dma_start3A_144 = tpu.memref_squeeze %dma_start3A_143 : memref<1x128xi32, #tpu.memory_space<vmem>> -> memref<128xi32, #tpu.memory_space<vmem>>
    %dma_start3A_145 = arith.constant 0 : i32
    %dma_start3A_146 = arith.constant 0 : i32
    %dma_start3A_147 = tpu.memref_slice %arg2[%dma_start3A_145, %dma_start3A_146] : memref<8192x32xf32, #tpu.memory_space<hbm>> -> memref<8192x32xf32, #tpu.memory_space<hbm>>
    tpu.enqueue_indirect_dma source(%dma_start3A_147 : memref<8192x32xf32, #tpu.memory_space<hbm>>) target(%dma_start3A_141 : memref<128x32xf32, #tpu.memory_space<vmem>>) offsets(%dma_start3A_144 : memref<128xi32, #tpu.memory_space<vmem>>) semaphore(%arg12 : memref<!tpu.dma_semaphore, #tpu.memory_space<semaphore_mem>>)
    %dma_start3A_148 = arith.constant 3 : i32
    %dma_start3A_149 = arith.constant 384 : i32
    %dma_start3A_150 = arith.constant 0 : i32
    %dma_start3A_151 = tpu.memref_slice %arg9[%dma_start3A_149, %dma_start3A_150] : memref<1024x32xf32, #tpu.memory_space<vmem>> -> memref<128x32xf32, #tpu.memory_space<vmem>>
    %dma_start3A_152 = arith.constant 0 : i32
    %dma_start3A_153 = tpu.memref_slice %arg8[%dma_start3A_148, %dma_start3A_152] : memref<16x128xi32, #tpu.memory_space<vmem>> -> memref<1x128xi32, #tpu.memory_space<vmem>>
    %dma_start3A_154 = tpu.memref_squeeze %dma_start3A_153 : memref<1x128xi32, #tpu.memory_space<vmem>> -> memref<128xi32, #tpu.memory_space<vmem>>
    %dma_start3A_155 = arith.constant 0 : i32
    %dma_start3A_156 = arith.constant 0 : i32
    %dma_start3A_157 = tpu.memref_slice %arg2[%dma_start3A_155, %dma_start3A_156] : memref<8192x32xf32, #tpu.memory_space<hbm>> -> memref<8192x32xf32, #tpu.memory_space<hbm>>
    tpu.enqueue_indirect_dma source(%dma_start3A_157 : memref<8192x32xf32, #tpu.memory_space<hbm>>) target(%dma_start3A_151 : memref<128x32xf32, #tpu.memory_space<vmem>>) offsets(%dma_start3A_154 : memref<128xi32, #tpu.memory_space<vmem>>) semaphore(%arg12 : memref<!tpu.dma_semaphore, #tpu.memory_space<semaphore_mem>>)
    %dma_start3A_158 = arith.constant 4 : i32
    %dma_start3A_159 = arith.constant 512 : i32
    %dma_start3A_160 = arith.constant 0 : i32
    %dma_start3A_161 = tpu.memref_slice %arg9[%dma_start3A_159, %dma_start3A_160] : memref<1024x32xf32, #tpu.memory_space<vmem>> -> memref<128x32xf32, #tpu.memory_space<vmem>>
    %dma_start3A_162 = arith.constant 0 : i32
    %dma_start3A_163 = tpu.memref_slice %arg8[%dma_start3A_158, %dma_start3A_162] : memref<16x128xi32, #tpu.memory_space<vmem>> -> memref<1x128xi32, #tpu.memory_space<vmem>>
    %dma_start3A_164 = tpu.memref_squeeze %dma_start3A_163 : memref<1x128xi32, #tpu.memory_space<vmem>> -> memref<128xi32, #tpu.memory_space<vmem>>
    %dma_start3A_165 = arith.constant 0 : i32
    %dma_start3A_166 = arith.constant 0 : i32
    %dma_start3A_167 = tpu.memref_slice %arg2[%dma_start3A_165, %dma_start3A_166] : memref<8192x32xf32, #tpu.memory_space<hbm>> -> memref<8192x32xf32, #tpu.memory_space<hbm>>
    tpu.enqueue_indirect_dma source(%dma_start3A_167 : memref<8192x32xf32, #tpu.memory_space<hbm>>) target(%dma_start3A_161 : memref<128x32xf32, #tpu.memory_space<vmem>>) offsets(%dma_start3A_164 : memref<128xi32, #tpu.memory_space<vmem>>) semaphore(%arg12 : memref<!tpu.dma_semaphore, #tpu.memory_space<semaphore_mem>>)
    %dma_start3A_168 = arith.constant 5 : i32
    %dma_start3A_169 = arith.constant 640 : i32
    %dma_start3A_170 = arith.constant 0 : i32
    %dma_start3A_171 = tpu.memref_slice %arg9[%dma_start3A_169, %dma_start3A_170] : memref<1024x32xf32, #tpu.memory_space<vmem>> -> memref<128x32xf32, #tpu.memory_space<vmem>>
    %dma_start3A_172 = arith.constant 0 : i32
    %dma_start3A_173 = tpu.memref_slice %arg8[%dma_start3A_168, %dma_start3A_172] : memref<16x128xi32, #tpu.memory_space<vmem>> -> memref<1x128xi32, #tpu.memory_space<vmem>>
    %dma_start3A_174 = tpu.memref_squeeze %dma_start3A_173 : memref<1x128xi32, #tpu.memory_space<vmem>> -> memref<128xi32, #tpu.memory_space<vmem>>
    %dma_start3A_175 = arith.constant 0 : i32
    %dma_start3A_176 = arith.constant 0 : i32
    %dma_start3A_177 = tpu.memref_slice %arg2[%dma_start3A_175, %dma_start3A_176] : memref<8192x32xf32, #tpu.memory_space<hbm>> -> memref<8192x32xf32, #tpu.memory_space<hbm>>
    tpu.enqueue_indirect_dma source(%dma_start3A_177 : memref<8192x32xf32, #tpu.memory_space<hbm>>) target(%dma_start3A_171 : memref<128x32xf32, #tpu.memory_space<vmem>>) offsets(%dma_start3A_174 : memref<128xi32, #tpu.memory_space<vmem>>) semaphore(%arg12 : memref<!tpu.dma_semaphore, #tpu.memory_space<semaphore_mem>>)
    %dma_start3A_178 = arith.constant 6 : i32
    %dma_start3A_179 = arith.constant 768 : i32
    %dma_start3A_180 = arith.constant 0 : i32
    %dma_start3A_181 = tpu.memref_slice %arg9[%dma_start3A_179, %dma_start3A_180] : memref<1024x32xf32, #tpu.memory_space<vmem>> -> memref<128x32xf32, #tpu.memory_space<vmem>>
    %dma_start3A_182 = arith.constant 0 : i32
    %dma_start3A_183 = tpu.memref_slice %arg8[%dma_start3A_178, %dma_start3A_182] : memref<16x128xi32, #tpu.memory_space<vmem>> -> memref<1x128xi32, #tpu.memory_space<vmem>>
    %dma_start3A_184 = tpu.memref_squeeze %dma_start3A_183 : memref<1x128xi32, #tpu.memory_space<vmem>> -> memref<128xi32, #tpu.memory_space<vmem>>
    %dma_start3A_185 = arith.constant 0 : i32
    %dma_start3A_186 = arith.constant 0 : i32
    %dma_start3A_187 = tpu.memref_slice %arg2[%dma_start3A_185, %dma_start3A_186] : memref<8192x32xf32, #tpu.memory_space<hbm>> -> memref<8192x32xf32, #tpu.memory_space<hbm>>
    tpu.enqueue_indirect_dma source(%dma_start3A_187 : memref<8192x32xf32, #tpu.memory_space<hbm>>) target(%dma_start3A_181 : memref<128x32xf32, #tpu.memory_space<vmem>>) offsets(%dma_start3A_184 : memref<128xi32, #tpu.memory_space<vmem>>) semaphore(%arg12 : memref<!tpu.dma_semaphore, #tpu.memory_space<semaphore_mem>>)
    %dma_start3A_188 = arith.constant 7 : i32
    %dma_start3A_189 = arith.constant 896 : i32
    %dma_start3A_190 = arith.constant 0 : i32
    %dma_start3A_191 = tpu.memref_slice %arg9[%dma_start3A_189, %dma_start3A_190] : memref<1024x32xf32, #tpu.memory_space<vmem>> -> memref<128x32xf32, #tpu.memory_space<vmem>>
    %dma_start3A_192 = arith.constant 0 : i32
    %dma_start3A_193 = tpu.memref_slice %arg8[%dma_start3A_188, %dma_start3A_192] : memref<16x128xi32, #tpu.memory_space<vmem>> -> memref<1x128xi32, #tpu.memory_space<vmem>>
    %dma_start3A_194 = tpu.memref_squeeze %dma_start3A_193 : memref<1x128xi32, #tpu.memory_space<vmem>> -> memref<128xi32, #tpu.memory_space<vmem>>
    %dma_start3A_195 = arith.constant 0 : i32
    %dma_start3A_196 = arith.constant 0 : i32
    %dma_start3A_197 = tpu.memref_slice %arg2[%dma_start3A_195, %dma_start3A_196] : memref<8192x32xf32, #tpu.memory_space<hbm>> -> memref<8192x32xf32, #tpu.memory_space<hbm>>
    tpu.enqueue_indirect_dma source(%dma_start3A_197 : memref<8192x32xf32, #tpu.memory_space<hbm>>) target(%dma_start3A_191 : memref<128x32xf32, #tpu.memory_space<vmem>>) offsets(%dma_start3A_194 : memref<128xi32, #tpu.memory_space<vmem>>) semaphore(%arg12 : memref<!tpu.dma_semaphore, #tpu.memory_space<semaphore_mem>>)
    %dma_wait3A = arith.constant 0 : i32
    %dma_wait3A_198 = arith.constant 0 : i32
    %dma_wait3A_199 = arith.constant 0 : i32
    %dma_wait3A_200 = tpu.memref_slice %arg9[%dma_wait3A_198, %dma_wait3A_199] : memref<1024x32xf32, #tpu.memory_space<vmem>> -> memref<128x32xf32, #tpu.memory_space<vmem>>
    %dma_wait3A_201 = arith.constant 0 : i32
    %dma_wait3A_202 = tpu.memref_slice %arg8[%dma_wait3A, %dma_wait3A_201] : memref<16x128xi32, #tpu.memory_space<vmem>> -> memref<1x128xi32, #tpu.memory_space<vmem>>
    %dma_wait3A_203 = tpu.memref_squeeze %dma_wait3A_202 : memref<1x128xi32, #tpu.memory_space<vmem>> -> memref<128xi32, #tpu.memory_space<vmem>>
    %dma_wait3A_204 = arith.constant 0 : i32
    %dma_wait3A_205 = arith.constant 0 : i32
    %dma_wait3A_206 = tpu.memref_slice %arg2[%dma_wait3A_204, %dma_wait3A_205] : memref<8192x32xf32, #tpu.memory_space<hbm>> -> memref<8192x32xf32, #tpu.memory_space<hbm>>
    tpu.wait_indirect_dma semaphore(%arg12 : memref<!tpu.dma_semaphore, #tpu.memory_space<semaphore_mem>>) src(%dma_wait3A_206 : memref<8192x32xf32, #tpu.memory_space<hbm>>) dst(%dma_wait3A_200 : memref<128x32xf32, #tpu.memory_space<vmem>>)
    %dma_wait3A_207 = arith.constant 1 : i32
    %dma_wait3A_208 = arith.constant 128 : i32
    %dma_wait3A_209 = arith.constant 0 : i32
    %dma_wait3A_210 = tpu.memref_slice %arg9[%dma_wait3A_208, %dma_wait3A_209] : memref<1024x32xf32, #tpu.memory_space<vmem>> -> memref<128x32xf32, #tpu.memory_space<vmem>>
    %dma_wait3A_211 = arith.constant 0 : i32
    %dma_wait3A_212 = tpu.memref_slice %arg8[%dma_wait3A_207, %dma_wait3A_211] : memref<16x128xi32, #tpu.memory_space<vmem>> -> memref<1x128xi32, #tpu.memory_space<vmem>>
    %dma_wait3A_213 = tpu.memref_squeeze %dma_wait3A_212 : memref<1x128xi32, #tpu.memory_space<vmem>> -> memref<128xi32, #tpu.memory_space<vmem>>
    %dma_wait3A_214 = arith.constant 0 : i32
    %dma_wait3A_215 = arith.constant 0 : i32
    %dma_wait3A_216 = tpu.memref_slice %arg2[%dma_wait3A_214, %dma_wait3A_215] : memref<8192x32xf32, #tpu.memory_space<hbm>> -> memref<8192x32xf32, #tpu.memory_space<hbm>>
    tpu.wait_indirect_dma semaphore(%arg12 : memref<!tpu.dma_semaphore, #tpu.memory_space<semaphore_mem>>) src(%dma_wait3A_216 : memref<8192x32xf32, #tpu.memory_space<hbm>>) dst(%dma_wait3A_210 : memref<128x32xf32, #tpu.memory_space<vmem>>)
    %dma_wait3A_217 = arith.constant 2 : i32
    %dma_wait3A_218 = arith.constant 256 : i32
    %dma_wait3A_219 = arith.constant 0 : i32
    %dma_wait3A_220 = tpu.memref_slice %arg9[%dma_wait3A_218, %dma_wait3A_219] : memref<1024x32xf32, #tpu.memory_space<vmem>> -> memref<128x32xf32, #tpu.memory_space<vmem>>
    %dma_wait3A_221 = arith.constant 0 : i32
    %dma_wait3A_222 = tpu.memref_slice %arg8[%dma_wait3A_217, %dma_wait3A_221] : memref<16x128xi32, #tpu.memory_space<vmem>> -> memref<1x128xi32, #tpu.memory_space<vmem>>
    %dma_wait3A_223 = tpu.memref_squeeze %dma_wait3A_222 : memref<1x128xi32, #tpu.memory_space<vmem>> -> memref<128xi32, #tpu.memory_space<vmem>>
    %dma_wait3A_224 = arith.constant 0 : i32
    %dma_wait3A_225 = arith.constant 0 : i32
    %dma_wait3A_226 = tpu.memref_slice %arg2[%dma_wait3A_224, %dma_wait3A_225] : memref<8192x32xf32, #tpu.memory_space<hbm>> -> memref<8192x32xf32, #tpu.memory_space<hbm>>
    tpu.wait_indirect_dma semaphore(%arg12 : memref<!tpu.dma_semaphore, #tpu.memory_space<semaphore_mem>>) src(%dma_wait3A_226 : memref<8192x32xf32, #tpu.memory_space<hbm>>) dst(%dma_wait3A_220 : memref<128x32xf32, #tpu.memory_space<vmem>>)
    %dma_wait3A_227 = arith.constant 3 : i32
    %dma_wait3A_228 = arith.constant 384 : i32
    %dma_wait3A_229 = arith.constant 0 : i32
    %dma_wait3A_230 = tpu.memref_slice %arg9[%dma_wait3A_228, %dma_wait3A_229] : memref<1024x32xf32, #tpu.memory_space<vmem>> -> memref<128x32xf32, #tpu.memory_space<vmem>>
    %dma_wait3A_231 = arith.constant 0 : i32
    %dma_wait3A_232 = tpu.memref_slice %arg8[%dma_wait3A_227, %dma_wait3A_231] : memref<16x128xi32, #tpu.memory_space<vmem>> -> memref<1x128xi32, #tpu.memory_space<vmem>>
    %dma_wait3A_233 = tpu.memref_squeeze %dma_wait3A_232 : memref<1x128xi32, #tpu.memory_space<vmem>> -> memref<128xi32, #tpu.memory_space<vmem>>
    %dma_wait3A_234 = arith.constant 0 : i32
    %dma_wait3A_235 = arith.constant 0 : i32
    %dma_wait3A_236 = tpu.memref_slice %arg2[%dma_wait3A_234, %dma_wait3A_235] : memref<8192x32xf32, #tpu.memory_space<hbm>> -> memref<8192x32xf32, #tpu.memory_space<hbm>>
    tpu.wait_indirect_dma semaphore(%arg12 : memref<!tpu.dma_semaphore, #tpu.memory_space<semaphore_mem>>) src(%dma_wait3A_236 : memref<8192x32xf32, #tpu.memory_space<hbm>>) dst(%dma_wait3A_230 : memref<128x32xf32, #tpu.memory_space<vmem>>)
    %dma_wait3A_237 = arith.constant 4 : i32
    %dma_wait3A_238 = arith.constant 512 : i32
    %dma_wait3A_239 = arith.constant 0 : i32
    %dma_wait3A_240 = tpu.memref_slice %arg9[%dma_wait3A_238, %dma_wait3A_239] : memref<1024x32xf32, #tpu.memory_space<vmem>> -> memref<128x32xf32, #tpu.memory_space<vmem>>
    %dma_wait3A_241 = arith.constant 0 : i32
    %dma_wait3A_242 = tpu.memref_slice %arg8[%dma_wait3A_237, %dma_wait3A_241] : memref<16x128xi32, #tpu.memory_space<vmem>> -> memref<1x128xi32, #tpu.memory_space<vmem>>
    %dma_wait3A_243 = tpu.memref_squeeze %dma_wait3A_242 : memref<1x128xi32, #tpu.memory_space<vmem>> -> memref<128xi32, #tpu.memory_space<vmem>>
    %dma_wait3A_244 = arith.constant 0 : i32
    %dma_wait3A_245 = arith.constant 0 : i32
    %dma_wait3A_246 = tpu.memref_slice %arg2[%dma_wait3A_244, %dma_wait3A_245] : memref<8192x32xf32, #tpu.memory_space<hbm>> -> memref<8192x32xf32, #tpu.memory_space<hbm>>
    tpu.wait_indirect_dma semaphore(%arg12 : memref<!tpu.dma_semaphore, #tpu.memory_space<semaphore_mem>>) src(%dma_wait3A_246 : memref<8192x32xf32, #tpu.memory_space<hbm>>) dst(%dma_wait3A_240 : memref<128x32xf32, #tpu.memory_space<vmem>>)
    %dma_wait3A_247 = arith.constant 5 : i32
    %dma_wait3A_248 = arith.constant 640 : i32
    %dma_wait3A_249 = arith.constant 0 : i32
    %dma_wait3A_250 = tpu.memref_slice %arg9[%dma_wait3A_248, %dma_wait3A_249] : memref<1024x32xf32, #tpu.memory_space<vmem>> -> memref<128x32xf32, #tpu.memory_space<vmem>>
    %dma_wait3A_251 = arith.constant 0 : i32
    %dma_wait3A_252 = tpu.memref_slice %arg8[%dma_wait3A_247, %dma_wait3A_251] : memref<16x128xi32, #tpu.memory_space<vmem>> -> memref<1x128xi32, #tpu.memory_space<vmem>>
    %dma_wait3A_253 = tpu.memref_squeeze %dma_wait3A_252 : memref<1x128xi32, #tpu.memory_space<vmem>> -> memref<128xi32, #tpu.memory_space<vmem>>
    %dma_wait3A_254 = arith.constant 0 : i32
    %dma_wait3A_255 = arith.constant 0 : i32
    %dma_wait3A_256 = tpu.memref_slice %arg2[%dma_wait3A_254, %dma_wait3A_255] : memref<8192x32xf32, #tpu.memory_space<hbm>> -> memref<8192x32xf32, #tpu.memory_space<hbm>>
    tpu.wait_indirect_dma semaphore(%arg12 : memref<!tpu.dma_semaphore, #tpu.memory_space<semaphore_mem>>) src(%dma_wait3A_256 : memref<8192x32xf32, #tpu.memory_space<hbm>>) dst(%dma_wait3A_250 : memref<128x32xf32, #tpu.memory_space<vmem>>)
    %dma_wait3A_257 = arith.constant 6 : i32
    %dma_wait3A_258 = arith.constant 768 : i32
    %dma_wait3A_259 = arith.constant 0 : i32
    %dma_wait3A_260 = tpu.memref_slice %arg9[%dma_wait3A_258, %dma_wait3A_259] : memref<1024x32xf32, #tpu.memory_space<vmem>> -> memref<128x32xf32, #tpu.memory_space<vmem>>
    %dma_wait3A_261 = arith.constant 0 : i32
    %dma_wait3A_262 = tpu.memref_slice %arg8[%dma_wait3A_257, %dma_wait3A_261] : memref<16x128xi32, #tpu.memory_space<vmem>> -> memref<1x128xi32, #tpu.memory_space<vmem>>
    %dma_wait3A_263 = tpu.memref_squeeze %dma_wait3A_262 : memref<1x128xi32, #tpu.memory_space<vmem>> -> memref<128xi32, #tpu.memory_space<vmem>>
    %dma_wait3A_264 = arith.constant 0 : i32
    %dma_wait3A_265 = arith.constant 0 : i32
    %dma_wait3A_266 = tpu.memref_slice %arg2[%dma_wait3A_264, %dma_wait3A_265] : memref<8192x32xf32, #tpu.memory_space<hbm>> -> memref<8192x32xf32, #tpu.memory_space<hbm>>
    tpu.wait_indirect_dma semaphore(%arg12 : memref<!tpu.dma_semaphore, #tpu.memory_space<semaphore_mem>>) src(%dma_wait3A_266 : memref<8192x32xf32, #tpu.memory_space<hbm>>) dst(%dma_wait3A_260 : memref<128x32xf32, #tpu.memory_space<vmem>>)
    %dma_wait3A_267 = arith.constant 7 : i32
    %dma_wait3A_268 = arith.constant 896 : i32
    %dma_wait3A_269 = arith.constant 0 : i32
    %dma_wait3A_270 = tpu.memref_slice %arg9[%dma_wait3A_268, %dma_wait3A_269] : memref<1024x32xf32, #tpu.memory_space<vmem>> -> memref<128x32xf32, #tpu.memory_space<vmem>>
    %dma_wait3A_271 = arith.constant 0 : i32
    %dma_wait3A_272 = tpu.memref_slice %arg8[%dma_wait3A_267, %dma_wait3A_271] : memref<16x128xi32, #tpu.memory_space<vmem>> -> memref<1x128xi32, #tpu.memory_space<vmem>>
    %dma_wait3A_273 = tpu.memref_squeeze %dma_wait3A_272 : memref<1x128xi32, #tpu.memory_space<vmem>> -> memref<128xi32, #tpu.memory_space<vmem>>
    %dma_wait3A_274 = arith.constant 0 : i32
    %dma_wait3A_275 = arith.constant 0 : i32
    %dma_wait3A_276 = tpu.memref_slice %arg2[%dma_wait3A_274, %dma_wait3A_275] : memref<8192x32xf32, #tpu.memory_space<hbm>> -> memref<8192x32xf32, #tpu.memory_space<hbm>>
    tpu.wait_indirect_dma semaphore(%arg12 : memref<!tpu.dma_semaphore, #tpu.memory_space<semaphore_mem>>) src(%dma_wait3A_276 : memref<8192x32xf32, #tpu.memory_space<hbm>>) dst(%dma_wait3A_270 : memref<128x32xf32, #tpu.memory_space<vmem>>)
    %mul3A_277 = arith.constant 2048 : i32
    %mul3A_278 = arith.muli %add3A, %mul3A_277 : i32
    %add3A_279 = arith.constant 0 : i32
    %add3A_280 = arith.addi %mul3A_278, %add3A_279 : i32
    "tpu.region"() ({
      %run_scoped3A = tpu.sem_alloc : memref<!tpu.dma_semaphore, #tpu.memory_space<semaphore_mem>>
      %dma_start3A_560 = arith.constant 0 : i32
      %dma_start3A_561 = tpu.memref_slice %arg6[%add3A_280, %dma_start3A_560] : memref<65536x32xf32, #tpu.memory_space<hbm>> -> memref<1024x32xf32, #tpu.memory_space<hbm>>
      %dma_start3A_562 = arith.constant 0 : i32
      %dma_start3A_563 = tpu.memref_slice %arg6[%add3A_280, %dma_start3A_562] : memref<65536x32xf32, #tpu.memory_space<hbm>> -> memref<1024x32xf32, #tpu.memory_space<hbm>>
      tpu.enqueue_dma source(%arg9 : memref<1024x32xf32, #tpu.memory_space<vmem>>) target(%dma_start3A_563 : memref<1024x32xf32, #tpu.memory_space<hbm>>) target_semaphore(%run_scoped3A : memref<!tpu.dma_semaphore, #tpu.memory_space<semaphore_mem>>)
      %dma_wait3A_564 = arith.constant 0 : i32
      %dma_wait3A_565 = tpu.memref_slice %arg6[%add3A_280, %dma_wait3A_564] : memref<65536x32xf32, #tpu.memory_space<hbm>> -> memref<1024x32xf32, #tpu.memory_space<hbm>>
      %dma_wait3A_566 = arith.constant 0 : i32
      %dma_wait3A_567 = tpu.memref_slice %arg6[%add3A_280, %dma_wait3A_566] : memref<65536x32xf32, #tpu.memory_space<hbm>> -> memref<1024x32xf32, #tpu.memory_space<hbm>>
      tpu.wait_dma2 semaphore(%run_scoped3A : memref<!tpu.dma_semaphore, #tpu.memory_space<semaphore_mem>>) src(%arg9 : memref<1024x32xf32, #tpu.memory_space<vmem>>) dst(%dma_wait3A_567 : memref<1024x32xf32, #tpu.memory_space<hbm>>)
      tpu.yield
    }) : () -> ()
    %dma_start3A_281 = arith.constant 8 : i32
    %dma_start3A_282 = arith.constant 0 : i32
    %dma_start3A_283 = arith.constant 0 : i32
    %dma_start3A_284 = tpu.memref_slice %arg9[%dma_start3A_282, %dma_start3A_283] : memref<1024x32xf32, #tpu.memory_space<vmem>> -> memref<128x32xf32, #tpu.memory_space<vmem>>
    %dma_start3A_285 = arith.constant 0 : i32
    %dma_start3A_286 = tpu.memref_slice %arg8[%dma_start3A_281, %dma_start3A_285] : memref<16x128xi32, #tpu.memory_space<vmem>> -> memref<1x128xi32, #tpu.memory_space<vmem>>
    %dma_start3A_287 = tpu.memref_squeeze %dma_start3A_286 : memref<1x128xi32, #tpu.memory_space<vmem>> -> memref<128xi32, #tpu.memory_space<vmem>>
    %dma_start3A_288 = arith.constant 0 : i32
    %dma_start3A_289 = arith.constant 0 : i32
    %dma_start3A_290 = tpu.memref_slice %arg2[%dma_start3A_288, %dma_start3A_289] : memref<8192x32xf32, #tpu.memory_space<hbm>> -> memref<8192x32xf32, #tpu.memory_space<hbm>>
    tpu.enqueue_indirect_dma source(%dma_start3A_290 : memref<8192x32xf32, #tpu.memory_space<hbm>>) target(%dma_start3A_284 : memref<128x32xf32, #tpu.memory_space<vmem>>) offsets(%dma_start3A_287 : memref<128xi32, #tpu.memory_space<vmem>>) semaphore(%arg12 : memref<!tpu.dma_semaphore, #tpu.memory_space<semaphore_mem>>)
    %dma_start3A_291 = arith.constant 9 : i32
    %dma_start3A_292 = arith.constant 128 : i32
    %dma_start3A_293 = arith.constant 0 : i32
    %dma_start3A_294 = tpu.memref_slice %arg9[%dma_start3A_292, %dma_start3A_293] : memref<1024x32xf32, #tpu.memory_space<vmem>> -> memref<128x32xf32, #tpu.memory_space<vmem>>
    %dma_start3A_295 = arith.constant 0 : i32
    %dma_start3A_296 = tpu.memref_slice %arg8[%dma_start3A_291, %dma_start3A_295] : memref<16x128xi32, #tpu.memory_space<vmem>> -> memref<1x128xi32, #tpu.memory_space<vmem>>
    %dma_start3A_297 = tpu.memref_squeeze %dma_start3A_296 : memref<1x128xi32, #tpu.memory_space<vmem>> -> memref<128xi32, #tpu.memory_space<vmem>>
    %dma_start3A_298 = arith.constant 0 : i32
    %dma_start3A_299 = arith.constant 0 : i32
    %dma_start3A_300 = tpu.memref_slice %arg2[%dma_start3A_298, %dma_start3A_299] : memref<8192x32xf32, #tpu.memory_space<hbm>> -> memref<8192x32xf32, #tpu.memory_space<hbm>>
    tpu.enqueue_indirect_dma source(%dma_start3A_300 : memref<8192x32xf32, #tpu.memory_space<hbm>>) target(%dma_start3A_294 : memref<128x32xf32, #tpu.memory_space<vmem>>) offsets(%dma_start3A_297 : memref<128xi32, #tpu.memory_space<vmem>>) semaphore(%arg12 : memref<!tpu.dma_semaphore, #tpu.memory_space<semaphore_mem>>)
    %dma_start3A_301 = arith.constant 10 : i32
    %dma_start3A_302 = arith.constant 256 : i32
    %dma_start3A_303 = arith.constant 0 : i32
    %dma_start3A_304 = tpu.memref_slice %arg9[%dma_start3A_302, %dma_start3A_303] : memref<1024x32xf32, #tpu.memory_space<vmem>> -> memref<128x32xf32, #tpu.memory_space<vmem>>
    %dma_start3A_305 = arith.constant 0 : i32
    %dma_start3A_306 = tpu.memref_slice %arg8[%dma_start3A_301, %dma_start3A_305] : memref<16x128xi32, #tpu.memory_space<vmem>> -> memref<1x128xi32, #tpu.memory_space<vmem>>
    %dma_start3A_307 = tpu.memref_squeeze %dma_start3A_306 : memref<1x128xi32, #tpu.memory_space<vmem>> -> memref<128xi32, #tpu.memory_space<vmem>>
    %dma_start3A_308 = arith.constant 0 : i32
    %dma_start3A_309 = arith.constant 0 : i32
    %dma_start3A_310 = tpu.memref_slice %arg2[%dma_start3A_308, %dma_start3A_309] : memref<8192x32xf32, #tpu.memory_space<hbm>> -> memref<8192x32xf32, #tpu.memory_space<hbm>>
    tpu.enqueue_indirect_dma source(%dma_start3A_310 : memref<8192x32xf32, #tpu.memory_space<hbm>>) target(%dma_start3A_304 : memref<128x32xf32, #tpu.memory_space<vmem>>) offsets(%dma_start3A_307 : memref<128xi32, #tpu.memory_space<vmem>>) semaphore(%arg12 : memref<!tpu.dma_semaphore, #tpu.memory_space<semaphore_mem>>)
    %dma_start3A_311 = arith.constant 11 : i32
    %dma_start3A_312 = arith.constant 384 : i32
    %dma_start3A_313 = arith.constant 0 : i32
    %dma_start3A_314 = tpu.memref_slice %arg9[%dma_start3A_312, %dma_start3A_313] : memref<1024x32xf32, #tpu.memory_space<vmem>> -> memref<128x32xf32, #tpu.memory_space<vmem>>
    %dma_start3A_315 = arith.constant 0 : i32
    %dma_start3A_316 = tpu.memref_slice %arg8[%dma_start3A_311, %dma_start3A_315] : memref<16x128xi32, #tpu.memory_space<vmem>> -> memref<1x128xi32, #tpu.memory_space<vmem>>
    %dma_start3A_317 = tpu.memref_squeeze %dma_start3A_316 : memref<1x128xi32, #tpu.memory_space<vmem>> -> memref<128xi32, #tpu.memory_space<vmem>>
    %dma_start3A_318 = arith.constant 0 : i32
    %dma_start3A_319 = arith.constant 0 : i32
    %dma_start3A_320 = tpu.memref_slice %arg2[%dma_start3A_318, %dma_start3A_319] : memref<8192x32xf32, #tpu.memory_space<hbm>> -> memref<8192x32xf32, #tpu.memory_space<hbm>>
    tpu.enqueue_indirect_dma source(%dma_start3A_320 : memref<8192x32xf32, #tpu.memory_space<hbm>>) target(%dma_start3A_314 : memref<128x32xf32, #tpu.memory_space<vmem>>) offsets(%dma_start3A_317 : memref<128xi32, #tpu.memory_space<vmem>>) semaphore(%arg12 : memref<!tpu.dma_semaphore, #tpu.memory_space<semaphore_mem>>)
    %dma_start3A_321 = arith.constant 12 : i32
    %dma_start3A_322 = arith.constant 512 : i32
    %dma_start3A_323 = arith.constant 0 : i32
    %dma_start3A_324 = tpu.memref_slice %arg9[%dma_start3A_322, %dma_start3A_323] : memref<1024x32xf32, #tpu.memory_space<vmem>> -> memref<128x32xf32, #tpu.memory_space<vmem>>
    %dma_start3A_325 = arith.constant 0 : i32
    %dma_start3A_326 = tpu.memref_slice %arg8[%dma_start3A_321, %dma_start3A_325] : memref<16x128xi32, #tpu.memory_space<vmem>> -> memref<1x128xi32, #tpu.memory_space<vmem>>
    %dma_start3A_327 = tpu.memref_squeeze %dma_start3A_326 : memref<1x128xi32, #tpu.memory_space<vmem>> -> memref<128xi32, #tpu.memory_space<vmem>>
    %dma_start3A_328 = arith.constant 0 : i32
    %dma_start3A_329 = arith.constant 0 : i32
    %dma_start3A_330 = tpu.memref_slice %arg2[%dma_start3A_328, %dma_start3A_329] : memref<8192x32xf32, #tpu.memory_space<hbm>> -> memref<8192x32xf32, #tpu.memory_space<hbm>>
    tpu.enqueue_indirect_dma source(%dma_start3A_330 : memref<8192x32xf32, #tpu.memory_space<hbm>>) target(%dma_start3A_324 : memref<128x32xf32, #tpu.memory_space<vmem>>) offsets(%dma_start3A_327 : memref<128xi32, #tpu.memory_space<vmem>>) semaphore(%arg12 : memref<!tpu.dma_semaphore, #tpu.memory_space<semaphore_mem>>)
    %dma_start3A_331 = arith.constant 13 : i32
    %dma_start3A_332 = arith.constant 640 : i32
    %dma_start3A_333 = arith.constant 0 : i32
    %dma_start3A_334 = tpu.memref_slice %arg9[%dma_start3A_332, %dma_start3A_333] : memref<1024x32xf32, #tpu.memory_space<vmem>> -> memref<128x32xf32, #tpu.memory_space<vmem>>
    %dma_start3A_335 = arith.constant 0 : i32
    %dma_start3A_336 = tpu.memref_slice %arg8[%dma_start3A_331, %dma_start3A_335] : memref<16x128xi32, #tpu.memory_space<vmem>> -> memref<1x128xi32, #tpu.memory_space<vmem>>
    %dma_start3A_337 = tpu.memref_squeeze %dma_start3A_336 : memref<1x128xi32, #tpu.memory_space<vmem>> -> memref<128xi32, #tpu.memory_space<vmem>>
    %dma_start3A_338 = arith.constant 0 : i32
    %dma_start3A_339 = arith.constant 0 : i32
    %dma_start3A_340 = tpu.memref_slice %arg2[%dma_start3A_338, %dma_start3A_339] : memref<8192x32xf32, #tpu.memory_space<hbm>> -> memref<8192x32xf32, #tpu.memory_space<hbm>>
    tpu.enqueue_indirect_dma source(%dma_start3A_340 : memref<8192x32xf32, #tpu.memory_space<hbm>>) target(%dma_start3A_334 : memref<128x32xf32, #tpu.memory_space<vmem>>) offsets(%dma_start3A_337 : memref<128xi32, #tpu.memory_space<vmem>>) semaphore(%arg12 : memref<!tpu.dma_semaphore, #tpu.memory_space<semaphore_mem>>)
    %dma_start3A_341 = arith.constant 14 : i32
    %dma_start3A_342 = arith.constant 768 : i32
    %dma_start3A_343 = arith.constant 0 : i32
    %dma_start3A_344 = tpu.memref_slice %arg9[%dma_start3A_342, %dma_start3A_343] : memref<1024x32xf32, #tpu.memory_space<vmem>> -> memref<128x32xf32, #tpu.memory_space<vmem>>
    %dma_start3A_345 = arith.constant 0 : i32
    %dma_start3A_346 = tpu.memref_slice %arg8[%dma_start3A_341, %dma_start3A_345] : memref<16x128xi32, #tpu.memory_space<vmem>> -> memref<1x128xi32, #tpu.memory_space<vmem>>
    %dma_start3A_347 = tpu.memref_squeeze %dma_start3A_346 : memref<1x128xi32, #tpu.memory_space<vmem>> -> memref<128xi32, #tpu.memory_space<vmem>>
    %dma_start3A_348 = arith.constant 0 : i32
    %dma_start3A_349 = arith.constant 0 : i32
    %dma_start3A_350 = tpu.memref_slice %arg2[%dma_start3A_348, %dma_start3A_349] : memref<8192x32xf32, #tpu.memory_space<hbm>> -> memref<8192x32xf32, #tpu.memory_space<hbm>>
    tpu.enqueue_indirect_dma source(%dma_start3A_350 : memref<8192x32xf32, #tpu.memory_space<hbm>>) target(%dma_start3A_344 : memref<128x32xf32, #tpu.memory_space<vmem>>) offsets(%dma_start3A_347 : memref<128xi32, #tpu.memory_space<vmem>>) semaphore(%arg12 : memref<!tpu.dma_semaphore, #tpu.memory_space<semaphore_mem>>)
    %dma_start3A_351 = arith.constant 15 : i32
    %dma_start3A_352 = arith.constant 896 : i32
    %dma_start3A_353 = arith.constant 0 : i32
    %dma_start3A_354 = tpu.memref_slice %arg9[%dma_start3A_352, %dma_start3A_353] : memref<1024x32xf32, #tpu.memory_space<vmem>> -> memref<128x32xf32, #tpu.memory_space<vmem>>
    %dma_start3A_355 = arith.constant 0 : i32
    %dma_start3A_356 = tpu.memref_slice %arg8[%dma_start3A_351, %dma_start3A_355] : memref<16x128xi32, #tpu.memory_space<vmem>> -> memref<1x128xi32, #tpu.memory_space<vmem>>
    %dma_start3A_357 = tpu.memref_squeeze %dma_start3A_356 : memref<1x128xi32, #tpu.memory_space<vmem>> -> memref<128xi32, #tpu.memory_space<vmem>>
    %dma_start3A_358 = arith.constant 0 : i32
    %dma_start3A_359 = arith.constant 0 : i32
    %dma_start3A_360 = tpu.memref_slice %arg2[%dma_start3A_358, %dma_start3A_359] : memref<8192x32xf32, #tpu.memory_space<hbm>> -> memref<8192x32xf32, #tpu.memory_space<hbm>>
    tpu.enqueue_indirect_dma source(%dma_start3A_360 : memref<8192x32xf32, #tpu.memory_space<hbm>>) target(%dma_start3A_354 : memref<128x32xf32, #tpu.memory_space<vmem>>) offsets(%dma_start3A_357 : memref<128xi32, #tpu.memory_space<vmem>>) semaphore(%arg12 : memref<!tpu.dma_semaphore, #tpu.memory_space<semaphore_mem>>)
    %dma_wait3A_361 = arith.constant 8 : i32
    %dma_wait3A_362 = arith.constant 0 : i32
    %dma_wait3A_363 = arith.constant 0 : i32
    %dma_wait3A_364 = tpu.memref_slice %arg9[%dma_wait3A_362, %dma_wait3A_363] : memref<1024x32xf32, #tpu.memory_space<vmem>> -> memref<128x32xf32, #tpu.memory_space<vmem>>
    %dma_wait3A_365 = arith.constant 0 : i32
    %dma_wait3A_366 = tpu.memref_slice %arg8[%dma_wait3A_361, %dma_wait3A_365] : memref<16x128xi32, #tpu.memory_space<vmem>> -> memref<1x128xi32, #tpu.memory_space<vmem>>
    %dma_wait3A_367 = tpu.memref_squeeze %dma_wait3A_366 : memref<1x128xi32, #tpu.memory_space<vmem>> -> memref<128xi32, #tpu.memory_space<vmem>>
    %dma_wait3A_368 = arith.constant 0 : i32
    %dma_wait3A_369 = arith.constant 0 : i32
    %dma_wait3A_370 = tpu.memref_slice %arg2[%dma_wait3A_368, %dma_wait3A_369] : memref<8192x32xf32, #tpu.memory_space<hbm>> -> memref<8192x32xf32, #tpu.memory_space<hbm>>
    tpu.wait_indirect_dma semaphore(%arg12 : memref<!tpu.dma_semaphore, #tpu.memory_space<semaphore_mem>>) src(%dma_wait3A_370 : memref<8192x32xf32, #tpu.memory_space<hbm>>) dst(%dma_wait3A_364 : memref<128x32xf32, #tpu.memory_space<vmem>>)
    %dma_wait3A_371 = arith.constant 9 : i32
    %dma_wait3A_372 = arith.constant 128 : i32
    %dma_wait3A_373 = arith.constant 0 : i32
    %dma_wait3A_374 = tpu.memref_slice %arg9[%dma_wait3A_372, %dma_wait3A_373] : memref<1024x32xf32, #tpu.memory_space<vmem>> -> memref<128x32xf32, #tpu.memory_space<vmem>>
    %dma_wait3A_375 = arith.constant 0 : i32
    %dma_wait3A_376 = tpu.memref_slice %arg8[%dma_wait3A_371, %dma_wait3A_375] : memref<16x128xi32, #tpu.memory_space<vmem>> -> memref<1x128xi32, #tpu.memory_space<vmem>>
    %dma_wait3A_377 = tpu.memref_squeeze %dma_wait3A_376 : memref<1x128xi32, #tpu.memory_space<vmem>> -> memref<128xi32, #tpu.memory_space<vmem>>
    %dma_wait3A_378 = arith.constant 0 : i32
    %dma_wait3A_379 = arith.constant 0 : i32
    %dma_wait3A_380 = tpu.memref_slice %arg2[%dma_wait3A_378, %dma_wait3A_379] : memref<8192x32xf32, #tpu.memory_space<hbm>> -> memref<8192x32xf32, #tpu.memory_space<hbm>>
    tpu.wait_indirect_dma semaphore(%arg12 : memref<!tpu.dma_semaphore, #tpu.memory_space<semaphore_mem>>) src(%dma_wait3A_380 : memref<8192x32xf32, #tpu.memory_space<hbm>>) dst(%dma_wait3A_374 : memref<128x32xf32, #tpu.memory_space<vmem>>)
    %dma_wait3A_381 = arith.constant 10 : i32
    %dma_wait3A_382 = arith.constant 256 : i32
    %dma_wait3A_383 = arith.constant 0 : i32
    %dma_wait3A_384 = tpu.memref_slice %arg9[%dma_wait3A_382, %dma_wait3A_383] : memref<1024x32xf32, #tpu.memory_space<vmem>> -> memref<128x32xf32, #tpu.memory_space<vmem>>
    %dma_wait3A_385 = arith.constant 0 : i32
    %dma_wait3A_386 = tpu.memref_slice %arg8[%dma_wait3A_381, %dma_wait3A_385] : memref<16x128xi32, #tpu.memory_space<vmem>> -> memref<1x128xi32, #tpu.memory_space<vmem>>
    %dma_wait3A_387 = tpu.memref_squeeze %dma_wait3A_386 : memref<1x128xi32, #tpu.memory_space<vmem>> -> memref<128xi32, #tpu.memory_space<vmem>>
    %dma_wait3A_388 = arith.constant 0 : i32
    %dma_wait3A_389 = arith.constant 0 : i32
    %dma_wait3A_390 = tpu.memref_slice %arg2[%dma_wait3A_388, %dma_wait3A_389] : memref<8192x32xf32, #tpu.memory_space<hbm>> -> memref<8192x32xf32, #tpu.memory_space<hbm>>
    tpu.wait_indirect_dma semaphore(%arg12 : memref<!tpu.dma_semaphore, #tpu.memory_space<semaphore_mem>>) src(%dma_wait3A_390 : memref<8192x32xf32, #tpu.memory_space<hbm>>) dst(%dma_wait3A_384 : memref<128x32xf32, #tpu.memory_space<vmem>>)
    %dma_wait3A_391 = arith.constant 11 : i32
    %dma_wait3A_392 = arith.constant 384 : i32
    %dma_wait3A_393 = arith.constant 0 : i32
    %dma_wait3A_394 = tpu.memref_slice %arg9[%dma_wait3A_392, %dma_wait3A_393] : memref<1024x32xf32, #tpu.memory_space<vmem>> -> memref<128x32xf32, #tpu.memory_space<vmem>>
    %dma_wait3A_395 = arith.constant 0 : i32
    %dma_wait3A_396 = tpu.memref_slice %arg8[%dma_wait3A_391, %dma_wait3A_395] : memref<16x128xi32, #tpu.memory_space<vmem>> -> memref<1x128xi32, #tpu.memory_space<vmem>>
    %dma_wait3A_397 = tpu.memref_squeeze %dma_wait3A_396 : memref<1x128xi32, #tpu.memory_space<vmem>> -> memref<128xi32, #tpu.memory_space<vmem>>
    %dma_wait3A_398 = arith.constant 0 : i32
    %dma_wait3A_399 = arith.constant 0 : i32
    %dma_wait3A_400 = tpu.memref_slice %arg2[%dma_wait3A_398, %dma_wait3A_399] : memref<8192x32xf32, #tpu.memory_space<hbm>> -> memref<8192x32xf32, #tpu.memory_space<hbm>>
    tpu.wait_indirect_dma semaphore(%arg12 : memref<!tpu.dma_semaphore, #tpu.memory_space<semaphore_mem>>) src(%dma_wait3A_400 : memref<8192x32xf32, #tpu.memory_space<hbm>>) dst(%dma_wait3A_394 : memref<128x32xf32, #tpu.memory_space<vmem>>)
    %dma_wait3A_401 = arith.constant 12 : i32
    %dma_wait3A_402 = arith.constant 512 : i32
    %dma_wait3A_403 = arith.constant 0 : i32
    %dma_wait3A_404 = tpu.memref_slice %arg9[%dma_wait3A_402, %dma_wait3A_403] : memref<1024x32xf32, #tpu.memory_space<vmem>> -> memref<128x32xf32, #tpu.memory_space<vmem>>
    %dma_wait3A_405 = arith.constant 0 : i32
    %dma_wait3A_406 = tpu.memref_slice %arg8[%dma_wait3A_401, %dma_wait3A_405] : memref<16x128xi32, #tpu.memory_space<vmem>> -> memref<1x128xi32, #tpu.memory_space<vmem>>
    %dma_wait3A_407 = tpu.memref_squeeze %dma_wait3A_406 : memref<1x128xi32, #tpu.memory_space<vmem>> -> memref<128xi32, #tpu.memory_space<vmem>>
    %dma_wait3A_408 = arith.constant 0 : i32
    %dma_wait3A_409 = arith.constant 0 : i32
    %dma_wait3A_410 = tpu.memref_slice %arg2[%dma_wait3A_408, %dma_wait3A_409] : memref<8192x32xf32, #tpu.memory_space<hbm>> -> memref<8192x32xf32, #tpu.memory_space<hbm>>
    tpu.wait_indirect_dma semaphore(%arg12 : memref<!tpu.dma_semaphore, #tpu.memory_space<semaphore_mem>>) src(%dma_wait3A_410 : memref<8192x32xf32, #tpu.memory_space<hbm>>) dst(%dma_wait3A_404 : memref<128x32xf32, #tpu.memory_space<vmem>>)
    %dma_wait3A_411 = arith.constant 13 : i32
    %dma_wait3A_412 = arith.constant 640 : i32
    %dma_wait3A_413 = arith.constant 0 : i32
    %dma_wait3A_414 = tpu.memref_slice %arg9[%dma_wait3A_412, %dma_wait3A_413] : memref<1024x32xf32, #tpu.memory_space<vmem>> -> memref<128x32xf32, #tpu.memory_space<vmem>>
    %dma_wait3A_415 = arith.constant 0 : i32
    %dma_wait3A_416 = tpu.memref_slice %arg8[%dma_wait3A_411, %dma_wait3A_415] : memref<16x128xi32, #tpu.memory_space<vmem>> -> memref<1x128xi32, #tpu.memory_space<vmem>>
    %dma_wait3A_417 = tpu.memref_squeeze %dma_wait3A_416 : memref<1x128xi32, #tpu.memory_space<vmem>> -> memref<128xi32, #tpu.memory_space<vmem>>
    %dma_wait3A_418 = arith.constant 0 : i32
    %dma_wait3A_419 = arith.constant 0 : i32
    %dma_wait3A_420 = tpu.memref_slice %arg2[%dma_wait3A_418, %dma_wait3A_419] : memref<8192x32xf32, #tpu.memory_space<hbm>> -> memref<8192x32xf32, #tpu.memory_space<hbm>>
    tpu.wait_indirect_dma semaphore(%arg12 : memref<!tpu.dma_semaphore, #tpu.memory_space<semaphore_mem>>) src(%dma_wait3A_420 : memref<8192x32xf32, #tpu.memory_space<hbm>>) dst(%dma_wait3A_414 : memref<128x32xf32, #tpu.memory_space<vmem>>)
    %dma_wait3A_421 = arith.constant 14 : i32
    %dma_wait3A_422 = arith.constant 768 : i32
    %dma_wait3A_423 = arith.constant 0 : i32
    %dma_wait3A_424 = tpu.memref_slice %arg9[%dma_wait3A_422, %dma_wait3A_423] : memref<1024x32xf32, #tpu.memory_space<vmem>> -> memref<128x32xf32, #tpu.memory_space<vmem>>
    %dma_wait3A_425 = arith.constant 0 : i32
    %dma_wait3A_426 = tpu.memref_slice %arg8[%dma_wait3A_421, %dma_wait3A_425] : memref<16x128xi32, #tpu.memory_space<vmem>> -> memref<1x128xi32, #tpu.memory_space<vmem>>
    %dma_wait3A_427 = tpu.memref_squeeze %dma_wait3A_426 : memref<1x128xi32, #tpu.memory_space<vmem>> -> memref<128xi32, #tpu.memory_space<vmem>>
    %dma_wait3A_428 = arith.constant 0 : i32
    %dma_wait3A_429 = arith.constant 0 : i32
    %dma_wait3A_430 = tpu.memref_slice %arg2[%dma_wait3A_428, %dma_wait3A_429] : memref<8192x32xf32, #tpu.memory_space<hbm>> -> memref<8192x32xf32, #tpu.memory_space<hbm>>
    tpu.wait_indirect_dma semaphore(%arg12 : memref<!tpu.dma_semaphore, #tpu.memory_space<semaphore_mem>>) src(%dma_wait3A_430 : memref<8192x32xf32, #tpu.memory_space<hbm>>) dst(%dma_wait3A_424 : memref<128x32xf32, #tpu.memory_space<vmem>>)
    %dma_wait3A_431 = arith.constant 15 : i32
    %dma_wait3A_432 = arith.constant 896 : i32
    %dma_wait3A_433 = arith.constant 0 : i32
    %dma_wait3A_434 = tpu.memref_slice %arg9[%dma_wait3A_432, %dma_wait3A_433] : memref<1024x32xf32, #tpu.memory_space<vmem>> -> memref<128x32xf32, #tpu.memory_space<vmem>>
    %dma_wait3A_435 = arith.constant 0 : i32
    %dma_wait3A_436 = tpu.memref_slice %arg8[%dma_wait3A_431, %dma_wait3A_435] : memref<16x128xi32, #tpu.memory_space<vmem>> -> memref<1x128xi32, #tpu.memory_space<vmem>>
    %dma_wait3A_437 = tpu.memref_squeeze %dma_wait3A_436 : memref<1x128xi32, #tpu.memory_space<vmem>> -> memref<128xi32, #tpu.memory_space<vmem>>
    %dma_wait3A_438 = arith.constant 0 : i32
    %dma_wait3A_439 = arith.constant 0 : i32
    %dma_wait3A_440 = tpu.memref_slice %arg2[%dma_wait3A_438, %dma_wait3A_439] : memref<8192x32xf32, #tpu.memory_space<hbm>> -> memref<8192x32xf32, #tpu.memory_space<hbm>>
    tpu.wait_indirect_dma semaphore(%arg12 : memref<!tpu.dma_semaphore, #tpu.memory_space<semaphore_mem>>) src(%dma_wait3A_440 : memref<8192x32xf32, #tpu.memory_space<hbm>>) dst(%dma_wait3A_434 : memref<128x32xf32, #tpu.memory_space<vmem>>)
    %mul3A_441 = arith.constant 2048 : i32
    %mul3A_442 = arith.muli %add3A, %mul3A_441 : i32
    %add3A_443 = arith.constant 1024 : i32
    %add3A_444 = arith.addi %mul3A_442, %add3A_443 : i32
    "tpu.region"() ({
      %run_scoped3A = tpu.sem_alloc : memref<!tpu.dma_semaphore, #tpu.memory_space<semaphore_mem>>
      %dma_start3A_560 = arith.constant 0 : i32
      %dma_start3A_561 = tpu.memref_slice %arg6[%add3A_444, %dma_start3A_560] : memref<65536x32xf32, #tpu.memory_space<hbm>> -> memref<1024x32xf32, #tpu.memory_space<hbm>>
      %dma_start3A_562 = arith.constant 0 : i32
      %dma_start3A_563 = tpu.memref_slice %arg6[%add3A_444, %dma_start3A_562] : memref<65536x32xf32, #tpu.memory_space<hbm>> -> memref<1024x32xf32, #tpu.memory_space<hbm>>
      tpu.enqueue_dma source(%arg9 : memref<1024x32xf32, #tpu.memory_space<vmem>>) target(%dma_start3A_563 : memref<1024x32xf32, #tpu.memory_space<hbm>>) target_semaphore(%run_scoped3A : memref<!tpu.dma_semaphore, #tpu.memory_space<semaphore_mem>>)
      %dma_wait3A_564 = arith.constant 0 : i32
      %dma_wait3A_565 = tpu.memref_slice %arg6[%add3A_444, %dma_wait3A_564] : memref<65536x32xf32, #tpu.memory_space<hbm>> -> memref<1024x32xf32, #tpu.memory_space<hbm>>
      %dma_wait3A_566 = arith.constant 0 : i32
      %dma_wait3A_567 = tpu.memref_slice %arg6[%add3A_444, %dma_wait3A_566] : memref<65536x32xf32, #tpu.memory_space<hbm>> -> memref<1024x32xf32, #tpu.memory_space<hbm>>
      tpu.wait_dma2 semaphore(%run_scoped3A : memref<!tpu.dma_semaphore, #tpu.memory_space<semaphore_mem>>) src(%arg9 : memref<1024x32xf32, #tpu.memory_space<vmem>>) dst(%dma_wait3A_567 : memref<1024x32xf32, #tpu.memory_space<hbm>>)
      tpu.yield
    }) : () -> ()
    %dma_wait3A_445 = arith.constant 0 : i32
    %dma_wait3A_446 = arith.constant 0 : i32
    %dma_wait3A_447 = tpu.memref_slice %arg8[%dma_wait3A_445, %dma_wait3A_446] : memref<16x128xi32, #tpu.memory_space<vmem>> -> memref<1x128xi32, #tpu.memory_space<vmem>>
    %dma_wait3A_448 = tpu.memref_squeeze %dma_wait3A_447 : memref<1x128xi32, #tpu.memory_space<vmem>> -> memref<128xi32, #tpu.memory_space<vmem>>
    %dma_wait3A_449 = arith.constant 0 : i32
    %dma_wait3A_450 = arith.constant 0 : i32
    %dma_wait3A_451 = tpu.memref_slice %arg11[%dma_wait3A_449, %dma_wait3A_450] : memref<8192x8xf32, #tpu.memory_space<vmem_shared>> -> memref<8192x8xf32, #tpu.memory_space<vmem_shared>>
    tpu.wait_indirect_dma semaphore(%arg13 : memref<!tpu.dma_semaphore, #tpu.memory_space<semaphore_mem>>) src(%arg10 : memref<128x8xf32, #tpu.memory_space<vmem>>) dst(%dma_wait3A_451 : memref<8192x8xf32, #tpu.memory_space<vmem_shared>>)
    %dma_wait3A_452 = arith.constant 1 : i32
    %dma_wait3A_453 = arith.constant 0 : i32
    %dma_wait3A_454 = tpu.memref_slice %arg8[%dma_wait3A_452, %dma_wait3A_453] : memref<16x128xi32, #tpu.memory_space<vmem>> -> memref<1x128xi32, #tpu.memory_space<vmem>>
    %dma_wait3A_455 = tpu.memref_squeeze %dma_wait3A_454 : memref<1x128xi32, #tpu.memory_space<vmem>> -> memref<128xi32, #tpu.memory_space<vmem>>
    %dma_wait3A_456 = arith.constant 0 : i32
    %dma_wait3A_457 = arith.constant 0 : i32
    %dma_wait3A_458 = tpu.memref_slice %arg11[%dma_wait3A_456, %dma_wait3A_457] : memref<8192x8xf32, #tpu.memory_space<vmem_shared>> -> memref<8192x8xf32, #tpu.memory_space<vmem_shared>>
    tpu.wait_indirect_dma semaphore(%arg13 : memref<!tpu.dma_semaphore, #tpu.memory_space<semaphore_mem>>) src(%arg10 : memref<128x8xf32, #tpu.memory_space<vmem>>) dst(%dma_wait3A_458 : memref<8192x8xf32, #tpu.memory_space<vmem_shared>>)
    %dma_wait3A_459 = arith.constant 2 : i32
    %dma_wait3A_460 = arith.constant 0 : i32
    %dma_wait3A_461 = tpu.memref_slice %arg8[%dma_wait3A_459, %dma_wait3A_460] : memref<16x128xi32, #tpu.memory_space<vmem>> -> memref<1x128xi32, #tpu.memory_space<vmem>>
    %dma_wait3A_462 = tpu.memref_squeeze %dma_wait3A_461 : memref<1x128xi32, #tpu.memory_space<vmem>> -> memref<128xi32, #tpu.memory_space<vmem>>
    %dma_wait3A_463 = arith.constant 0 : i32
    %dma_wait3A_464 = arith.constant 0 : i32
    %dma_wait3A_465 = tpu.memref_slice %arg11[%dma_wait3A_463, %dma_wait3A_464] : memref<8192x8xf32, #tpu.memory_space<vmem_shared>> -> memref<8192x8xf32, #tpu.memory_space<vmem_shared>>
    tpu.wait_indirect_dma semaphore(%arg13 : memref<!tpu.dma_semaphore, #tpu.memory_space<semaphore_mem>>) src(%arg10 : memref<128x8xf32, #tpu.memory_space<vmem>>) dst(%dma_wait3A_465 : memref<8192x8xf32, #tpu.memory_space<vmem_shared>>)
    %dma_wait3A_466 = arith.constant 3 : i32
    %dma_wait3A_467 = arith.constant 0 : i32
    %dma_wait3A_468 = tpu.memref_slice %arg8[%dma_wait3A_466, %dma_wait3A_467] : memref<16x128xi32, #tpu.memory_space<vmem>> -> memref<1x128xi32, #tpu.memory_space<vmem>>
    %dma_wait3A_469 = tpu.memref_squeeze %dma_wait3A_468 : memref<1x128xi32, #tpu.memory_space<vmem>> -> memref<128xi32, #tpu.memory_space<vmem>>
    %dma_wait3A_470 = arith.constant 0 : i32
    %dma_wait3A_471 = arith.constant 0 : i32
    %dma_wait3A_472 = tpu.memref_slice %arg11[%dma_wait3A_470, %dma_wait3A_471] : memref<8192x8xf32, #tpu.memory_space<vmem_shared>> -> memref<8192x8xf32, #tpu.memory_space<vmem_shared>>
    tpu.wait_indirect_dma semaphore(%arg13 : memref<!tpu.dma_semaphore, #tpu.memory_space<semaphore_mem>>) src(%arg10 : memref<128x8xf32, #tpu.memory_space<vmem>>) dst(%dma_wait3A_472 : memref<8192x8xf32, #tpu.memory_space<vmem_shared>>)
    %dma_wait3A_473 = arith.constant 4 : i32
    %dma_wait3A_474 = arith.constant 0 : i32
    %dma_wait3A_475 = tpu.memref_slice %arg8[%dma_wait3A_473, %dma_wait3A_474] : memref<16x128xi32, #tpu.memory_space<vmem>> -> memref<1x128xi32, #tpu.memory_space<vmem>>
    %dma_wait3A_476 = tpu.memref_squeeze %dma_wait3A_475 : memref<1x128xi32, #tpu.memory_space<vmem>> -> memref<128xi32, #tpu.memory_space<vmem>>
    %dma_wait3A_477 = arith.constant 0 : i32
    %dma_wait3A_478 = arith.constant 0 : i32
    %dma_wait3A_479 = tpu.memref_slice %arg11[%dma_wait3A_477, %dma_wait3A_478] : memref<8192x8xf32, #tpu.memory_space<vmem_shared>> -> memref<8192x8xf32, #tpu.memory_space<vmem_shared>>
    tpu.wait_indirect_dma semaphore(%arg13 : memref<!tpu.dma_semaphore, #tpu.memory_space<semaphore_mem>>) src(%arg10 : memref<128x8xf32, #tpu.memory_space<vmem>>) dst(%dma_wait3A_479 : memref<8192x8xf32, #tpu.memory_space<vmem_shared>>)
    %dma_wait3A_480 = arith.constant 5 : i32
    %dma_wait3A_481 = arith.constant 0 : i32
    %dma_wait3A_482 = tpu.memref_slice %arg8[%dma_wait3A_480, %dma_wait3A_481] : memref<16x128xi32, #tpu.memory_space<vmem>> -> memref<1x128xi32, #tpu.memory_space<vmem>>
    %dma_wait3A_483 = tpu.memref_squeeze %dma_wait3A_482 : memref<1x128xi32, #tpu.memory_space<vmem>> -> memref<128xi32, #tpu.memory_space<vmem>>
    %dma_wait3A_484 = arith.constant 0 : i32
    %dma_wait3A_485 = arith.constant 0 : i32
    %dma_wait3A_486 = tpu.memref_slice %arg11[%dma_wait3A_484, %dma_wait3A_485] : memref<8192x8xf32, #tpu.memory_space<vmem_shared>> -> memref<8192x8xf32, #tpu.memory_space<vmem_shared>>
    tpu.wait_indirect_dma semaphore(%arg13 : memref<!tpu.dma_semaphore, #tpu.memory_space<semaphore_mem>>) src(%arg10 : memref<128x8xf32, #tpu.memory_space<vmem>>) dst(%dma_wait3A_486 : memref<8192x8xf32, #tpu.memory_space<vmem_shared>>)
    %dma_wait3A_487 = arith.constant 6 : i32
    %dma_wait3A_488 = arith.constant 0 : i32
    %dma_wait3A_489 = tpu.memref_slice %arg8[%dma_wait3A_487, %dma_wait3A_488] : memref<16x128xi32, #tpu.memory_space<vmem>> -> memref<1x128xi32, #tpu.memory_space<vmem>>
    %dma_wait3A_490 = tpu.memref_squeeze %dma_wait3A_489 : memref<1x128xi32, #tpu.memory_space<vmem>> -> memref<128xi32, #tpu.memory_space<vmem>>
    %dma_wait3A_491 = arith.constant 0 : i32
    %dma_wait3A_492 = arith.constant 0 : i32
    %dma_wait3A_493 = tpu.memref_slice %arg11[%dma_wait3A_491, %dma_wait3A_492] : memref<8192x8xf32, #tpu.memory_space<vmem_shared>> -> memref<8192x8xf32, #tpu.memory_space<vmem_shared>>
    tpu.wait_indirect_dma semaphore(%arg13 : memref<!tpu.dma_semaphore, #tpu.memory_space<semaphore_mem>>) src(%arg10 : memref<128x8xf32, #tpu.memory_space<vmem>>) dst(%dma_wait3A_493 : memref<8192x8xf32, #tpu.memory_space<vmem_shared>>)
    %dma_wait3A_494 = arith.constant 7 : i32
    %dma_wait3A_495 = arith.constant 0 : i32
    %dma_wait3A_496 = tpu.memref_slice %arg8[%dma_wait3A_494, %dma_wait3A_495] : memref<16x128xi32, #tpu.memory_space<vmem>> -> memref<1x128xi32, #tpu.memory_space<vmem>>
    %dma_wait3A_497 = tpu.memref_squeeze %dma_wait3A_496 : memref<1x128xi32, #tpu.memory_space<vmem>> -> memref<128xi32, #tpu.memory_space<vmem>>
    %dma_wait3A_498 = arith.constant 0 : i32
    %dma_wait3A_499 = arith.constant 0 : i32
    %dma_wait3A_500 = tpu.memref_slice %arg11[%dma_wait3A_498, %dma_wait3A_499] : memref<8192x8xf32, #tpu.memory_space<vmem_shared>> -> memref<8192x8xf32, #tpu.memory_space<vmem_shared>>
    tpu.wait_indirect_dma semaphore(%arg13 : memref<!tpu.dma_semaphore, #tpu.memory_space<semaphore_mem>>) src(%arg10 : memref<128x8xf32, #tpu.memory_space<vmem>>) dst(%dma_wait3A_500 : memref<8192x8xf32, #tpu.memory_space<vmem_shared>>)
    %dma_wait3A_501 = arith.constant 8 : i32
    %dma_wait3A_502 = arith.constant 0 : i32
    %dma_wait3A_503 = tpu.memref_slice %arg8[%dma_wait3A_501, %dma_wait3A_502] : memref<16x128xi32, #tpu.memory_space<vmem>> -> memref<1x128xi32, #tpu.memory_space<vmem>>
    %dma_wait3A_504 = tpu.memref_squeeze %dma_wait3A_503 : memref<1x128xi32, #tpu.memory_space<vmem>> -> memref<128xi32, #tpu.memory_space<vmem>>
    %dma_wait3A_505 = arith.constant 0 : i32
    %dma_wait3A_506 = arith.constant 0 : i32
    %dma_wait3A_507 = tpu.memref_slice %arg11[%dma_wait3A_505, %dma_wait3A_506] : memref<8192x8xf32, #tpu.memory_space<vmem_shared>> -> memref<8192x8xf32, #tpu.memory_space<vmem_shared>>
    tpu.wait_indirect_dma semaphore(%arg13 : memref<!tpu.dma_semaphore, #tpu.memory_space<semaphore_mem>>) src(%arg10 : memref<128x8xf32, #tpu.memory_space<vmem>>) dst(%dma_wait3A_507 : memref<8192x8xf32, #tpu.memory_space<vmem_shared>>)
    %dma_wait3A_508 = arith.constant 9 : i32
    %dma_wait3A_509 = arith.constant 0 : i32
    %dma_wait3A_510 = tpu.memref_slice %arg8[%dma_wait3A_508, %dma_wait3A_509] : memref<16x128xi32, #tpu.memory_space<vmem>> -> memref<1x128xi32, #tpu.memory_space<vmem>>
    %dma_wait3A_511 = tpu.memref_squeeze %dma_wait3A_510 : memref<1x128xi32, #tpu.memory_space<vmem>> -> memref<128xi32, #tpu.memory_space<vmem>>
    %dma_wait3A_512 = arith.constant 0 : i32
    %dma_wait3A_513 = arith.constant 0 : i32
    %dma_wait3A_514 = tpu.memref_slice %arg11[%dma_wait3A_512, %dma_wait3A_513] : memref<8192x8xf32, #tpu.memory_space<vmem_shared>> -> memref<8192x8xf32, #tpu.memory_space<vmem_shared>>
    tpu.wait_indirect_dma semaphore(%arg13 : memref<!tpu.dma_semaphore, #tpu.memory_space<semaphore_mem>>) src(%arg10 : memref<128x8xf32, #tpu.memory_space<vmem>>) dst(%dma_wait3A_514 : memref<8192x8xf32, #tpu.memory_space<vmem_shared>>)
    %dma_wait3A_515 = arith.constant 10 : i32
    %dma_wait3A_516 = arith.constant 0 : i32
    %dma_wait3A_517 = tpu.memref_slice %arg8[%dma_wait3A_515, %dma_wait3A_516] : memref<16x128xi32, #tpu.memory_space<vmem>> -> memref<1x128xi32, #tpu.memory_space<vmem>>
    %dma_wait3A_518 = tpu.memref_squeeze %dma_wait3A_517 : memref<1x128xi32, #tpu.memory_space<vmem>> -> memref<128xi32, #tpu.memory_space<vmem>>
    %dma_wait3A_519 = arith.constant 0 : i32
    %dma_wait3A_520 = arith.constant 0 : i32
    %dma_wait3A_521 = tpu.memref_slice %arg11[%dma_wait3A_519, %dma_wait3A_520] : memref<8192x8xf32, #tpu.memory_space<vmem_shared>> -> memref<8192x8xf32, #tpu.memory_space<vmem_shared>>
    tpu.wait_indirect_dma semaphore(%arg13 : memref<!tpu.dma_semaphore, #tpu.memory_space<semaphore_mem>>) src(%arg10 : memref<128x8xf32, #tpu.memory_space<vmem>>) dst(%dma_wait3A_521 : memref<8192x8xf32, #tpu.memory_space<vmem_shared>>)
    %dma_wait3A_522 = arith.constant 11 : i32
    %dma_wait3A_523 = arith.constant 0 : i32
    %dma_wait3A_524 = tpu.memref_slice %arg8[%dma_wait3A_522, %dma_wait3A_523] : memref<16x128xi32, #tpu.memory_space<vmem>> -> memref<1x128xi32, #tpu.memory_space<vmem>>
    %dma_wait3A_525 = tpu.memref_squeeze %dma_wait3A_524 : memref<1x128xi32, #tpu.memory_space<vmem>> -> memref<128xi32, #tpu.memory_space<vmem>>
    %dma_wait3A_526 = arith.constant 0 : i32
    %dma_wait3A_527 = arith.constant 0 : i32
    %dma_wait3A_528 = tpu.memref_slice %arg11[%dma_wait3A_526, %dma_wait3A_527] : memref<8192x8xf32, #tpu.memory_space<vmem_shared>> -> memref<8192x8xf32, #tpu.memory_space<vmem_shared>>
    tpu.wait_indirect_dma semaphore(%arg13 : memref<!tpu.dma_semaphore, #tpu.memory_space<semaphore_mem>>) src(%arg10 : memref<128x8xf32, #tpu.memory_space<vmem>>) dst(%dma_wait3A_528 : memref<8192x8xf32, #tpu.memory_space<vmem_shared>>)
    %dma_wait3A_529 = arith.constant 12 : i32
    %dma_wait3A_530 = arith.constant 0 : i32
    %dma_wait3A_531 = tpu.memref_slice %arg8[%dma_wait3A_529, %dma_wait3A_530] : memref<16x128xi32, #tpu.memory_space<vmem>> -> memref<1x128xi32, #tpu.memory_space<vmem>>
    %dma_wait3A_532 = tpu.memref_squeeze %dma_wait3A_531 : memref<1x128xi32, #tpu.memory_space<vmem>> -> memref<128xi32, #tpu.memory_space<vmem>>
    %dma_wait3A_533 = arith.constant 0 : i32
    %dma_wait3A_534 = arith.constant 0 : i32
    %dma_wait3A_535 = tpu.memref_slice %arg11[%dma_wait3A_533, %dma_wait3A_534] : memref<8192x8xf32, #tpu.memory_space<vmem_shared>> -> memref<8192x8xf32, #tpu.memory_space<vmem_shared>>
    tpu.wait_indirect_dma semaphore(%arg13 : memref<!tpu.dma_semaphore, #tpu.memory_space<semaphore_mem>>) src(%arg10 : memref<128x8xf32, #tpu.memory_space<vmem>>) dst(%dma_wait3A_535 : memref<8192x8xf32, #tpu.memory_space<vmem_shared>>)
    %dma_wait3A_536 = arith.constant 13 : i32
    %dma_wait3A_537 = arith.constant 0 : i32
    %dma_wait3A_538 = tpu.memref_slice %arg8[%dma_wait3A_536, %dma_wait3A_537] : memref<16x128xi32, #tpu.memory_space<vmem>> -> memref<1x128xi32, #tpu.memory_space<vmem>>
    %dma_wait3A_539 = tpu.memref_squeeze %dma_wait3A_538 : memref<1x128xi32, #tpu.memory_space<vmem>> -> memref<128xi32, #tpu.memory_space<vmem>>
    %dma_wait3A_540 = arith.constant 0 : i32
    %dma_wait3A_541 = arith.constant 0 : i32
    %dma_wait3A_542 = tpu.memref_slice %arg11[%dma_wait3A_540, %dma_wait3A_541] : memref<8192x8xf32, #tpu.memory_space<vmem_shared>> -> memref<8192x8xf32, #tpu.memory_space<vmem_shared>>
    tpu.wait_indirect_dma semaphore(%arg13 : memref<!tpu.dma_semaphore, #tpu.memory_space<semaphore_mem>>) src(%arg10 : memref<128x8xf32, #tpu.memory_space<vmem>>) dst(%dma_wait3A_542 : memref<8192x8xf32, #tpu.memory_space<vmem_shared>>)
    %dma_wait3A_543 = arith.constant 14 : i32
    %dma_wait3A_544 = arith.constant 0 : i32
    %dma_wait3A_545 = tpu.memref_slice %arg8[%dma_wait3A_543, %dma_wait3A_544] : memref<16x128xi32, #tpu.memory_space<vmem>> -> memref<1x128xi32, #tpu.memory_space<vmem>>
    %dma_wait3A_546 = tpu.memref_squeeze %dma_wait3A_545 : memref<1x128xi32, #tpu.memory_space<vmem>> -> memref<128xi32, #tpu.memory_space<vmem>>
    %dma_wait3A_547 = arith.constant 0 : i32
    %dma_wait3A_548 = arith.constant 0 : i32
    %dma_wait3A_549 = tpu.memref_slice %arg11[%dma_wait3A_547, %dma_wait3A_548] : memref<8192x8xf32, #tpu.memory_space<vmem_shared>> -> memref<8192x8xf32, #tpu.memory_space<vmem_shared>>
    tpu.wait_indirect_dma semaphore(%arg13 : memref<!tpu.dma_semaphore, #tpu.memory_space<semaphore_mem>>) src(%arg10 : memref<128x8xf32, #tpu.memory_space<vmem>>) dst(%dma_wait3A_549 : memref<8192x8xf32, #tpu.memory_space<vmem_shared>>)
    %dma_wait3A_550 = arith.constant 15 : i32
    %dma_wait3A_551 = arith.constant 0 : i32
    %dma_wait3A_552 = tpu.memref_slice %arg8[%dma_wait3A_550, %dma_wait3A_551] : memref<16x128xi32, #tpu.memory_space<vmem>> -> memref<1x128xi32, #tpu.memory_space<vmem>>
    %dma_wait3A_553 = tpu.memref_squeeze %dma_wait3A_552 : memref<1x128xi32, #tpu.memory_space<vmem>> -> memref<128xi32, #tpu.memory_space<vmem>>
    %dma_wait3A_554 = arith.constant 0 : i32
    %dma_wait3A_555 = arith.constant 0 : i32
    %dma_wait3A_556 = tpu.memref_slice %arg11[%dma_wait3A_554, %dma_wait3A_555] : memref<8192x8xf32, #tpu.memory_space<vmem_shared>> -> memref<8192x8xf32, #tpu.memory_space<vmem_shared>>
    tpu.wait_indirect_dma semaphore(%arg13 : memref<!tpu.dma_semaphore, #tpu.memory_space<semaphore_mem>>) src(%arg10 : memref<128x8xf32, #tpu.memory_space<vmem>>) dst(%dma_wait3A_556 : memref<8192x8xf32, #tpu.memory_space<vmem_shared>>)
    %barrier3A_557 = arith.constant 0 : index
    tpu.barrier barrier_id(%barrier3A_557)
    %eq3A = arith.constant 0 : i32
    %eq3A_558 = arith.cmpi eq, %arg1, %eq3A : i32
    %convert_element_type3A = arith.extui %eq3A_558 : i1 to i32
    %cond3A = arith.constant 0 : i32
    %cond3A_559 = arith.cmpi ne, %convert_element_type3A, %cond3A : i32
    scf.if %cond3A_559 {
      "tpu.region"() ({
        %run_scoped3A = tpu.sem_alloc : memref<!tpu.dma_semaphore, #tpu.memory_space<semaphore_mem>>
        %dma_start3A_560 = arith.constant 0 : i32
        %dma_start3A_561 = arith.constant 0 : i32
        %dma_start3A_562 = tpu.memref_slice %arg7[%arg0, %dma_start3A_560, %dma_start3A_561] : memref<2x8192x8xf32, #tpu.memory_space<hbm>> -> memref<1x8192x8xf32, #tpu.memory_space<hbm>>
        %dma_start3A_563 = tpu.memref_squeeze %dma_start3A_562 : memref<1x8192x8xf32, #tpu.memory_space<hbm>> -> memref<8192x8xf32, #tpu.memory_space<hbm>>
        tpu.enqueue_dma source(%arg11 : memref<8192x8xf32, #tpu.memory_space<vmem_shared>>) target(%dma_start3A_563 : memref<8192x8xf32, #tpu.memory_space<hbm>>) target_semaphore(%run_scoped3A : memref<!tpu.dma_semaphore, #tpu.memory_space<semaphore_mem>>)
        %dma_wait3A_564 = arith.constant 0 : i32
        %dma_wait3A_565 = arith.constant 0 : i32
        %dma_wait3A_566 = tpu.memref_slice %arg7[%arg0, %dma_wait3A_564, %dma_wait3A_565] : memref<2x8192x8xf32, #tpu.memory_space<hbm>> -> memref<1x8192x8xf32, #tpu.memory_space<hbm>>
        %dma_wait3A_567 = tpu.memref_squeeze %dma_wait3A_566 : memref<1x8192x8xf32, #tpu.memory_space<hbm>> -> memref<8192x8xf32, #tpu.memory_space<hbm>>
        tpu.wait_dma2 semaphore(%run_scoped3A : memref<!tpu.dma_semaphore, #tpu.memory_space<semaphore_mem>>) src(%arg11 : memref<8192x8xf32, #tpu.memory_space<vmem_shared>>) dst(%dma_wait3A_567 : memref<8192x8xf32, #tpu.memory_space<hbm>>)
        tpu.yield
      }) : () -> ()
    } else {
    }
    return
  }
}

module attributes {stable_mosaic.version = 14 : i64} {
  func.func @_dist_argmin_kernel(%arg0: i32, %arg1: memref<1024x32xf32, #tpu.memory_space<vmem>>, %arg2: memref<32x8192xf32, #tpu.memory_space<vmem>>, %arg3: memref<8x128xi32, #tpu.memory_space<vmem>>, %arg4: memref<1x1xf32, #tpu.memory_space<vmem>>, %arg5: memref<1x8192xf32, #tpu.memory_space<vmem>>) attributes {dimension_semantics = [#tpu.dimension_semantics<arbitrary>], iteration_bounds = array<i64: 64>, scalar_prefetch = 0 : i64, scratch_operands = 1 : i64, tpu.core_type = #tpu.core_type<tc>, window_params = [{transform_indices = @transform_0, window_bounds = array<i64: 1024, 32>}, {pipeline_mode = #tpu.pipeline_mode<synchronous>, transform_indices = @transform_1, window_bounds = array<i64: 32, 8192>}, {transform_indices = @transform_2, window_bounds = array<i64: 8, 128>}, {pipeline_mode = #tpu.pipeline_mode<synchronous>, transform_indices = @transform_3, window_bounds = array<i64: 1, 1>}]} {
    %eq3A = arith.constant 0 : i32
    %eq3A_0 = arith.cmpi eq, %arg0, %eq3A : i32
    %convert_element_type3A = arith.extui %eq3A_0 : i1 to i32
    %cond3A = arith.constant 0 : i32
    %cond3A_1 = arith.cmpi ne, %convert_element_type3A, %cond3A : i32
    scf.if %cond3A_1 {
      %get3A_929 = arith.constant 0 : index
      %get3A_930 = arith.constant 0 : index
      %get3A_931 = vector.load %arg2[%get3A_929, %get3A_930] : memref<32x8192xf32, #tpu.memory_space<vmem>>, vector<32x8192xf32>
      %mul3A_932 = arith.mulf %get3A_931, %get3A_931 : vector<32x8192xf32>
      %reduce_sum3A_933 = arith.constant dense<0.000000e+00> : vector<8192xf32>
      %reduce_sum3A_934 = vector.multi_reduction <add>, %mul3A_932, %reduce_sum3A_933 [0] : vector<32x8192xf32> to vector<8192xf32>
      %broadcast_in_dim3A_935 = vector.shape_cast %reduce_sum3A_934 : vector<8192xf32> to vector<1x8192xf32>
      %swap3A_936 = arith.constant 0 : index
      %swap3A_937 = arith.constant 0 : index
      %swap3A_938 = vector.load %arg5[%swap3A_936, %swap3A_937] : memref<1x8192xf32, #tpu.memory_space<vmem>>, vector<1x8192xf32>
      tpu.vector_store %arg5[%swap3A_936, %swap3A_937], %broadcast_in_dim3A_935 {strides = array<i32>} : memref<1x8192xf32, #tpu.memory_space<vmem>>, vector<1x8192xf32>,
      %broadcast_in_dim3A_939 = arith.constant 0.000000e+00 : f32
      %broadcast_in_dim3A_940 = vector.broadcast %broadcast_in_dim3A_939 : f32 to vector<1x1xf32>
      %swap3A_941 = arith.constant 0 : index
      %swap3A_942 = arith.constant 0 : index
      %swap3A_943 = vector.load %arg4[%swap3A_941, %swap3A_942] : memref<1x1xf32, #tpu.memory_space<vmem>>, vector<1x1xf32>
      tpu.vector_store %arg4[%swap3A_941, %swap3A_942], %broadcast_in_dim3A_940 {strides = array<i32>} : memref<1x1xf32, #tpu.memory_space<vmem>>, vector<1x1xf32>,
    } else {
    }
    %get3A = arith.constant 0 : index
    %get3A_2 = arith.constant 0 : index
    %get3A_3 = vector.load %arg1[%get3A, %get3A_2] : memref<1024x32xf32, #tpu.memory_space<vmem>>, vector<1024x32xf32>
    %mul3A = arith.constant 2.000000e+00 : f32
    %mul3A_4 = vector.broadcast %mul3A : f32 to vector<1024x32xf32>
    %mul3A_5 = arith.mulf %get3A_3, %mul3A_4 : vector<1024x32xf32>
    %mul3A_6 = arith.mulf %mul3A_5, %mul3A_5 : vector<1024x32xf32>
    %reduce_sum3A = arith.constant dense<0.000000e+00> : vector<1024xf32>
    %reduce_sum3A_7 = vector.multi_reduction <add>, %mul3A_6, %reduce_sum3A [1] : vector<1024x32xf32> to vector<1024xf32>
    %broadcast_in_dim3A = vector.shape_cast %reduce_sum3A_7 : vector<1024xf32> to vector<1024x1xf32>
    %mul3A_8 = arith.constant 2.500000e-01 : f32
    %mul3A_9 = vector.broadcast %mul3A_8 : f32 to vector<1024x1xf32>
    %mul3A_10 = arith.mulf %broadcast_in_dim3A, %mul3A_9 : vector<1024x1xf32>
    %get3A_11 = arith.constant 0 : index
    %get3A_12 = arith.constant 0 : index
    %get3A_13 = vector.load %arg2[%get3A_11, %get3A_12] : memref<32x8192xf32, #tpu.memory_space<vmem>>, vector<32x8192xf32>
    %dot_general3A = arith.constant dense<0.000000e+00> : vector<1024x8192xf32>
    %dot_general3A_14 = tpu.matmul %mul3A_5, %get3A_13, %dot_general3A {dimension_numbers = #tpu.dot_dimension_numbers<[1], [0], [0], [1], [0, 0, 1, 1], [], []>, transpose_lhs_hint = false} : vector<1024x32xf32>, vector<32x8192xf32>, vector<1024x8192xf32> -> vector<1024x8192xf32>
    %get3A_15 = arith.constant 0 : index
    %get3A_16 = arith.constant 0 : index
    %get3A_17 = vector.load %arg5[%get3A_15, %get3A_16] : memref<1x8192xf32, #tpu.memory_space<vmem>>, vector<1x8192xf32>
    %iota3A = tpu.iota {dimensions = array<i32: 1>} : vector<1x128xi32>
    %convert_element_type3A_18 = arith.sitofp %iota3A : vector<1x128xi32> to vector<1x128xf32>
    %slice3A = vector.extract_strided_slice %get3A_17 {offsets = [0, 0], sizes = [1, 128], strides = [1, 1]} : vector<1x8192xf32> to vector<1x128xf32>
    %add3A = vector.broadcast %mul3A_10 : vector<1024x1xf32> to vector<1024x128xf32>
    %add3A_19 = vector.broadcast %slice3A : vector<1x128xf32> to vector<1024x128xf32>
    %add3A_20 = arith.addf %add3A, %add3A_19 : vector<1024x128xf32>
    %slice3A_21 = vector.extract_strided_slice %dot_general3A_14 {offsets = [0, 0], sizes = [1024, 128], strides = [1, 1]} : vector<1024x8192xf32> to vector<1024x128xf32>
    %sub3A = arith.subf %add3A_20, %slice3A_21 : vector<1024x128xf32>
    %broadcast_in_dim3A_22 = vector.shape_cast %convert_element_type3A_18 : vector<1x128xf32> to vector<1x128xf32>
    %broadcast_in_dim3A_23 = vector.broadcast %broadcast_in_dim3A_22 : vector<1x128xf32> to vector<1024x128xf32>
    %slice3A_24 = vector.extract_strided_slice %get3A_17 {offsets = [0, 128], sizes = [1, 128], strides = [1, 1]} : vector<1x8192xf32> to vector<1x128xf32>
    %add3A_25 = vector.broadcast %mul3A_10 : vector<1024x1xf32> to vector<1024x128xf32>
    %add3A_26 = vector.broadcast %slice3A_24 : vector<1x128xf32> to vector<1024x128xf32>
    %add3A_27 = arith.addf %add3A_25, %add3A_26 : vector<1024x128xf32>
    %slice3A_28 = vector.extract_strided_slice %dot_general3A_14 {offsets = [0, 128], sizes = [1024, 128], strides = [1, 1]} : vector<1024x8192xf32> to vector<1024x128xf32>
    %sub3A_29 = arith.subf %add3A_27, %slice3A_28 : vector<1024x128xf32>
    %lt3A = arith.cmpf olt, %sub3A_29, %sub3A : vector<1024x128xf32>
    %select_n3A = arith.select %lt3A, %sub3A_29, %sub3A : vector<1024x128xi1>, vector<1024x128xf32>
    %add3A_30 = arith.constant 1.280000e+02 : f32
    %add3A_31 = vector.broadcast %add3A_30 : f32 to vector<1x128xf32>
    %add3A_32 = arith.addf %convert_element_type3A_18, %add3A_31 : vector<1x128xf32>
    %broadcast_in_dim3A_33 = vector.shape_cast %add3A_32 : vector<1x128xf32> to vector<1x128xf32>
    %broadcast_in_dim3A_34 = vector.broadcast %broadcast_in_dim3A_33 : vector<1x128xf32> to vector<1024x128xf32>
    %select_n3A_35 = arith.select %lt3A, %broadcast_in_dim3A_34, %broadcast_in_dim3A_23 : vector<1024x128xi1>, vector<1024x128xf32>
    %slice3A_36 = vector.extract_strided_slice %get3A_17 {offsets = [0, 256], sizes = [1, 128], strides = [1, 1]} : vector<1x8192xf32> to vector<1x128xf32>
    %add3A_37 = vector.broadcast %mul3A_10 : vector<1024x1xf32> to vector<1024x128xf32>
    %add3A_38 = vector.broadcast %slice3A_36 : vector<1x128xf32> to vector<1024x128xf32>
    %add3A_39 = arith.addf %add3A_37, %add3A_38 : vector<1024x128xf32>
    %slice3A_40 = vector.extract_strided_slice %dot_general3A_14 {offsets = [0, 256], sizes = [1024, 128], strides = [1, 1]} : vector<1024x8192xf32> to vector<1024x128xf32>
    %sub3A_41 = arith.subf %add3A_39, %slice3A_40 : vector<1024x128xf32>
    %lt3A_42 = arith.cmpf olt, %sub3A_41, %select_n3A : vector<1024x128xf32>
    %select_n3A_43 = arith.select %lt3A_42, %sub3A_41, %select_n3A : vector<1024x128xi1>, vector<1024x128xf32>
    %add3A_44 = arith.constant 2.560000e+02 : f32
    %add3A_45 = vector.broadcast %add3A_44 : f32 to vector<1x128xf32>
    %add3A_46 = arith.addf %convert_element_type3A_18, %add3A_45 : vector<1x128xf32>
    %broadcast_in_dim3A_47 = vector.shape_cast %add3A_46 : vector<1x128xf32> to vector<1x128xf32>
    %broadcast_in_dim3A_48 = vector.broadcast %broadcast_in_dim3A_47 : vector<1x128xf32> to vector<1024x128xf32>
    %select_n3A_49 = arith.select %lt3A_42, %broadcast_in_dim3A_48, %select_n3A_35 : vector<1024x128xi1>, vector<1024x128xf32>
    %slice3A_50 = vector.extract_strided_slice %get3A_17 {offsets = [0, 384], sizes = [1, 128], strides = [1, 1]} : vector<1x8192xf32> to vector<1x128xf32>
    %add3A_51 = vector.broadcast %mul3A_10 : vector<1024x1xf32> to vector<1024x128xf32>
    %add3A_52 = vector.broadcast %slice3A_50 : vector<1x128xf32> to vector<1024x128xf32>
    %add3A_53 = arith.addf %add3A_51, %add3A_52 : vector<1024x128xf32>
    %slice3A_54 = vector.extract_strided_slice %dot_general3A_14 {offsets = [0, 384], sizes = [1024, 128], strides = [1, 1]} : vector<1024x8192xf32> to vector<1024x128xf32>
    %sub3A_55 = arith.subf %add3A_53, %slice3A_54 : vector<1024x128xf32>
    %lt3A_56 = arith.cmpf olt, %sub3A_55, %select_n3A_43 : vector<1024x128xf32>
    %select_n3A_57 = arith.select %lt3A_56, %sub3A_55, %select_n3A_43 : vector<1024x128xi1>, vector<1024x128xf32>
    %add3A_58 = arith.constant 3.840000e+02 : f32
    %add3A_59 = vector.broadcast %add3A_58 : f32 to vector<1x128xf32>
    %add3A_60 = arith.addf %convert_element_type3A_18, %add3A_59 : vector<1x128xf32>
    %broadcast_in_dim3A_61 = vector.shape_cast %add3A_60 : vector<1x128xf32> to vector<1x128xf32>
    %broadcast_in_dim3A_62 = vector.broadcast %broadcast_in_dim3A_61 : vector<1x128xf32> to vector<1024x128xf32>
    %select_n3A_63 = arith.select %lt3A_56, %broadcast_in_dim3A_62, %select_n3A_49 : vector<1024x128xi1>, vector<1024x128xf32>
    %slice3A_64 = vector.extract_strided_slice %get3A_17 {offsets = [0, 512], sizes = [1, 128], strides = [1, 1]} : vector<1x8192xf32> to vector<1x128xf32>
    %add3A_65 = vector.broadcast %mul3A_10 : vector<1024x1xf32> to vector<1024x128xf32>
    %add3A_66 = vector.broadcast %slice3A_64 : vector<1x128xf32> to vector<1024x128xf32>
    %add3A_67 = arith.addf %add3A_65, %add3A_66 : vector<1024x128xf32>
    %slice3A_68 = vector.extract_strided_slice %dot_general3A_14 {offsets = [0, 512], sizes = [1024, 128], strides = [1, 1]} : vector<1024x8192xf32> to vector<1024x128xf32>
    %sub3A_69 = arith.subf %add3A_67, %slice3A_68 : vector<1024x128xf32>
    %lt3A_70 = arith.cmpf olt, %sub3A_69, %select_n3A_57 : vector<1024x128xf32>
    %select_n3A_71 = arith.select %lt3A_70, %sub3A_69, %select_n3A_57 : vector<1024x128xi1>, vector<1024x128xf32>
    %add3A_72 = arith.constant 5.120000e+02 : f32
    %add3A_73 = vector.broadcast %add3A_72 : f32 to vector<1x128xf32>
    %add3A_74 = arith.addf %convert_element_type3A_18, %add3A_73 : vector<1x128xf32>
    %broadcast_in_dim3A_75 = vector.shape_cast %add3A_74 : vector<1x128xf32> to vector<1x128xf32>
    %broadcast_in_dim3A_76 = vector.broadcast %broadcast_in_dim3A_75 : vector<1x128xf32> to vector<1024x128xf32>
    %select_n3A_77 = arith.select %lt3A_70, %broadcast_in_dim3A_76, %select_n3A_63 : vector<1024x128xi1>, vector<1024x128xf32>
    %slice3A_78 = vector.extract_strided_slice %get3A_17 {offsets = [0, 640], sizes = [1, 128], strides = [1, 1]} : vector<1x8192xf32> to vector<1x128xf32>
    %add3A_79 = vector.broadcast %mul3A_10 : vector<1024x1xf32> to vector<1024x128xf32>
    %add3A_80 = vector.broadcast %slice3A_78 : vector<1x128xf32> to vector<1024x128xf32>
    %add3A_81 = arith.addf %add3A_79, %add3A_80 : vector<1024x128xf32>
    %slice3A_82 = vector.extract_strided_slice %dot_general3A_14 {offsets = [0, 640], sizes = [1024, 128], strides = [1, 1]} : vector<1024x8192xf32> to vector<1024x128xf32>
    %sub3A_83 = arith.subf %add3A_81, %slice3A_82 : vector<1024x128xf32>
    %lt3A_84 = arith.cmpf olt, %sub3A_83, %select_n3A_71 : vector<1024x128xf32>
    %select_n3A_85 = arith.select %lt3A_84, %sub3A_83, %select_n3A_71 : vector<1024x128xi1>, vector<1024x128xf32>
    %add3A_86 = arith.constant 6.400000e+02 : f32
    %add3A_87 = vector.broadcast %add3A_86 : f32 to vector<1x128xf32>
    %add3A_88 = arith.addf %convert_element_type3A_18, %add3A_87 : vector<1x128xf32>
    %broadcast_in_dim3A_89 = vector.shape_cast %add3A_88 : vector<1x128xf32> to vector<1x128xf32>
    %broadcast_in_dim3A_90 = vector.broadcast %broadcast_in_dim3A_89 : vector<1x128xf32> to vector<1024x128xf32>
    %select_n3A_91 = arith.select %lt3A_84, %broadcast_in_dim3A_90, %select_n3A_77 : vector<1024x128xi1>, vector<1024x128xf32>
    %slice3A_92 = vector.extract_strided_slice %get3A_17 {offsets = [0, 768], sizes = [1, 128], strides = [1, 1]} : vector<1x8192xf32> to vector<1x128xf32>
    %add3A_93 = vector.broadcast %mul3A_10 : vector<1024x1xf32> to vector<1024x128xf32>
    %add3A_94 = vector.broadcast %slice3A_92 : vector<1x128xf32> to vector<1024x128xf32>
    %add3A_95 = arith.addf %add3A_93, %add3A_94 : vector<1024x128xf32>
    %slice3A_96 = vector.extract_strided_slice %dot_general3A_14 {offsets = [0, 768], sizes = [1024, 128], strides = [1, 1]} : vector<1024x8192xf32> to vector<1024x128xf32>
    %sub3A_97 = arith.subf %add3A_95, %slice3A_96 : vector<1024x128xf32>
    %lt3A_98 = arith.cmpf olt, %sub3A_97, %select_n3A_85 : vector<1024x128xf32>
    %select_n3A_99 = arith.select %lt3A_98, %sub3A_97, %select_n3A_85 : vector<1024x128xi1>, vector<1024x128xf32>
    %add3A_100 = arith.constant 7.680000e+02 : f32
    %add3A_101 = vector.broadcast %add3A_100 : f32 to vector<1x128xf32>
    %add3A_102 = arith.addf %convert_element_type3A_18, %add3A_101 : vector<1x128xf32>
    %broadcast_in_dim3A_103 = vector.shape_cast %add3A_102 : vector<1x128xf32> to vector<1x128xf32>
    %broadcast_in_dim3A_104 = vector.broadcast %broadcast_in_dim3A_103 : vector<1x128xf32> to vector<1024x128xf32>
    %select_n3A_105 = arith.select %lt3A_98, %broadcast_in_dim3A_104, %select_n3A_91 : vector<1024x128xi1>, vector<1024x128xf32>
    %slice3A_106 = vector.extract_strided_slice %get3A_17 {offsets = [0, 896], sizes = [1, 128], strides = [1, 1]} : vector<1x8192xf32> to vector<1x128xf32>
    %add3A_107 = vector.broadcast %mul3A_10 : vector<1024x1xf32> to vector<1024x128xf32>
    %add3A_108 = vector.broadcast %slice3A_106 : vector<1x128xf32> to vector<1024x128xf32>
    %add3A_109 = arith.addf %add3A_107, %add3A_108 : vector<1024x128xf32>
    %slice3A_110 = vector.extract_strided_slice %dot_general3A_14 {offsets = [0, 896], sizes = [1024, 128], strides = [1, 1]} : vector<1024x8192xf32> to vector<1024x128xf32>
    %sub3A_111 = arith.subf %add3A_109, %slice3A_110 : vector<1024x128xf32>
    %lt3A_112 = arith.cmpf olt, %sub3A_111, %select_n3A_99 : vector<1024x128xf32>
    %select_n3A_113 = arith.select %lt3A_112, %sub3A_111, %select_n3A_99 : vector<1024x128xi1>, vector<1024x128xf32>
    %add3A_114 = arith.constant 8.960000e+02 : f32
    %add3A_115 = vector.broadcast %add3A_114 : f32 to vector<1x128xf32>
    %add3A_116 = arith.addf %convert_element_type3A_18, %add3A_115 : vector<1x128xf32>
    %broadcast_in_dim3A_117 = vector.shape_cast %add3A_116 : vector<1x128xf32> to vector<1x128xf32>
    %broadcast_in_dim3A_118 = vector.broadcast %broadcast_in_dim3A_117 : vector<1x128xf32> to vector<1024x128xf32>
    %select_n3A_119 = arith.select %lt3A_112, %broadcast_in_dim3A_118, %select_n3A_105 : vector<1024x128xi1>, vector<1024x128xf32>
    %slice3A_120 = vector.extract_strided_slice %get3A_17 {offsets = [0, 1024], sizes = [1, 128], strides = [1, 1]} : vector<1x8192xf32> to vector<1x128xf32>
    %add3A_121 = vector.broadcast %mul3A_10 : vector<1024x1xf32> to vector<1024x128xf32>
    %add3A_122 = vector.broadcast %slice3A_120 : vector<1x128xf32> to vector<1024x128xf32>
    %add3A_123 = arith.addf %add3A_121, %add3A_122 : vector<1024x128xf32>
    %slice3A_124 = vector.extract_strided_slice %dot_general3A_14 {offsets = [0, 1024], sizes = [1024, 128], strides = [1, 1]} : vector<1024x8192xf32> to vector<1024x128xf32>
    %sub3A_125 = arith.subf %add3A_123, %slice3A_124 : vector<1024x128xf32>
    %lt3A_126 = arith.cmpf olt, %sub3A_125, %select_n3A_113 : vector<1024x128xf32>
    %select_n3A_127 = arith.select %lt3A_126, %sub3A_125, %select_n3A_113 : vector<1024x128xi1>, vector<1024x128xf32>
    %add3A_128 = arith.constant 1.024000e+03 : f32
    %add3A_129 = vector.broadcast %add3A_128 : f32 to vector<1x128xf32>
    %add3A_130 = arith.addf %convert_element_type3A_18, %add3A_129 : vector<1x128xf32>
    %broadcast_in_dim3A_131 = vector.shape_cast %add3A_130 : vector<1x128xf32> to vector<1x128xf32>
    %broadcast_in_dim3A_132 = vector.broadcast %broadcast_in_dim3A_131 : vector<1x128xf32> to vector<1024x128xf32>
    %select_n3A_133 = arith.select %lt3A_126, %broadcast_in_dim3A_132, %select_n3A_119 : vector<1024x128xi1>, vector<1024x128xf32>
    %slice3A_134 = vector.extract_strided_slice %get3A_17 {offsets = [0, 1152], sizes = [1, 128], strides = [1, 1]} : vector<1x8192xf32> to vector<1x128xf32>
    %add3A_135 = vector.broadcast %mul3A_10 : vector<1024x1xf32> to vector<1024x128xf32>
    %add3A_136 = vector.broadcast %slice3A_134 : vector<1x128xf32> to vector<1024x128xf32>
    %add3A_137 = arith.addf %add3A_135, %add3A_136 : vector<1024x128xf32>
    %slice3A_138 = vector.extract_strided_slice %dot_general3A_14 {offsets = [0, 1152], sizes = [1024, 128], strides = [1, 1]} : vector<1024x8192xf32> to vector<1024x128xf32>
    %sub3A_139 = arith.subf %add3A_137, %slice3A_138 : vector<1024x128xf32>
    %lt3A_140 = arith.cmpf olt, %sub3A_139, %select_n3A_127 : vector<1024x128xf32>
    %select_n3A_141 = arith.select %lt3A_140, %sub3A_139, %select_n3A_127 : vector<1024x128xi1>, vector<1024x128xf32>
    %add3A_142 = arith.constant 1.152000e+03 : f32
    %add3A_143 = vector.broadcast %add3A_142 : f32 to vector<1x128xf32>
    %add3A_144 = arith.addf %convert_element_type3A_18, %add3A_143 : vector<1x128xf32>
    %broadcast_in_dim3A_145 = vector.shape_cast %add3A_144 : vector<1x128xf32> to vector<1x128xf32>
    %broadcast_in_dim3A_146 = vector.broadcast %broadcast_in_dim3A_145 : vector<1x128xf32> to vector<1024x128xf32>
    %select_n3A_147 = arith.select %lt3A_140, %broadcast_in_dim3A_146, %select_n3A_133 : vector<1024x128xi1>, vector<1024x128xf32>
    %slice3A_148 = vector.extract_strided_slice %get3A_17 {offsets = [0, 1280], sizes = [1, 128], strides = [1, 1]} : vector<1x8192xf32> to vector<1x128xf32>
    %add3A_149 = vector.broadcast %mul3A_10 : vector<1024x1xf32> to vector<1024x128xf32>
    %add3A_150 = vector.broadcast %slice3A_148 : vector<1x128xf32> to vector<1024x128xf32>
    %add3A_151 = arith.addf %add3A_149, %add3A_150 : vector<1024x128xf32>
    %slice3A_152 = vector.extract_strided_slice %dot_general3A_14 {offsets = [0, 1280], sizes = [1024, 128], strides = [1, 1]} : vector<1024x8192xf32> to vector<1024x128xf32>
    %sub3A_153 = arith.subf %add3A_151, %slice3A_152 : vector<1024x128xf32>
    %lt3A_154 = arith.cmpf olt, %sub3A_153, %select_n3A_141 : vector<1024x128xf32>
    %select_n3A_155 = arith.select %lt3A_154, %sub3A_153, %select_n3A_141 : vector<1024x128xi1>, vector<1024x128xf32>
    %add3A_156 = arith.constant 1.280000e+03 : f32
    %add3A_157 = vector.broadcast %add3A_156 : f32 to vector<1x128xf32>
    %add3A_158 = arith.addf %convert_element_type3A_18, %add3A_157 : vector<1x128xf32>
    %broadcast_in_dim3A_159 = vector.shape_cast %add3A_158 : vector<1x128xf32> to vector<1x128xf32>
    %broadcast_in_dim3A_160 = vector.broadcast %broadcast_in_dim3A_159 : vector<1x128xf32> to vector<1024x128xf32>
    %select_n3A_161 = arith.select %lt3A_154, %broadcast_in_dim3A_160, %select_n3A_147 : vector<1024x128xi1>, vector<1024x128xf32>
    %slice3A_162 = vector.extract_strided_slice %get3A_17 {offsets = [0, 1408], sizes = [1, 128], strides = [1, 1]} : vector<1x8192xf32> to vector<1x128xf32>
    %add3A_163 = vector.broadcast %mul3A_10 : vector<1024x1xf32> to vector<1024x128xf32>
    %add3A_164 = vector.broadcast %slice3A_162 : vector<1x128xf32> to vector<1024x128xf32>
    %add3A_165 = arith.addf %add3A_163, %add3A_164 : vector<1024x128xf32>
    %slice3A_166 = vector.extract_strided_slice %dot_general3A_14 {offsets = [0, 1408], sizes = [1024, 128], strides = [1, 1]} : vector<1024x8192xf32> to vector<1024x128xf32>
    %sub3A_167 = arith.subf %add3A_165, %slice3A_166 : vector<1024x128xf32>
    %lt3A_168 = arith.cmpf olt, %sub3A_167, %select_n3A_155 : vector<1024x128xf32>
    %select_n3A_169 = arith.select %lt3A_168, %sub3A_167, %select_n3A_155 : vector<1024x128xi1>, vector<1024x128xf32>
    %add3A_170 = arith.constant 1.408000e+03 : f32
    %add3A_171 = vector.broadcast %add3A_170 : f32 to vector<1x128xf32>
    %add3A_172 = arith.addf %convert_element_type3A_18, %add3A_171 : vector<1x128xf32>
    %broadcast_in_dim3A_173 = vector.shape_cast %add3A_172 : vector<1x128xf32> to vector<1x128xf32>
    %broadcast_in_dim3A_174 = vector.broadcast %broadcast_in_dim3A_173 : vector<1x128xf32> to vector<1024x128xf32>
    %select_n3A_175 = arith.select %lt3A_168, %broadcast_in_dim3A_174, %select_n3A_161 : vector<1024x128xi1>, vector<1024x128xf32>
    %slice3A_176 = vector.extract_strided_slice %get3A_17 {offsets = [0, 1536], sizes = [1, 128], strides = [1, 1]} : vector<1x8192xf32> to vector<1x128xf32>
    %add3A_177 = vector.broadcast %mul3A_10 : vector<1024x1xf32> to vector<1024x128xf32>
    %add3A_178 = vector.broadcast %slice3A_176 : vector<1x128xf32> to vector<1024x128xf32>
    %add3A_179 = arith.addf %add3A_177, %add3A_178 : vector<1024x128xf32>
    %slice3A_180 = vector.extract_strided_slice %dot_general3A_14 {offsets = [0, 1536], sizes = [1024, 128], strides = [1, 1]} : vector<1024x8192xf32> to vector<1024x128xf32>
    %sub3A_181 = arith.subf %add3A_179, %slice3A_180 : vector<1024x128xf32>
    %lt3A_182 = arith.cmpf olt, %sub3A_181, %select_n3A_169 : vector<1024x128xf32>
    %select_n3A_183 = arith.select %lt3A_182, %sub3A_181, %select_n3A_169 : vector<1024x128xi1>, vector<1024x128xf32>
    %add3A_184 = arith.constant 1.536000e+03 : f32
    %add3A_185 = vector.broadcast %add3A_184 : f32 to vector<1x128xf32>
    %add3A_186 = arith.addf %convert_element_type3A_18, %add3A_185 : vector<1x128xf32>
    %broadcast_in_dim3A_187 = vector.shape_cast %add3A_186 : vector<1x128xf32> to vector<1x128xf32>
    %broadcast_in_dim3A_188 = vector.broadcast %broadcast_in_dim3A_187 : vector<1x128xf32> to vector<1024x128xf32>
    %select_n3A_189 = arith.select %lt3A_182, %broadcast_in_dim3A_188, %select_n3A_175 : vector<1024x128xi1>, vector<1024x128xf32>
    %slice3A_190 = vector.extract_strided_slice %get3A_17 {offsets = [0, 1664], sizes = [1, 128], strides = [1, 1]} : vector<1x8192xf32> to vector<1x128xf32>
    %add3A_191 = vector.broadcast %mul3A_10 : vector<1024x1xf32> to vector<1024x128xf32>
    %add3A_192 = vector.broadcast %slice3A_190 : vector<1x128xf32> to vector<1024x128xf32>
    %add3A_193 = arith.addf %add3A_191, %add3A_192 : vector<1024x128xf32>
    %slice3A_194 = vector.extract_strided_slice %dot_general3A_14 {offsets = [0, 1664], sizes = [1024, 128], strides = [1, 1]} : vector<1024x8192xf32> to vector<1024x128xf32>
    %sub3A_195 = arith.subf %add3A_193, %slice3A_194 : vector<1024x128xf32>
    %lt3A_196 = arith.cmpf olt, %sub3A_195, %select_n3A_183 : vector<1024x128xf32>
    %select_n3A_197 = arith.select %lt3A_196, %sub3A_195, %select_n3A_183 : vector<1024x128xi1>, vector<1024x128xf32>
    %add3A_198 = arith.constant 1.664000e+03 : f32
    %add3A_199 = vector.broadcast %add3A_198 : f32 to vector<1x128xf32>
    %add3A_200 = arith.addf %convert_element_type3A_18, %add3A_199 : vector<1x128xf32>
    %broadcast_in_dim3A_201 = vector.shape_cast %add3A_200 : vector<1x128xf32> to vector<1x128xf32>
    %broadcast_in_dim3A_202 = vector.broadcast %broadcast_in_dim3A_201 : vector<1x128xf32> to vector<1024x128xf32>
    %select_n3A_203 = arith.select %lt3A_196, %broadcast_in_dim3A_202, %select_n3A_189 : vector<1024x128xi1>, vector<1024x128xf32>
    %slice3A_204 = vector.extract_strided_slice %get3A_17 {offsets = [0, 1792], sizes = [1, 128], strides = [1, 1]} : vector<1x8192xf32> to vector<1x128xf32>
    %add3A_205 = vector.broadcast %mul3A_10 : vector<1024x1xf32> to vector<1024x128xf32>
    %add3A_206 = vector.broadcast %slice3A_204 : vector<1x128xf32> to vector<1024x128xf32>
    %add3A_207 = arith.addf %add3A_205, %add3A_206 : vector<1024x128xf32>
    %slice3A_208 = vector.extract_strided_slice %dot_general3A_14 {offsets = [0, 1792], sizes = [1024, 128], strides = [1, 1]} : vector<1024x8192xf32> to vector<1024x128xf32>
    %sub3A_209 = arith.subf %add3A_207, %slice3A_208 : vector<1024x128xf32>
    %lt3A_210 = arith.cmpf olt, %sub3A_209, %select_n3A_197 : vector<1024x128xf32>
    %select_n3A_211 = arith.select %lt3A_210, %sub3A_209, %select_n3A_197 : vector<1024x128xi1>, vector<1024x128xf32>
    %add3A_212 = arith.constant 1.792000e+03 : f32
    %add3A_213 = vector.broadcast %add3A_212 : f32 to vector<1x128xf32>
    %add3A_214 = arith.addf %convert_element_type3A_18, %add3A_213 : vector<1x128xf32>
    %broadcast_in_dim3A_215 = vector.shape_cast %add3A_214 : vector<1x128xf32> to vector<1x128xf32>
    %broadcast_in_dim3A_216 = vector.broadcast %broadcast_in_dim3A_215 : vector<1x128xf32> to vector<1024x128xf32>
    %select_n3A_217 = arith.select %lt3A_210, %broadcast_in_dim3A_216, %select_n3A_203 : vector<1024x128xi1>, vector<1024x128xf32>
    %slice3A_218 = vector.extract_strided_slice %get3A_17 {offsets = [0, 1920], sizes = [1, 128], strides = [1, 1]} : vector<1x8192xf32> to vector<1x128xf32>
    %add3A_219 = vector.broadcast %mul3A_10 : vector<1024x1xf32> to vector<1024x128xf32>
    %add3A_220 = vector.broadcast %slice3A_218 : vector<1x128xf32> to vector<1024x128xf32>
    %add3A_221 = arith.addf %add3A_219, %add3A_220 : vector<1024x128xf32>
    %slice3A_222 = vector.extract_strided_slice %dot_general3A_14 {offsets = [0, 1920], sizes = [1024, 128], strides = [1, 1]} : vector<1024x8192xf32> to vector<1024x128xf32>
    %sub3A_223 = arith.subf %add3A_221, %slice3A_222 : vector<1024x128xf32>
    %lt3A_224 = arith.cmpf olt, %sub3A_223, %select_n3A_211 : vector<1024x128xf32>
    %select_n3A_225 = arith.select %lt3A_224, %sub3A_223, %select_n3A_211 : vector<1024x128xi1>, vector<1024x128xf32>
    %add3A_226 = arith.constant 1.920000e+03 : f32
    %add3A_227 = vector.broadcast %add3A_226 : f32 to vector<1x128xf32>
    %add3A_228 = arith.addf %convert_element_type3A_18, %add3A_227 : vector<1x128xf32>
    %broadcast_in_dim3A_229 = vector.shape_cast %add3A_228 : vector<1x128xf32> to vector<1x128xf32>
    %broadcast_in_dim3A_230 = vector.broadcast %broadcast_in_dim3A_229 : vector<1x128xf32> to vector<1024x128xf32>
    %select_n3A_231 = arith.select %lt3A_224, %broadcast_in_dim3A_230, %select_n3A_217 : vector<1024x128xi1>, vector<1024x128xf32>
    %slice3A_232 = vector.extract_strided_slice %get3A_17 {offsets = [0, 2048], sizes = [1, 128], strides = [1, 1]} : vector<1x8192xf32> to vector<1x128xf32>
    %add3A_233 = vector.broadcast %mul3A_10 : vector<1024x1xf32> to vector<1024x128xf32>
    %add3A_234 = vector.broadcast %slice3A_232 : vector<1x128xf32> to vector<1024x128xf32>
    %add3A_235 = arith.addf %add3A_233, %add3A_234 : vector<1024x128xf32>
    %slice3A_236 = vector.extract_strided_slice %dot_general3A_14 {offsets = [0, 2048], sizes = [1024, 128], strides = [1, 1]} : vector<1024x8192xf32> to vector<1024x128xf32>
    %sub3A_237 = arith.subf %add3A_235, %slice3A_236 : vector<1024x128xf32>
    %lt3A_238 = arith.cmpf olt, %sub3A_237, %select_n3A_225 : vector<1024x128xf32>
    %select_n3A_239 = arith.select %lt3A_238, %sub3A_237, %select_n3A_225 : vector<1024x128xi1>, vector<1024x128xf32>
    %add3A_240 = arith.constant 2.048000e+03 : f32
    %add3A_241 = vector.broadcast %add3A_240 : f32 to vector<1x128xf32>
    %add3A_242 = arith.addf %convert_element_type3A_18, %add3A_241 : vector<1x128xf32>
    %broadcast_in_dim3A_243 = vector.shape_cast %add3A_242 : vector<1x128xf32> to vector<1x128xf32>
    %broadcast_in_dim3A_244 = vector.broadcast %broadcast_in_dim3A_243 : vector<1x128xf32> to vector<1024x128xf32>
    %select_n3A_245 = arith.select %lt3A_238, %broadcast_in_dim3A_244, %select_n3A_231 : vector<1024x128xi1>, vector<1024x128xf32>
    %slice3A_246 = vector.extract_strided_slice %get3A_17 {offsets = [0, 2176], sizes = [1, 128], strides = [1, 1]} : vector<1x8192xf32> to vector<1x128xf32>
    %add3A_247 = vector.broadcast %mul3A_10 : vector<1024x1xf32> to vector<1024x128xf32>
    %add3A_248 = vector.broadcast %slice3A_246 : vector<1x128xf32> to vector<1024x128xf32>
    %add3A_249 = arith.addf %add3A_247, %add3A_248 : vector<1024x128xf32>
    %slice3A_250 = vector.extract_strided_slice %dot_general3A_14 {offsets = [0, 2176], sizes = [1024, 128], strides = [1, 1]} : vector<1024x8192xf32> to vector<1024x128xf32>
    %sub3A_251 = arith.subf %add3A_249, %slice3A_250 : vector<1024x128xf32>
    %lt3A_252 = arith.cmpf olt, %sub3A_251, %select_n3A_239 : vector<1024x128xf32>
    %select_n3A_253 = arith.select %lt3A_252, %sub3A_251, %select_n3A_239 : vector<1024x128xi1>, vector<1024x128xf32>
    %add3A_254 = arith.constant 2.176000e+03 : f32
    %add3A_255 = vector.broadcast %add3A_254 : f32 to vector<1x128xf32>
    %add3A_256 = arith.addf %convert_element_type3A_18, %add3A_255 : vector<1x128xf32>
    %broadcast_in_dim3A_257 = vector.shape_cast %add3A_256 : vector<1x128xf32> to vector<1x128xf32>
    %broadcast_in_dim3A_258 = vector.broadcast %broadcast_in_dim3A_257 : vector<1x128xf32> to vector<1024x128xf32>
    %select_n3A_259 = arith.select %lt3A_252, %broadcast_in_dim3A_258, %select_n3A_245 : vector<1024x128xi1>, vector<1024x128xf32>
    %slice3A_260 = vector.extract_strided_slice %get3A_17 {offsets = [0, 2304], sizes = [1, 128], strides = [1, 1]} : vector<1x8192xf32> to vector<1x128xf32>
    %add3A_261 = vector.broadcast %mul3A_10 : vector<1024x1xf32> to vector<1024x128xf32>
    %add3A_262 = vector.broadcast %slice3A_260 : vector<1x128xf32> to vector<1024x128xf32>
    %add3A_263 = arith.addf %add3A_261, %add3A_262 : vector<1024x128xf32>
    %slice3A_264 = vector.extract_strided_slice %dot_general3A_14 {offsets = [0, 2304], sizes = [1024, 128], strides = [1, 1]} : vector<1024x8192xf32> to vector<1024x128xf32>
    %sub3A_265 = arith.subf %add3A_263, %slice3A_264 : vector<1024x128xf32>
    %lt3A_266 = arith.cmpf olt, %sub3A_265, %select_n3A_253 : vector<1024x128xf32>
    %select_n3A_267 = arith.select %lt3A_266, %sub3A_265, %select_n3A_253 : vector<1024x128xi1>, vector<1024x128xf32>
    %add3A_268 = arith.constant 2.304000e+03 : f32
    %add3A_269 = vector.broadcast %add3A_268 : f32 to vector<1x128xf32>
    %add3A_270 = arith.addf %convert_element_type3A_18, %add3A_269 : vector<1x128xf32>
    %broadcast_in_dim3A_271 = vector.shape_cast %add3A_270 : vector<1x128xf32> to vector<1x128xf32>
    %broadcast_in_dim3A_272 = vector.broadcast %broadcast_in_dim3A_271 : vector<1x128xf32> to vector<1024x128xf32>
    %select_n3A_273 = arith.select %lt3A_266, %broadcast_in_dim3A_272, %select_n3A_259 : vector<1024x128xi1>, vector<1024x128xf32>
    %slice3A_274 = vector.extract_strided_slice %get3A_17 {offsets = [0, 2432], sizes = [1, 128], strides = [1, 1]} : vector<1x8192xf32> to vector<1x128xf32>
    %add3A_275 = vector.broadcast %mul3A_10 : vector<1024x1xf32> to vector<1024x128xf32>
    %add3A_276 = vector.broadcast %slice3A_274 : vector<1x128xf32> to vector<1024x128xf32>
    %add3A_277 = arith.addf %add3A_275, %add3A_276 : vector<1024x128xf32>
    %slice3A_278 = vector.extract_strided_slice %dot_general3A_14 {offsets = [0, 2432], sizes = [1024, 128], strides = [1, 1]} : vector<1024x8192xf32> to vector<1024x128xf32>
    %sub3A_279 = arith.subf %add3A_277, %slice3A_278 : vector<1024x128xf32>
    %lt3A_280 = arith.cmpf olt, %sub3A_279, %select_n3A_267 : vector<1024x128xf32>
    %select_n3A_281 = arith.select %lt3A_280, %sub3A_279, %select_n3A_267 : vector<1024x128xi1>, vector<1024x128xf32>
    %add3A_282 = arith.constant 2.432000e+03 : f32
    %add3A_283 = vector.broadcast %add3A_282 : f32 to vector<1x128xf32>
    %add3A_284 = arith.addf %convert_element_type3A_18, %add3A_283 : vector<1x128xf32>
    %broadcast_in_dim3A_285 = vector.shape_cast %add3A_284 : vector<1x128xf32> to vector<1x128xf32>
    %broadcast_in_dim3A_286 = vector.broadcast %broadcast_in_dim3A_285 : vector<1x128xf32> to vector<1024x128xf32>
    %select_n3A_287 = arith.select %lt3A_280, %broadcast_in_dim3A_286, %select_n3A_273 : vector<1024x128xi1>, vector<1024x128xf32>
    %slice3A_288 = vector.extract_strided_slice %get3A_17 {offsets = [0, 2560], sizes = [1, 128], strides = [1, 1]} : vector<1x8192xf32> to vector<1x128xf32>
    %add3A_289 = vector.broadcast %mul3A_10 : vector<1024x1xf32> to vector<1024x128xf32>
    %add3A_290 = vector.broadcast %slice3A_288 : vector<1x128xf32> to vector<1024x128xf32>
    %add3A_291 = arith.addf %add3A_289, %add3A_290 : vector<1024x128xf32>
    %slice3A_292 = vector.extract_strided_slice %dot_general3A_14 {offsets = [0, 2560], sizes = [1024, 128], strides = [1, 1]} : vector<1024x8192xf32> to vector<1024x128xf32>
    %sub3A_293 = arith.subf %add3A_291, %slice3A_292 : vector<1024x128xf32>
    %lt3A_294 = arith.cmpf olt, %sub3A_293, %select_n3A_281 : vector<1024x128xf32>
    %select_n3A_295 = arith.select %lt3A_294, %sub3A_293, %select_n3A_281 : vector<1024x128xi1>, vector<1024x128xf32>
    %add3A_296 = arith.constant 2.560000e+03 : f32
    %add3A_297 = vector.broadcast %add3A_296 : f32 to vector<1x128xf32>
    %add3A_298 = arith.addf %convert_element_type3A_18, %add3A_297 : vector<1x128xf32>
    %broadcast_in_dim3A_299 = vector.shape_cast %add3A_298 : vector<1x128xf32> to vector<1x128xf32>
    %broadcast_in_dim3A_300 = vector.broadcast %broadcast_in_dim3A_299 : vector<1x128xf32> to vector<1024x128xf32>
    %select_n3A_301 = arith.select %lt3A_294, %broadcast_in_dim3A_300, %select_n3A_287 : vector<1024x128xi1>, vector<1024x128xf32>
    %slice3A_302 = vector.extract_strided_slice %get3A_17 {offsets = [0, 2688], sizes = [1, 128], strides = [1, 1]} : vector<1x8192xf32> to vector<1x128xf32>
    %add3A_303 = vector.broadcast %mul3A_10 : vector<1024x1xf32> to vector<1024x128xf32>
    %add3A_304 = vector.broadcast %slice3A_302 : vector<1x128xf32> to vector<1024x128xf32>
    %add3A_305 = arith.addf %add3A_303, %add3A_304 : vector<1024x128xf32>
    %slice3A_306 = vector.extract_strided_slice %dot_general3A_14 {offsets = [0, 2688], sizes = [1024, 128], strides = [1, 1]} : vector<1024x8192xf32> to vector<1024x128xf32>
    %sub3A_307 = arith.subf %add3A_305, %slice3A_306 : vector<1024x128xf32>
    %lt3A_308 = arith.cmpf olt, %sub3A_307, %select_n3A_295 : vector<1024x128xf32>
    %select_n3A_309 = arith.select %lt3A_308, %sub3A_307, %select_n3A_295 : vector<1024x128xi1>, vector<1024x128xf32>
    %add3A_310 = arith.constant 2.688000e+03 : f32
    %add3A_311 = vector.broadcast %add3A_310 : f32 to vector<1x128xf32>
    %add3A_312 = arith.addf %convert_element_type3A_18, %add3A_311 : vector<1x128xf32>
    %broadcast_in_dim3A_313 = vector.shape_cast %add3A_312 : vector<1x128xf32> to vector<1x128xf32>
    %broadcast_in_dim3A_314 = vector.broadcast %broadcast_in_dim3A_313 : vector<1x128xf32> to vector<1024x128xf32>
    %select_n3A_315 = arith.select %lt3A_308, %broadcast_in_dim3A_314, %select_n3A_301 : vector<1024x128xi1>, vector<1024x128xf32>
    %slice3A_316 = vector.extract_strided_slice %get3A_17 {offsets = [0, 2816], sizes = [1, 128], strides = [1, 1]} : vector<1x8192xf32> to vector<1x128xf32>
    %add3A_317 = vector.broadcast %mul3A_10 : vector<1024x1xf32> to vector<1024x128xf32>
    %add3A_318 = vector.broadcast %slice3A_316 : vector<1x128xf32> to vector<1024x128xf32>
    %add3A_319 = arith.addf %add3A_317, %add3A_318 : vector<1024x128xf32>
    %slice3A_320 = vector.extract_strided_slice %dot_general3A_14 {offsets = [0, 2816], sizes = [1024, 128], strides = [1, 1]} : vector<1024x8192xf32> to vector<1024x128xf32>
    %sub3A_321 = arith.subf %add3A_319, %slice3A_320 : vector<1024x128xf32>
    %lt3A_322 = arith.cmpf olt, %sub3A_321, %select_n3A_309 : vector<1024x128xf32>
    %select_n3A_323 = arith.select %lt3A_322, %sub3A_321, %select_n3A_309 : vector<1024x128xi1>, vector<1024x128xf32>
    %add3A_324 = arith.constant 2.816000e+03 : f32
    %add3A_325 = vector.broadcast %add3A_324 : f32 to vector<1x128xf32>
    %add3A_326 = arith.addf %convert_element_type3A_18, %add3A_325 : vector<1x128xf32>
    %broadcast_in_dim3A_327 = vector.shape_cast %add3A_326 : vector<1x128xf32> to vector<1x128xf32>
    %broadcast_in_dim3A_328 = vector.broadcast %broadcast_in_dim3A_327 : vector<1x128xf32> to vector<1024x128xf32>
    %select_n3A_329 = arith.select %lt3A_322, %broadcast_in_dim3A_328, %select_n3A_315 : vector<1024x128xi1>, vector<1024x128xf32>
    %slice3A_330 = vector.extract_strided_slice %get3A_17 {offsets = [0, 2944], sizes = [1, 128], strides = [1, 1]} : vector<1x8192xf32> to vector<1x128xf32>
    %add3A_331 = vector.broadcast %mul3A_10 : vector<1024x1xf32> to vector<1024x128xf32>
    %add3A_332 = vector.broadcast %slice3A_330 : vector<1x128xf32> to vector<1024x128xf32>
    %add3A_333 = arith.addf %add3A_331, %add3A_332 : vector<1024x128xf32>
    %slice3A_334 = vector.extract_strided_slice %dot_general3A_14 {offsets = [0, 2944], sizes = [1024, 128], strides = [1, 1]} : vector<1024x8192xf32> to vector<1024x128xf32>
    %sub3A_335 = arith.subf %add3A_333, %slice3A_334 : vector<1024x128xf32>
    %lt3A_336 = arith.cmpf olt, %sub3A_335, %select_n3A_323 : vector<1024x128xf32>
    %select_n3A_337 = arith.select %lt3A_336, %sub3A_335, %select_n3A_323 : vector<1024x128xi1>, vector<1024x128xf32>
    %add3A_338 = arith.constant 2.944000e+03 : f32
    %add3A_339 = vector.broadcast %add3A_338 : f32 to vector<1x128xf32>
    %add3A_340 = arith.addf %convert_element_type3A_18, %add3A_339 : vector<1x128xf32>
    %broadcast_in_dim3A_341 = vector.shape_cast %add3A_340 : vector<1x128xf32> to vector<1x128xf32>
    %broadcast_in_dim3A_342 = vector.broadcast %broadcast_in_dim3A_341 : vector<1x128xf32> to vector<1024x128xf32>
    %select_n3A_343 = arith.select %lt3A_336, %broadcast_in_dim3A_342, %select_n3A_329 : vector<1024x128xi1>, vector<1024x128xf32>
    %slice3A_344 = vector.extract_strided_slice %get3A_17 {offsets = [0, 3072], sizes = [1, 128], strides = [1, 1]} : vector<1x8192xf32> to vector<1x128xf32>
    %add3A_345 = vector.broadcast %mul3A_10 : vector<1024x1xf32> to vector<1024x128xf32>
    %add3A_346 = vector.broadcast %slice3A_344 : vector<1x128xf32> to vector<1024x128xf32>
    %add3A_347 = arith.addf %add3A_345, %add3A_346 : vector<1024x128xf32>
    %slice3A_348 = vector.extract_strided_slice %dot_general3A_14 {offsets = [0, 3072], sizes = [1024, 128], strides = [1, 1]} : vector<1024x8192xf32> to vector<1024x128xf32>
    %sub3A_349 = arith.subf %add3A_347, %slice3A_348 : vector<1024x128xf32>
    %lt3A_350 = arith.cmpf olt, %sub3A_349, %select_n3A_337 : vector<1024x128xf32>
    %select_n3A_351 = arith.select %lt3A_350, %sub3A_349, %select_n3A_337 : vector<1024x128xi1>, vector<1024x128xf32>
    %add3A_352 = arith.constant 3.072000e+03 : f32
    %add3A_353 = vector.broadcast %add3A_352 : f32 to vector<1x128xf32>
    %add3A_354 = arith.addf %convert_element_type3A_18, %add3A_353 : vector<1x128xf32>
    %broadcast_in_dim3A_355 = vector.shape_cast %add3A_354 : vector<1x128xf32> to vector<1x128xf32>
    %broadcast_in_dim3A_356 = vector.broadcast %broadcast_in_dim3A_355 : vector<1x128xf32> to vector<1024x128xf32>
    %select_n3A_357 = arith.select %lt3A_350, %broadcast_in_dim3A_356, %select_n3A_343 : vector<1024x128xi1>, vector<1024x128xf32>
    %slice3A_358 = vector.extract_strided_slice %get3A_17 {offsets = [0, 3200], sizes = [1, 128], strides = [1, 1]} : vector<1x8192xf32> to vector<1x128xf32>
    %add3A_359 = vector.broadcast %mul3A_10 : vector<1024x1xf32> to vector<1024x128xf32>
    %add3A_360 = vector.broadcast %slice3A_358 : vector<1x128xf32> to vector<1024x128xf32>
    %add3A_361 = arith.addf %add3A_359, %add3A_360 : vector<1024x128xf32>
    %slice3A_362 = vector.extract_strided_slice %dot_general3A_14 {offsets = [0, 3200], sizes = [1024, 128], strides = [1, 1]} : vector<1024x8192xf32> to vector<1024x128xf32>
    %sub3A_363 = arith.subf %add3A_361, %slice3A_362 : vector<1024x128xf32>
    %lt3A_364 = arith.cmpf olt, %sub3A_363, %select_n3A_351 : vector<1024x128xf32>
    %select_n3A_365 = arith.select %lt3A_364, %sub3A_363, %select_n3A_351 : vector<1024x128xi1>, vector<1024x128xf32>
    %add3A_366 = arith.constant 3.200000e+03 : f32
    %add3A_367 = vector.broadcast %add3A_366 : f32 to vector<1x128xf32>
    %add3A_368 = arith.addf %convert_element_type3A_18, %add3A_367 : vector<1x128xf32>
    %broadcast_in_dim3A_369 = vector.shape_cast %add3A_368 : vector<1x128xf32> to vector<1x128xf32>
    %broadcast_in_dim3A_370 = vector.broadcast %broadcast_in_dim3A_369 : vector<1x128xf32> to vector<1024x128xf32>
    %select_n3A_371 = arith.select %lt3A_364, %broadcast_in_dim3A_370, %select_n3A_357 : vector<1024x128xi1>, vector<1024x128xf32>
    %slice3A_372 = vector.extract_strided_slice %get3A_17 {offsets = [0, 3328], sizes = [1, 128], strides = [1, 1]} : vector<1x8192xf32> to vector<1x128xf32>
    %add3A_373 = vector.broadcast %mul3A_10 : vector<1024x1xf32> to vector<1024x128xf32>
    %add3A_374 = vector.broadcast %slice3A_372 : vector<1x128xf32> to vector<1024x128xf32>
    %add3A_375 = arith.addf %add3A_373, %add3A_374 : vector<1024x128xf32>
    %slice3A_376 = vector.extract_strided_slice %dot_general3A_14 {offsets = [0, 3328], sizes = [1024, 128], strides = [1, 1]} : vector<1024x8192xf32> to vector<1024x128xf32>
    %sub3A_377 = arith.subf %add3A_375, %slice3A_376 : vector<1024x128xf32>
    %lt3A_378 = arith.cmpf olt, %sub3A_377, %select_n3A_365 : vector<1024x128xf32>
    %select_n3A_379 = arith.select %lt3A_378, %sub3A_377, %select_n3A_365 : vector<1024x128xi1>, vector<1024x128xf32>
    %add3A_380 = arith.constant 3.328000e+03 : f32
    %add3A_381 = vector.broadcast %add3A_380 : f32 to vector<1x128xf32>
    %add3A_382 = arith.addf %convert_element_type3A_18, %add3A_381 : vector<1x128xf32>
    %broadcast_in_dim3A_383 = vector.shape_cast %add3A_382 : vector<1x128xf32> to vector<1x128xf32>
    %broadcast_in_dim3A_384 = vector.broadcast %broadcast_in_dim3A_383 : vector<1x128xf32> to vector<1024x128xf32>
    %select_n3A_385 = arith.select %lt3A_378, %broadcast_in_dim3A_384, %select_n3A_371 : vector<1024x128xi1>, vector<1024x128xf32>
    %slice3A_386 = vector.extract_strided_slice %get3A_17 {offsets = [0, 3456], sizes = [1, 128], strides = [1, 1]} : vector<1x8192xf32> to vector<1x128xf32>
    %add3A_387 = vector.broadcast %mul3A_10 : vector<1024x1xf32> to vector<1024x128xf32>
    %add3A_388 = vector.broadcast %slice3A_386 : vector<1x128xf32> to vector<1024x128xf32>
    %add3A_389 = arith.addf %add3A_387, %add3A_388 : vector<1024x128xf32>
    %slice3A_390 = vector.extract_strided_slice %dot_general3A_14 {offsets = [0, 3456], sizes = [1024, 128], strides = [1, 1]} : vector<1024x8192xf32> to vector<1024x128xf32>
    %sub3A_391 = arith.subf %add3A_389, %slice3A_390 : vector<1024x128xf32>
    %lt3A_392 = arith.cmpf olt, %sub3A_391, %select_n3A_379 : vector<1024x128xf32>
    %select_n3A_393 = arith.select %lt3A_392, %sub3A_391, %select_n3A_379 : vector<1024x128xi1>, vector<1024x128xf32>
    %add3A_394 = arith.constant 3.456000e+03 : f32
    %add3A_395 = vector.broadcast %add3A_394 : f32 to vector<1x128xf32>
    %add3A_396 = arith.addf %convert_element_type3A_18, %add3A_395 : vector<1x128xf32>
    %broadcast_in_dim3A_397 = vector.shape_cast %add3A_396 : vector<1x128xf32> to vector<1x128xf32>
    %broadcast_in_dim3A_398 = vector.broadcast %broadcast_in_dim3A_397 : vector<1x128xf32> to vector<1024x128xf32>
    %select_n3A_399 = arith.select %lt3A_392, %broadcast_in_dim3A_398, %select_n3A_385 : vector<1024x128xi1>, vector<1024x128xf32>
    %slice3A_400 = vector.extract_strided_slice %get3A_17 {offsets = [0, 3584], sizes = [1, 128], strides = [1, 1]} : vector<1x8192xf32> to vector<1x128xf32>
    %add3A_401 = vector.broadcast %mul3A_10 : vector<1024x1xf32> to vector<1024x128xf32>
    %add3A_402 = vector.broadcast %slice3A_400 : vector<1x128xf32> to vector<1024x128xf32>
    %add3A_403 = arith.addf %add3A_401, %add3A_402 : vector<1024x128xf32>
    %slice3A_404 = vector.extract_strided_slice %dot_general3A_14 {offsets = [0, 3584], sizes = [1024, 128], strides = [1, 1]} : vector<1024x8192xf32> to vector<1024x128xf32>
    %sub3A_405 = arith.subf %add3A_403, %slice3A_404 : vector<1024x128xf32>
    %lt3A_406 = arith.cmpf olt, %sub3A_405, %select_n3A_393 : vector<1024x128xf32>
    %select_n3A_407 = arith.select %lt3A_406, %sub3A_405, %select_n3A_393 : vector<1024x128xi1>, vector<1024x128xf32>
    %add3A_408 = arith.constant 3.584000e+03 : f32
    %add3A_409 = vector.broadcast %add3A_408 : f32 to vector<1x128xf32>
    %add3A_410 = arith.addf %convert_element_type3A_18, %add3A_409 : vector<1x128xf32>
    %broadcast_in_dim3A_411 = vector.shape_cast %add3A_410 : vector<1x128xf32> to vector<1x128xf32>
    %broadcast_in_dim3A_412 = vector.broadcast %broadcast_in_dim3A_411 : vector<1x128xf32> to vector<1024x128xf32>
    %select_n3A_413 = arith.select %lt3A_406, %broadcast_in_dim3A_412, %select_n3A_399 : vector<1024x128xi1>, vector<1024x128xf32>
    %slice3A_414 = vector.extract_strided_slice %get3A_17 {offsets = [0, 3712], sizes = [1, 128], strides = [1, 1]} : vector<1x8192xf32> to vector<1x128xf32>
    %add3A_415 = vector.broadcast %mul3A_10 : vector<1024x1xf32> to vector<1024x128xf32>
    %add3A_416 = vector.broadcast %slice3A_414 : vector<1x128xf32> to vector<1024x128xf32>
    %add3A_417 = arith.addf %add3A_415, %add3A_416 : vector<1024x128xf32>
    %slice3A_418 = vector.extract_strided_slice %dot_general3A_14 {offsets = [0, 3712], sizes = [1024, 128], strides = [1, 1]} : vector<1024x8192xf32> to vector<1024x128xf32>
    %sub3A_419 = arith.subf %add3A_417, %slice3A_418 : vector<1024x128xf32>
    %lt3A_420 = arith.cmpf olt, %sub3A_419, %select_n3A_407 : vector<1024x128xf32>
    %select_n3A_421 = arith.select %lt3A_420, %sub3A_419, %select_n3A_407 : vector<1024x128xi1>, vector<1024x128xf32>
    %add3A_422 = arith.constant 3.712000e+03 : f32
    %add3A_423 = vector.broadcast %add3A_422 : f32 to vector<1x128xf32>
    %add3A_424 = arith.addf %convert_element_type3A_18, %add3A_423 : vector<1x128xf32>
    %broadcast_in_dim3A_425 = vector.shape_cast %add3A_424 : vector<1x128xf32> to vector<1x128xf32>
    %broadcast_in_dim3A_426 = vector.broadcast %broadcast_in_dim3A_425 : vector<1x128xf32> to vector<1024x128xf32>
    %select_n3A_427 = arith.select %lt3A_420, %broadcast_in_dim3A_426, %select_n3A_413 : vector<1024x128xi1>, vector<1024x128xf32>
    %slice3A_428 = vector.extract_strided_slice %get3A_17 {offsets = [0, 3840], sizes = [1, 128], strides = [1, 1]} : vector<1x8192xf32> to vector<1x128xf32>
    %add3A_429 = vector.broadcast %mul3A_10 : vector<1024x1xf32> to vector<1024x128xf32>
    %add3A_430 = vector.broadcast %slice3A_428 : vector<1x128xf32> to vector<1024x128xf32>
    %add3A_431 = arith.addf %add3A_429, %add3A_430 : vector<1024x128xf32>
    %slice3A_432 = vector.extract_strided_slice %dot_general3A_14 {offsets = [0, 3840], sizes = [1024, 128], strides = [1, 1]} : vector<1024x8192xf32> to vector<1024x128xf32>
    %sub3A_433 = arith.subf %add3A_431, %slice3A_432 : vector<1024x128xf32>
    %lt3A_434 = arith.cmpf olt, %sub3A_433, %select_n3A_421 : vector<1024x128xf32>
    %select_n3A_435 = arith.select %lt3A_434, %sub3A_433, %select_n3A_421 : vector<1024x128xi1>, vector<1024x128xf32>
    %add3A_436 = arith.constant 3.840000e+03 : f32
    %add3A_437 = vector.broadcast %add3A_436 : f32 to vector<1x128xf32>
    %add3A_438 = arith.addf %convert_element_type3A_18, %add3A_437 : vector<1x128xf32>
    %broadcast_in_dim3A_439 = vector.shape_cast %add3A_438 : vector<1x128xf32> to vector<1x128xf32>
    %broadcast_in_dim3A_440 = vector.broadcast %broadcast_in_dim3A_439 : vector<1x128xf32> to vector<1024x128xf32>
    %select_n3A_441 = arith.select %lt3A_434, %broadcast_in_dim3A_440, %select_n3A_427 : vector<1024x128xi1>, vector<1024x128xf32>
    %slice3A_442 = vector.extract_strided_slice %get3A_17 {offsets = [0, 3968], sizes = [1, 128], strides = [1, 1]} : vector<1x8192xf32> to vector<1x128xf32>
    %add3A_443 = vector.broadcast %mul3A_10 : vector<1024x1xf32> to vector<1024x128xf32>
    %add3A_444 = vector.broadcast %slice3A_442 : vector<1x128xf32> to vector<1024x128xf32>
    %add3A_445 = arith.addf %add3A_443, %add3A_444 : vector<1024x128xf32>
    %slice3A_446 = vector.extract_strided_slice %dot_general3A_14 {offsets = [0, 3968], sizes = [1024, 128], strides = [1, 1]} : vector<1024x8192xf32> to vector<1024x128xf32>
    %sub3A_447 = arith.subf %add3A_445, %slice3A_446 : vector<1024x128xf32>
    %lt3A_448 = arith.cmpf olt, %sub3A_447, %select_n3A_435 : vector<1024x128xf32>
    %select_n3A_449 = arith.select %lt3A_448, %sub3A_447, %select_n3A_435 : vector<1024x128xi1>, vector<1024x128xf32>
    %add3A_450 = arith.constant 3.968000e+03 : f32
    %add3A_451 = vector.broadcast %add3A_450 : f32 to vector<1x128xf32>
    %add3A_452 = arith.addf %convert_element_type3A_18, %add3A_451 : vector<1x128xf32>
    %broadcast_in_dim3A_453 = vector.shape_cast %add3A_452 : vector<1x128xf32> to vector<1x128xf32>
    %broadcast_in_dim3A_454 = vector.broadcast %broadcast_in_dim3A_453 : vector<1x128xf32> to vector<1024x128xf32>
    %select_n3A_455 = arith.select %lt3A_448, %broadcast_in_dim3A_454, %select_n3A_441 : vector<1024x128xi1>, vector<1024x128xf32>
    %slice3A_456 = vector.extract_strided_slice %get3A_17 {offsets = [0, 4096], sizes = [1, 128], strides = [1, 1]} : vector<1x8192xf32> to vector<1x128xf32>
    %add3A_457 = vector.broadcast %mul3A_10 : vector<1024x1xf32> to vector<1024x128xf32>
    %add3A_458 = vector.broadcast %slice3A_456 : vector<1x128xf32> to vector<1024x128xf32>
    %add3A_459 = arith.addf %add3A_457, %add3A_458 : vector<1024x128xf32>
    %slice3A_460 = vector.extract_strided_slice %dot_general3A_14 {offsets = [0, 4096], sizes = [1024, 128], strides = [1, 1]} : vector<1024x8192xf32> to vector<1024x128xf32>
    %sub3A_461 = arith.subf %add3A_459, %slice3A_460 : vector<1024x128xf32>
    %lt3A_462 = arith.cmpf olt, %sub3A_461, %select_n3A_449 : vector<1024x128xf32>
    %select_n3A_463 = arith.select %lt3A_462, %sub3A_461, %select_n3A_449 : vector<1024x128xi1>, vector<1024x128xf32>
    %add3A_464 = arith.constant 4.096000e+03 : f32
    %add3A_465 = vector.broadcast %add3A_464 : f32 to vector<1x128xf32>
    %add3A_466 = arith.addf %convert_element_type3A_18, %add3A_465 : vector<1x128xf32>
    %broadcast_in_dim3A_467 = vector.shape_cast %add3A_466 : vector<1x128xf32> to vector<1x128xf32>
    %broadcast_in_dim3A_468 = vector.broadcast %broadcast_in_dim3A_467 : vector<1x128xf32> to vector<1024x128xf32>
    %select_n3A_469 = arith.select %lt3A_462, %broadcast_in_dim3A_468, %select_n3A_455 : vector<1024x128xi1>, vector<1024x128xf32>
    %slice3A_470 = vector.extract_strided_slice %get3A_17 {offsets = [0, 4224], sizes = [1, 128], strides = [1, 1]} : vector<1x8192xf32> to vector<1x128xf32>
    %add3A_471 = vector.broadcast %mul3A_10 : vector<1024x1xf32> to vector<1024x128xf32>
    %add3A_472 = vector.broadcast %slice3A_470 : vector<1x128xf32> to vector<1024x128xf32>
    %add3A_473 = arith.addf %add3A_471, %add3A_472 : vector<1024x128xf32>
    %slice3A_474 = vector.extract_strided_slice %dot_general3A_14 {offsets = [0, 4224], sizes = [1024, 128], strides = [1, 1]} : vector<1024x8192xf32> to vector<1024x128xf32>
    %sub3A_475 = arith.subf %add3A_473, %slice3A_474 : vector<1024x128xf32>
    %lt3A_476 = arith.cmpf olt, %sub3A_475, %select_n3A_463 : vector<1024x128xf32>
    %select_n3A_477 = arith.select %lt3A_476, %sub3A_475, %select_n3A_463 : vector<1024x128xi1>, vector<1024x128xf32>
    %add3A_478 = arith.constant 4.224000e+03 : f32
    %add3A_479 = vector.broadcast %add3A_478 : f32 to vector<1x128xf32>
    %add3A_480 = arith.addf %convert_element_type3A_18, %add3A_479 : vector<1x128xf32>
    %broadcast_in_dim3A_481 = vector.shape_cast %add3A_480 : vector<1x128xf32> to vector<1x128xf32>
    %broadcast_in_dim3A_482 = vector.broadcast %broadcast_in_dim3A_481 : vector<1x128xf32> to vector<1024x128xf32>
    %select_n3A_483 = arith.select %lt3A_476, %broadcast_in_dim3A_482, %select_n3A_469 : vector<1024x128xi1>, vector<1024x128xf32>
    %slice3A_484 = vector.extract_strided_slice %get3A_17 {offsets = [0, 4352], sizes = [1, 128], strides = [1, 1]} : vector<1x8192xf32> to vector<1x128xf32>
    %add3A_485 = vector.broadcast %mul3A_10 : vector<1024x1xf32> to vector<1024x128xf32>
    %add3A_486 = vector.broadcast %slice3A_484 : vector<1x128xf32> to vector<1024x128xf32>
    %add3A_487 = arith.addf %add3A_485, %add3A_486 : vector<1024x128xf32>
    %slice3A_488 = vector.extract_strided_slice %dot_general3A_14 {offsets = [0, 4352], sizes = [1024, 128], strides = [1, 1]} : vector<1024x8192xf32> to vector<1024x128xf32>
    %sub3A_489 = arith.subf %add3A_487, %slice3A_488 : vector<1024x128xf32>
    %lt3A_490 = arith.cmpf olt, %sub3A_489, %select_n3A_477 : vector<1024x128xf32>
    %select_n3A_491 = arith.select %lt3A_490, %sub3A_489, %select_n3A_477 : vector<1024x128xi1>, vector<1024x128xf32>
    %add3A_492 = arith.constant 4.352000e+03 : f32
    %add3A_493 = vector.broadcast %add3A_492 : f32 to vector<1x128xf32>
    %add3A_494 = arith.addf %convert_element_type3A_18, %add3A_493 : vector<1x128xf32>
    %broadcast_in_dim3A_495 = vector.shape_cast %add3A_494 : vector<1x128xf32> to vector<1x128xf32>
    %broadcast_in_dim3A_496 = vector.broadcast %broadcast_in_dim3A_495 : vector<1x128xf32> to vector<1024x128xf32>
    %select_n3A_497 = arith.select %lt3A_490, %broadcast_in_dim3A_496, %select_n3A_483 : vector<1024x128xi1>, vector<1024x128xf32>
    %slice3A_498 = vector.extract_strided_slice %get3A_17 {offsets = [0, 4480], sizes = [1, 128], strides = [1, 1]} : vector<1x8192xf32> to vector<1x128xf32>
    %add3A_499 = vector.broadcast %mul3A_10 : vector<1024x1xf32> to vector<1024x128xf32>
    %add3A_500 = vector.broadcast %slice3A_498 : vector<1x128xf32> to vector<1024x128xf32>
    %add3A_501 = arith.addf %add3A_499, %add3A_500 : vector<1024x128xf32>
    %slice3A_502 = vector.extract_strided_slice %dot_general3A_14 {offsets = [0, 4480], sizes = [1024, 128], strides = [1, 1]} : vector<1024x8192xf32> to vector<1024x128xf32>
    %sub3A_503 = arith.subf %add3A_501, %slice3A_502 : vector<1024x128xf32>
    %lt3A_504 = arith.cmpf olt, %sub3A_503, %select_n3A_491 : vector<1024x128xf32>
    %select_n3A_505 = arith.select %lt3A_504, %sub3A_503, %select_n3A_491 : vector<1024x128xi1>, vector<1024x128xf32>
    %add3A_506 = arith.constant 4.480000e+03 : f32
    %add3A_507 = vector.broadcast %add3A_506 : f32 to vector<1x128xf32>
    %add3A_508 = arith.addf %convert_element_type3A_18, %add3A_507 : vector<1x128xf32>
    %broadcast_in_dim3A_509 = vector.shape_cast %add3A_508 : vector<1x128xf32> to vector<1x128xf32>
    %broadcast_in_dim3A_510 = vector.broadcast %broadcast_in_dim3A_509 : vector<1x128xf32> to vector<1024x128xf32>
    %select_n3A_511 = arith.select %lt3A_504, %broadcast_in_dim3A_510, %select_n3A_497 : vector<1024x128xi1>, vector<1024x128xf32>
    %slice3A_512 = vector.extract_strided_slice %get3A_17 {offsets = [0, 4608], sizes = [1, 128], strides = [1, 1]} : vector<1x8192xf32> to vector<1x128xf32>
    %add3A_513 = vector.broadcast %mul3A_10 : vector<1024x1xf32> to vector<1024x128xf32>
    %add3A_514 = vector.broadcast %slice3A_512 : vector<1x128xf32> to vector<1024x128xf32>
    %add3A_515 = arith.addf %add3A_513, %add3A_514 : vector<1024x128xf32>
    %slice3A_516 = vector.extract_strided_slice %dot_general3A_14 {offsets = [0, 4608], sizes = [1024, 128], strides = [1, 1]} : vector<1024x8192xf32> to vector<1024x128xf32>
    %sub3A_517 = arith.subf %add3A_515, %slice3A_516 : vector<1024x128xf32>
    %lt3A_518 = arith.cmpf olt, %sub3A_517, %select_n3A_505 : vector<1024x128xf32>
    %select_n3A_519 = arith.select %lt3A_518, %sub3A_517, %select_n3A_505 : vector<1024x128xi1>, vector<1024x128xf32>
    %add3A_520 = arith.constant 4.608000e+03 : f32
    %add3A_521 = vector.broadcast %add3A_520 : f32 to vector<1x128xf32>
    %add3A_522 = arith.addf %convert_element_type3A_18, %add3A_521 : vector<1x128xf32>
    %broadcast_in_dim3A_523 = vector.shape_cast %add3A_522 : vector<1x128xf32> to vector<1x128xf32>
    %broadcast_in_dim3A_524 = vector.broadcast %broadcast_in_dim3A_523 : vector<1x128xf32> to vector<1024x128xf32>
    %select_n3A_525 = arith.select %lt3A_518, %broadcast_in_dim3A_524, %select_n3A_511 : vector<1024x128xi1>, vector<1024x128xf32>
    %slice3A_526 = vector.extract_strided_slice %get3A_17 {offsets = [0, 4736], sizes = [1, 128], strides = [1, 1]} : vector<1x8192xf32> to vector<1x128xf32>
    %add3A_527 = vector.broadcast %mul3A_10 : vector<1024x1xf32> to vector<1024x128xf32>
    %add3A_528 = vector.broadcast %slice3A_526 : vector<1x128xf32> to vector<1024x128xf32>
    %add3A_529 = arith.addf %add3A_527, %add3A_528 : vector<1024x128xf32>
    %slice3A_530 = vector.extract_strided_slice %dot_general3A_14 {offsets = [0, 4736], sizes = [1024, 128], strides = [1, 1]} : vector<1024x8192xf32> to vector<1024x128xf32>
    %sub3A_531 = arith.subf %add3A_529, %slice3A_530 : vector<1024x128xf32>
    %lt3A_532 = arith.cmpf olt, %sub3A_531, %select_n3A_519 : vector<1024x128xf32>
    %select_n3A_533 = arith.select %lt3A_532, %sub3A_531, %select_n3A_519 : vector<1024x128xi1>, vector<1024x128xf32>
    %add3A_534 = arith.constant 4.736000e+03 : f32
    %add3A_535 = vector.broadcast %add3A_534 : f32 to vector<1x128xf32>
    %add3A_536 = arith.addf %convert_element_type3A_18, %add3A_535 : vector<1x128xf32>
    %broadcast_in_dim3A_537 = vector.shape_cast %add3A_536 : vector<1x128xf32> to vector<1x128xf32>
    %broadcast_in_dim3A_538 = vector.broadcast %broadcast_in_dim3A_537 : vector<1x128xf32> to vector<1024x128xf32>
    %select_n3A_539 = arith.select %lt3A_532, %broadcast_in_dim3A_538, %select_n3A_525 : vector<1024x128xi1>, vector<1024x128xf32>
    %slice3A_540 = vector.extract_strided_slice %get3A_17 {offsets = [0, 4864], sizes = [1, 128], strides = [1, 1]} : vector<1x8192xf32> to vector<1x128xf32>
    %add3A_541 = vector.broadcast %mul3A_10 : vector<1024x1xf32> to vector<1024x128xf32>
    %add3A_542 = vector.broadcast %slice3A_540 : vector<1x128xf32> to vector<1024x128xf32>
    %add3A_543 = arith.addf %add3A_541, %add3A_542 : vector<1024x128xf32>
    %slice3A_544 = vector.extract_strided_slice %dot_general3A_14 {offsets = [0, 4864], sizes = [1024, 128], strides = [1, 1]} : vector<1024x8192xf32> to vector<1024x128xf32>
    %sub3A_545 = arith.subf %add3A_543, %slice3A_544 : vector<1024x128xf32>
    %lt3A_546 = arith.cmpf olt, %sub3A_545, %select_n3A_533 : vector<1024x128xf32>
    %select_n3A_547 = arith.select %lt3A_546, %sub3A_545, %select_n3A_533 : vector<1024x128xi1>, vector<1024x128xf32>
    %add3A_548 = arith.constant 4.864000e+03 : f32
    %add3A_549 = vector.broadcast %add3A_548 : f32 to vector<1x128xf32>
    %add3A_550 = arith.addf %convert_element_type3A_18, %add3A_549 : vector<1x128xf32>
    %broadcast_in_dim3A_551 = vector.shape_cast %add3A_550 : vector<1x128xf32> to vector<1x128xf32>
    %broadcast_in_dim3A_552 = vector.broadcast %broadcast_in_dim3A_551 : vector<1x128xf32> to vector<1024x128xf32>
    %select_n3A_553 = arith.select %lt3A_546, %broadcast_in_dim3A_552, %select_n3A_539 : vector<1024x128xi1>, vector<1024x128xf32>
    %slice3A_554 = vector.extract_strided_slice %get3A_17 {offsets = [0, 4992], sizes = [1, 128], strides = [1, 1]} : vector<1x8192xf32> to vector<1x128xf32>
    %add3A_555 = vector.broadcast %mul3A_10 : vector<1024x1xf32> to vector<1024x128xf32>
    %add3A_556 = vector.broadcast %slice3A_554 : vector<1x128xf32> to vector<1024x128xf32>
    %add3A_557 = arith.addf %add3A_555, %add3A_556 : vector<1024x128xf32>
    %slice3A_558 = vector.extract_strided_slice %dot_general3A_14 {offsets = [0, 4992], sizes = [1024, 128], strides = [1, 1]} : vector<1024x8192xf32> to vector<1024x128xf32>
    %sub3A_559 = arith.subf %add3A_557, %slice3A_558 : vector<1024x128xf32>
    %lt3A_560 = arith.cmpf olt, %sub3A_559, %select_n3A_547 : vector<1024x128xf32>
    %select_n3A_561 = arith.select %lt3A_560, %sub3A_559, %select_n3A_547 : vector<1024x128xi1>, vector<1024x128xf32>
    %add3A_562 = arith.constant 4.992000e+03 : f32
    %add3A_563 = vector.broadcast %add3A_562 : f32 to vector<1x128xf32>
    %add3A_564 = arith.addf %convert_element_type3A_18, %add3A_563 : vector<1x128xf32>
    %broadcast_in_dim3A_565 = vector.shape_cast %add3A_564 : vector<1x128xf32> to vector<1x128xf32>
    %broadcast_in_dim3A_566 = vector.broadcast %broadcast_in_dim3A_565 : vector<1x128xf32> to vector<1024x128xf32>
    %select_n3A_567 = arith.select %lt3A_560, %broadcast_in_dim3A_566, %select_n3A_553 : vector<1024x128xi1>, vector<1024x128xf32>
    %slice3A_568 = vector.extract_strided_slice %get3A_17 {offsets = [0, 5120], sizes = [1, 128], strides = [1, 1]} : vector<1x8192xf32> to vector<1x128xf32>
    %add3A_569 = vector.broadcast %mul3A_10 : vector<1024x1xf32> to vector<1024x128xf32>
    %add3A_570 = vector.broadcast %slice3A_568 : vector<1x128xf32> to vector<1024x128xf32>
    %add3A_571 = arith.addf %add3A_569, %add3A_570 : vector<1024x128xf32>
    %slice3A_572 = vector.extract_strided_slice %dot_general3A_14 {offsets = [0, 5120], sizes = [1024, 128], strides = [1, 1]} : vector<1024x8192xf32> to vector<1024x128xf32>
    %sub3A_573 = arith.subf %add3A_571, %slice3A_572 : vector<1024x128xf32>
    %lt3A_574 = arith.cmpf olt, %sub3A_573, %select_n3A_561 : vector<1024x128xf32>
    %select_n3A_575 = arith.select %lt3A_574, %sub3A_573, %select_n3A_561 : vector<1024x128xi1>, vector<1024x128xf32>
    %add3A_576 = arith.constant 5.120000e+03 : f32
    %add3A_577 = vector.broadcast %add3A_576 : f32 to vector<1x128xf32>
    %add3A_578 = arith.addf %convert_element_type3A_18, %add3A_577 : vector<1x128xf32>
    %broadcast_in_dim3A_579 = vector.shape_cast %add3A_578 : vector<1x128xf32> to vector<1x128xf32>
    %broadcast_in_dim3A_580 = vector.broadcast %broadcast_in_dim3A_579 : vector<1x128xf32> to vector<1024x128xf32>
    %select_n3A_581 = arith.select %lt3A_574, %broadcast_in_dim3A_580, %select_n3A_567 : vector<1024x128xi1>, vector<1024x128xf32>
    %slice3A_582 = vector.extract_strided_slice %get3A_17 {offsets = [0, 5248], sizes = [1, 128], strides = [1, 1]} : vector<1x8192xf32> to vector<1x128xf32>
    %add3A_583 = vector.broadcast %mul3A_10 : vector<1024x1xf32> to vector<1024x128xf32>
    %add3A_584 = vector.broadcast %slice3A_582 : vector<1x128xf32> to vector<1024x128xf32>
    %add3A_585 = arith.addf %add3A_583, %add3A_584 : vector<1024x128xf32>
    %slice3A_586 = vector.extract_strided_slice %dot_general3A_14 {offsets = [0, 5248], sizes = [1024, 128], strides = [1, 1]} : vector<1024x8192xf32> to vector<1024x128xf32>
    %sub3A_587 = arith.subf %add3A_585, %slice3A_586 : vector<1024x128xf32>
    %lt3A_588 = arith.cmpf olt, %sub3A_587, %select_n3A_575 : vector<1024x128xf32>
    %select_n3A_589 = arith.select %lt3A_588, %sub3A_587, %select_n3A_575 : vector<1024x128xi1>, vector<1024x128xf32>
    %add3A_590 = arith.constant 5.248000e+03 : f32
    %add3A_591 = vector.broadcast %add3A_590 : f32 to vector<1x128xf32>
    %add3A_592 = arith.addf %convert_element_type3A_18, %add3A_591 : vector<1x128xf32>
    %broadcast_in_dim3A_593 = vector.shape_cast %add3A_592 : vector<1x128xf32> to vector<1x128xf32>
    %broadcast_in_dim3A_594 = vector.broadcast %broadcast_in_dim3A_593 : vector<1x128xf32> to vector<1024x128xf32>
    %select_n3A_595 = arith.select %lt3A_588, %broadcast_in_dim3A_594, %select_n3A_581 : vector<1024x128xi1>, vector<1024x128xf32>
    %slice3A_596 = vector.extract_strided_slice %get3A_17 {offsets = [0, 5376], sizes = [1, 128], strides = [1, 1]} : vector<1x8192xf32> to vector<1x128xf32>
    %add3A_597 = vector.broadcast %mul3A_10 : vector<1024x1xf32> to vector<1024x128xf32>
    %add3A_598 = vector.broadcast %slice3A_596 : vector<1x128xf32> to vector<1024x128xf32>
    %add3A_599 = arith.addf %add3A_597, %add3A_598 : vector<1024x128xf32>
    %slice3A_600 = vector.extract_strided_slice %dot_general3A_14 {offsets = [0, 5376], sizes = [1024, 128], strides = [1, 1]} : vector<1024x8192xf32> to vector<1024x128xf32>
    %sub3A_601 = arith.subf %add3A_599, %slice3A_600 : vector<1024x128xf32>
    %lt3A_602 = arith.cmpf olt, %sub3A_601, %select_n3A_589 : vector<1024x128xf32>
    %select_n3A_603 = arith.select %lt3A_602, %sub3A_601, %select_n3A_589 : vector<1024x128xi1>, vector<1024x128xf32>
    %add3A_604 = arith.constant 5.376000e+03 : f32
    %add3A_605 = vector.broadcast %add3A_604 : f32 to vector<1x128xf32>
    %add3A_606 = arith.addf %convert_element_type3A_18, %add3A_605 : vector<1x128xf32>
    %broadcast_in_dim3A_607 = vector.shape_cast %add3A_606 : vector<1x128xf32> to vector<1x128xf32>
    %broadcast_in_dim3A_608 = vector.broadcast %broadcast_in_dim3A_607 : vector<1x128xf32> to vector<1024x128xf32>
    %select_n3A_609 = arith.select %lt3A_602, %broadcast_in_dim3A_608, %select_n3A_595 : vector<1024x128xi1>, vector<1024x128xf32>
    %slice3A_610 = vector.extract_strided_slice %get3A_17 {offsets = [0, 5504], sizes = [1, 128], strides = [1, 1]} : vector<1x8192xf32> to vector<1x128xf32>
    %add3A_611 = vector.broadcast %mul3A_10 : vector<1024x1xf32> to vector<1024x128xf32>
    %add3A_612 = vector.broadcast %slice3A_610 : vector<1x128xf32> to vector<1024x128xf32>
    %add3A_613 = arith.addf %add3A_611, %add3A_612 : vector<1024x128xf32>
    %slice3A_614 = vector.extract_strided_slice %dot_general3A_14 {offsets = [0, 5504], sizes = [1024, 128], strides = [1, 1]} : vector<1024x8192xf32> to vector<1024x128xf32>
    %sub3A_615 = arith.subf %add3A_613, %slice3A_614 : vector<1024x128xf32>
    %lt3A_616 = arith.cmpf olt, %sub3A_615, %select_n3A_603 : vector<1024x128xf32>
    %select_n3A_617 = arith.select %lt3A_616, %sub3A_615, %select_n3A_603 : vector<1024x128xi1>, vector<1024x128xf32>
    %add3A_618 = arith.constant 5.504000e+03 : f32
    %add3A_619 = vector.broadcast %add3A_618 : f32 to vector<1x128xf32>
    %add3A_620 = arith.addf %convert_element_type3A_18, %add3A_619 : vector<1x128xf32>
    %broadcast_in_dim3A_621 = vector.shape_cast %add3A_620 : vector<1x128xf32> to vector<1x128xf32>
    %broadcast_in_dim3A_622 = vector.broadcast %broadcast_in_dim3A_621 : vector<1x128xf32> to vector<1024x128xf32>
    %select_n3A_623 = arith.select %lt3A_616, %broadcast_in_dim3A_622, %select_n3A_609 : vector<1024x128xi1>, vector<1024x128xf32>
    %slice3A_624 = vector.extract_strided_slice %get3A_17 {offsets = [0, 5632], sizes = [1, 128], strides = [1, 1]} : vector<1x8192xf32> to vector<1x128xf32>
    %add3A_625 = vector.broadcast %mul3A_10 : vector<1024x1xf32> to vector<1024x128xf32>
    %add3A_626 = vector.broadcast %slice3A_624 : vector<1x128xf32> to vector<1024x128xf32>
    %add3A_627 = arith.addf %add3A_625, %add3A_626 : vector<1024x128xf32>
    %slice3A_628 = vector.extract_strided_slice %dot_general3A_14 {offsets = [0, 5632], sizes = [1024, 128], strides = [1, 1]} : vector<1024x8192xf32> to vector<1024x128xf32>
    %sub3A_629 = arith.subf %add3A_627, %slice3A_628 : vector<1024x128xf32>
    %lt3A_630 = arith.cmpf olt, %sub3A_629, %select_n3A_617 : vector<1024x128xf32>
    %select_n3A_631 = arith.select %lt3A_630, %sub3A_629, %select_n3A_617 : vector<1024x128xi1>, vector<1024x128xf32>
    %add3A_632 = arith.constant 5.632000e+03 : f32
    %add3A_633 = vector.broadcast %add3A_632 : f32 to vector<1x128xf32>
    %add3A_634 = arith.addf %convert_element_type3A_18, %add3A_633 : vector<1x128xf32>
    %broadcast_in_dim3A_635 = vector.shape_cast %add3A_634 : vector<1x128xf32> to vector<1x128xf32>
    %broadcast_in_dim3A_636 = vector.broadcast %broadcast_in_dim3A_635 : vector<1x128xf32> to vector<1024x128xf32>
    %select_n3A_637 = arith.select %lt3A_630, %broadcast_in_dim3A_636, %select_n3A_623 : vector<1024x128xi1>, vector<1024x128xf32>
    %slice3A_638 = vector.extract_strided_slice %get3A_17 {offsets = [0, 5760], sizes = [1, 128], strides = [1, 1]} : vector<1x8192xf32> to vector<1x128xf32>
    %add3A_639 = vector.broadcast %mul3A_10 : vector<1024x1xf32> to vector<1024x128xf32>
    %add3A_640 = vector.broadcast %slice3A_638 : vector<1x128xf32> to vector<1024x128xf32>
    %add3A_641 = arith.addf %add3A_639, %add3A_640 : vector<1024x128xf32>
    %slice3A_642 = vector.extract_strided_slice %dot_general3A_14 {offsets = [0, 5760], sizes = [1024, 128], strides = [1, 1]} : vector<1024x8192xf32> to vector<1024x128xf32>
    %sub3A_643 = arith.subf %add3A_641, %slice3A_642 : vector<1024x128xf32>
    %lt3A_644 = arith.cmpf olt, %sub3A_643, %select_n3A_631 : vector<1024x128xf32>
    %select_n3A_645 = arith.select %lt3A_644, %sub3A_643, %select_n3A_631 : vector<1024x128xi1>, vector<1024x128xf32>
    %add3A_646 = arith.constant 5.760000e+03 : f32
    %add3A_647 = vector.broadcast %add3A_646 : f32 to vector<1x128xf32>
    %add3A_648 = arith.addf %convert_element_type3A_18, %add3A_647 : vector<1x128xf32>
    %broadcast_in_dim3A_649 = vector.shape_cast %add3A_648 : vector<1x128xf32> to vector<1x128xf32>
    %broadcast_in_dim3A_650 = vector.broadcast %broadcast_in_dim3A_649 : vector<1x128xf32> to vector<1024x128xf32>
    %select_n3A_651 = arith.select %lt3A_644, %broadcast_in_dim3A_650, %select_n3A_637 : vector<1024x128xi1>, vector<1024x128xf32>
    %slice3A_652 = vector.extract_strided_slice %get3A_17 {offsets = [0, 5888], sizes = [1, 128], strides = [1, 1]} : vector<1x8192xf32> to vector<1x128xf32>
    %add3A_653 = vector.broadcast %mul3A_10 : vector<1024x1xf32> to vector<1024x128xf32>
    %add3A_654 = vector.broadcast %slice3A_652 : vector<1x128xf32> to vector<1024x128xf32>
    %add3A_655 = arith.addf %add3A_653, %add3A_654 : vector<1024x128xf32>
    %slice3A_656 = vector.extract_strided_slice %dot_general3A_14 {offsets = [0, 5888], sizes = [1024, 128], strides = [1, 1]} : vector<1024x8192xf32> to vector<1024x128xf32>
    %sub3A_657 = arith.subf %add3A_655, %slice3A_656 : vector<1024x128xf32>
    %lt3A_658 = arith.cmpf olt, %sub3A_657, %select_n3A_645 : vector<1024x128xf32>
    %select_n3A_659 = arith.select %lt3A_658, %sub3A_657, %select_n3A_645 : vector<1024x128xi1>, vector<1024x128xf32>
    %add3A_660 = arith.constant 5.888000e+03 : f32
    %add3A_661 = vector.broadcast %add3A_660 : f32 to vector<1x128xf32>
    %add3A_662 = arith.addf %convert_element_type3A_18, %add3A_661 : vector<1x128xf32>
    %broadcast_in_dim3A_663 = vector.shape_cast %add3A_662 : vector<1x128xf32> to vector<1x128xf32>
    %broadcast_in_dim3A_664 = vector.broadcast %broadcast_in_dim3A_663 : vector<1x128xf32> to vector<1024x128xf32>
    %select_n3A_665 = arith.select %lt3A_658, %broadcast_in_dim3A_664, %select_n3A_651 : vector<1024x128xi1>, vector<1024x128xf32>
    %slice3A_666 = vector.extract_strided_slice %get3A_17 {offsets = [0, 6016], sizes = [1, 128], strides = [1, 1]} : vector<1x8192xf32> to vector<1x128xf32>
    %add3A_667 = vector.broadcast %mul3A_10 : vector<1024x1xf32> to vector<1024x128xf32>
    %add3A_668 = vector.broadcast %slice3A_666 : vector<1x128xf32> to vector<1024x128xf32>
    %add3A_669 = arith.addf %add3A_667, %add3A_668 : vector<1024x128xf32>
    %slice3A_670 = vector.extract_strided_slice %dot_general3A_14 {offsets = [0, 6016], sizes = [1024, 128], strides = [1, 1]} : vector<1024x8192xf32> to vector<1024x128xf32>
    %sub3A_671 = arith.subf %add3A_669, %slice3A_670 : vector<1024x128xf32>
    %lt3A_672 = arith.cmpf olt, %sub3A_671, %select_n3A_659 : vector<1024x128xf32>
    %select_n3A_673 = arith.select %lt3A_672, %sub3A_671, %select_n3A_659 : vector<1024x128xi1>, vector<1024x128xf32>
    %add3A_674 = arith.constant 6.016000e+03 : f32
    %add3A_675 = vector.broadcast %add3A_674 : f32 to vector<1x128xf32>
    %add3A_676 = arith.addf %convert_element_type3A_18, %add3A_675 : vector<1x128xf32>
    %broadcast_in_dim3A_677 = vector.shape_cast %add3A_676 : vector<1x128xf32> to vector<1x128xf32>
    %broadcast_in_dim3A_678 = vector.broadcast %broadcast_in_dim3A_677 : vector<1x128xf32> to vector<1024x128xf32>
    %select_n3A_679 = arith.select %lt3A_672, %broadcast_in_dim3A_678, %select_n3A_665 : vector<1024x128xi1>, vector<1024x128xf32>
    %slice3A_680 = vector.extract_strided_slice %get3A_17 {offsets = [0, 6144], sizes = [1, 128], strides = [1, 1]} : vector<1x8192xf32> to vector<1x128xf32>
    %add3A_681 = vector.broadcast %mul3A_10 : vector<1024x1xf32> to vector<1024x128xf32>
    %add3A_682 = vector.broadcast %slice3A_680 : vector<1x128xf32> to vector<1024x128xf32>
    %add3A_683 = arith.addf %add3A_681, %add3A_682 : vector<1024x128xf32>
    %slice3A_684 = vector.extract_strided_slice %dot_general3A_14 {offsets = [0, 6144], sizes = [1024, 128], strides = [1, 1]} : vector<1024x8192xf32> to vector<1024x128xf32>
    %sub3A_685 = arith.subf %add3A_683, %slice3A_684 : vector<1024x128xf32>
    %lt3A_686 = arith.cmpf olt, %sub3A_685, %select_n3A_673 : vector<1024x128xf32>
    %select_n3A_687 = arith.select %lt3A_686, %sub3A_685, %select_n3A_673 : vector<1024x128xi1>, vector<1024x128xf32>
    %add3A_688 = arith.constant 6.144000e+03 : f32
    %add3A_689 = vector.broadcast %add3A_688 : f32 to vector<1x128xf32>
    %add3A_690 = arith.addf %convert_element_type3A_18, %add3A_689 : vector<1x128xf32>
    %broadcast_in_dim3A_691 = vector.shape_cast %add3A_690 : vector<1x128xf32> to vector<1x128xf32>
    %broadcast_in_dim3A_692 = vector.broadcast %broadcast_in_dim3A_691 : vector<1x128xf32> to vector<1024x128xf32>
    %select_n3A_693 = arith.select %lt3A_686, %broadcast_in_dim3A_692, %select_n3A_679 : vector<1024x128xi1>, vector<1024x128xf32>
    %slice3A_694 = vector.extract_strided_slice %get3A_17 {offsets = [0, 6272], sizes = [1, 128], strides = [1, 1]} : vector<1x8192xf32> to vector<1x128xf32>
    %add3A_695 = vector.broadcast %mul3A_10 : vector<1024x1xf32> to vector<1024x128xf32>
    %add3A_696 = vector.broadcast %slice3A_694 : vector<1x128xf32> to vector<1024x128xf32>
    %add3A_697 = arith.addf %add3A_695, %add3A_696 : vector<1024x128xf32>
    %slice3A_698 = vector.extract_strided_slice %dot_general3A_14 {offsets = [0, 6272], sizes = [1024, 128], strides = [1, 1]} : vector<1024x8192xf32> to vector<1024x128xf32>
    %sub3A_699 = arith.subf %add3A_697, %slice3A_698 : vector<1024x128xf32>
    %lt3A_700 = arith.cmpf olt, %sub3A_699, %select_n3A_687 : vector<1024x128xf32>
    %select_n3A_701 = arith.select %lt3A_700, %sub3A_699, %select_n3A_687 : vector<1024x128xi1>, vector<1024x128xf32>
    %add3A_702 = arith.constant 6.272000e+03 : f32
    %add3A_703 = vector.broadcast %add3A_702 : f32 to vector<1x128xf32>
    %add3A_704 = arith.addf %convert_element_type3A_18, %add3A_703 : vector<1x128xf32>
    %broadcast_in_dim3A_705 = vector.shape_cast %add3A_704 : vector<1x128xf32> to vector<1x128xf32>
    %broadcast_in_dim3A_706 = vector.broadcast %broadcast_in_dim3A_705 : vector<1x128xf32> to vector<1024x128xf32>
    %select_n3A_707 = arith.select %lt3A_700, %broadcast_in_dim3A_706, %select_n3A_693 : vector<1024x128xi1>, vector<1024x128xf32>
    %slice3A_708 = vector.extract_strided_slice %get3A_17 {offsets = [0, 6400], sizes = [1, 128], strides = [1, 1]} : vector<1x8192xf32> to vector<1x128xf32>
    %add3A_709 = vector.broadcast %mul3A_10 : vector<1024x1xf32> to vector<1024x128xf32>
    %add3A_710 = vector.broadcast %slice3A_708 : vector<1x128xf32> to vector<1024x128xf32>
    %add3A_711 = arith.addf %add3A_709, %add3A_710 : vector<1024x128xf32>
    %slice3A_712 = vector.extract_strided_slice %dot_general3A_14 {offsets = [0, 6400], sizes = [1024, 128], strides = [1, 1]} : vector<1024x8192xf32> to vector<1024x128xf32>
    %sub3A_713 = arith.subf %add3A_711, %slice3A_712 : vector<1024x128xf32>
    %lt3A_714 = arith.cmpf olt, %sub3A_713, %select_n3A_701 : vector<1024x128xf32>
    %select_n3A_715 = arith.select %lt3A_714, %sub3A_713, %select_n3A_701 : vector<1024x128xi1>, vector<1024x128xf32>
    %add3A_716 = arith.constant 6.400000e+03 : f32
    %add3A_717 = vector.broadcast %add3A_716 : f32 to vector<1x128xf32>
    %add3A_718 = arith.addf %convert_element_type3A_18, %add3A_717 : vector<1x128xf32>
    %broadcast_in_dim3A_719 = vector.shape_cast %add3A_718 : vector<1x128xf32> to vector<1x128xf32>
    %broadcast_in_dim3A_720 = vector.broadcast %broadcast_in_dim3A_719 : vector<1x128xf32> to vector<1024x128xf32>
    %select_n3A_721 = arith.select %lt3A_714, %broadcast_in_dim3A_720, %select_n3A_707 : vector<1024x128xi1>, vector<1024x128xf32>
    %slice3A_722 = vector.extract_strided_slice %get3A_17 {offsets = [0, 6528], sizes = [1, 128], strides = [1, 1]} : vector<1x8192xf32> to vector<1x128xf32>
    %add3A_723 = vector.broadcast %mul3A_10 : vector<1024x1xf32> to vector<1024x128xf32>
    %add3A_724 = vector.broadcast %slice3A_722 : vector<1x128xf32> to vector<1024x128xf32>
    %add3A_725 = arith.addf %add3A_723, %add3A_724 : vector<1024x128xf32>
    %slice3A_726 = vector.extract_strided_slice %dot_general3A_14 {offsets = [0, 6528], sizes = [1024, 128], strides = [1, 1]} : vector<1024x8192xf32> to vector<1024x128xf32>
    %sub3A_727 = arith.subf %add3A_725, %slice3A_726 : vector<1024x128xf32>
    %lt3A_728 = arith.cmpf olt, %sub3A_727, %select_n3A_715 : vector<1024x128xf32>
    %select_n3A_729 = arith.select %lt3A_728, %sub3A_727, %select_n3A_715 : vector<1024x128xi1>, vector<1024x128xf32>
    %add3A_730 = arith.constant 6.528000e+03 : f32
    %add3A_731 = vector.broadcast %add3A_730 : f32 to vector<1x128xf32>
    %add3A_732 = arith.addf %convert_element_type3A_18, %add3A_731 : vector<1x128xf32>
    %broadcast_in_dim3A_733 = vector.shape_cast %add3A_732 : vector<1x128xf32> to vector<1x128xf32>
    %broadcast_in_dim3A_734 = vector.broadcast %broadcast_in_dim3A_733 : vector<1x128xf32> to vector<1024x128xf32>
    %select_n3A_735 = arith.select %lt3A_728, %broadcast_in_dim3A_734, %select_n3A_721 : vector<1024x128xi1>, vector<1024x128xf32>
    %slice3A_736 = vector.extract_strided_slice %get3A_17 {offsets = [0, 6656], sizes = [1, 128], strides = [1, 1]} : vector<1x8192xf32> to vector<1x128xf32>
    %add3A_737 = vector.broadcast %mul3A_10 : vector<1024x1xf32> to vector<1024x128xf32>
    %add3A_738 = vector.broadcast %slice3A_736 : vector<1x128xf32> to vector<1024x128xf32>
    %add3A_739 = arith.addf %add3A_737, %add3A_738 : vector<1024x128xf32>
    %slice3A_740 = vector.extract_strided_slice %dot_general3A_14 {offsets = [0, 6656], sizes = [1024, 128], strides = [1, 1]} : vector<1024x8192xf32> to vector<1024x128xf32>
    %sub3A_741 = arith.subf %add3A_739, %slice3A_740 : vector<1024x128xf32>
    %lt3A_742 = arith.cmpf olt, %sub3A_741, %select_n3A_729 : vector<1024x128xf32>
    %select_n3A_743 = arith.select %lt3A_742, %sub3A_741, %select_n3A_729 : vector<1024x128xi1>, vector<1024x128xf32>
    %add3A_744 = arith.constant 6.656000e+03 : f32
    %add3A_745 = vector.broadcast %add3A_744 : f32 to vector<1x128xf32>
    %add3A_746 = arith.addf %convert_element_type3A_18, %add3A_745 : vector<1x128xf32>
    %broadcast_in_dim3A_747 = vector.shape_cast %add3A_746 : vector<1x128xf32> to vector<1x128xf32>
    %broadcast_in_dim3A_748 = vector.broadcast %broadcast_in_dim3A_747 : vector<1x128xf32> to vector<1024x128xf32>
    %select_n3A_749 = arith.select %lt3A_742, %broadcast_in_dim3A_748, %select_n3A_735 : vector<1024x128xi1>, vector<1024x128xf32>
    %slice3A_750 = vector.extract_strided_slice %get3A_17 {offsets = [0, 6784], sizes = [1, 128], strides = [1, 1]} : vector<1x8192xf32> to vector<1x128xf32>
    %add3A_751 = vector.broadcast %mul3A_10 : vector<1024x1xf32> to vector<1024x128xf32>
    %add3A_752 = vector.broadcast %slice3A_750 : vector<1x128xf32> to vector<1024x128xf32>
    %add3A_753 = arith.addf %add3A_751, %add3A_752 : vector<1024x128xf32>
    %slice3A_754 = vector.extract_strided_slice %dot_general3A_14 {offsets = [0, 6784], sizes = [1024, 128], strides = [1, 1]} : vector<1024x8192xf32> to vector<1024x128xf32>
    %sub3A_755 = arith.subf %add3A_753, %slice3A_754 : vector<1024x128xf32>
    %lt3A_756 = arith.cmpf olt, %sub3A_755, %select_n3A_743 : vector<1024x128xf32>
    %select_n3A_757 = arith.select %lt3A_756, %sub3A_755, %select_n3A_743 : vector<1024x128xi1>, vector<1024x128xf32>
    %add3A_758 = arith.constant 6.784000e+03 : f32
    %add3A_759 = vector.broadcast %add3A_758 : f32 to vector<1x128xf32>
    %add3A_760 = arith.addf %convert_element_type3A_18, %add3A_759 : vector<1x128xf32>
    %broadcast_in_dim3A_761 = vector.shape_cast %add3A_760 : vector<1x128xf32> to vector<1x128xf32>
    %broadcast_in_dim3A_762 = vector.broadcast %broadcast_in_dim3A_761 : vector<1x128xf32> to vector<1024x128xf32>
    %select_n3A_763 = arith.select %lt3A_756, %broadcast_in_dim3A_762, %select_n3A_749 : vector<1024x128xi1>, vector<1024x128xf32>
    %slice3A_764 = vector.extract_strided_slice %get3A_17 {offsets = [0, 6912], sizes = [1, 128], strides = [1, 1]} : vector<1x8192xf32> to vector<1x128xf32>
    %add3A_765 = vector.broadcast %mul3A_10 : vector<1024x1xf32> to vector<1024x128xf32>
    %add3A_766 = vector.broadcast %slice3A_764 : vector<1x128xf32> to vector<1024x128xf32>
    %add3A_767 = arith.addf %add3A_765, %add3A_766 : vector<1024x128xf32>
    %slice3A_768 = vector.extract_strided_slice %dot_general3A_14 {offsets = [0, 6912], sizes = [1024, 128], strides = [1, 1]} : vector<1024x8192xf32> to vector<1024x128xf32>
    %sub3A_769 = arith.subf %add3A_767, %slice3A_768 : vector<1024x128xf32>
    %lt3A_770 = arith.cmpf olt, %sub3A_769, %select_n3A_757 : vector<1024x128xf32>
    %select_n3A_771 = arith.select %lt3A_770, %sub3A_769, %select_n3A_757 : vector<1024x128xi1>, vector<1024x128xf32>
    %add3A_772 = arith.constant 6.912000e+03 : f32
    %add3A_773 = vector.broadcast %add3A_772 : f32 to vector<1x128xf32>
    %add3A_774 = arith.addf %convert_element_type3A_18, %add3A_773 : vector<1x128xf32>
    %broadcast_in_dim3A_775 = vector.shape_cast %add3A_774 : vector<1x128xf32> to vector<1x128xf32>
    %broadcast_in_dim3A_776 = vector.broadcast %broadcast_in_dim3A_775 : vector<1x128xf32> to vector<1024x128xf32>
    %select_n3A_777 = arith.select %lt3A_770, %broadcast_in_dim3A_776, %select_n3A_763 : vector<1024x128xi1>, vector<1024x128xf32>
    %slice3A_778 = vector.extract_strided_slice %get3A_17 {offsets = [0, 7040], sizes = [1, 128], strides = [1, 1]} : vector<1x8192xf32> to vector<1x128xf32>
    %add3A_779 = vector.broadcast %mul3A_10 : vector<1024x1xf32> to vector<1024x128xf32>
    %add3A_780 = vector.broadcast %slice3A_778 : vector<1x128xf32> to vector<1024x128xf32>
    %add3A_781 = arith.addf %add3A_779, %add3A_780 : vector<1024x128xf32>
    %slice3A_782 = vector.extract_strided_slice %dot_general3A_14 {offsets = [0, 7040], sizes = [1024, 128], strides = [1, 1]} : vector<1024x8192xf32> to vector<1024x128xf32>
    %sub3A_783 = arith.subf %add3A_781, %slice3A_782 : vector<1024x128xf32>
    %lt3A_784 = arith.cmpf olt, %sub3A_783, %select_n3A_771 : vector<1024x128xf32>
    %select_n3A_785 = arith.select %lt3A_784, %sub3A_783, %select_n3A_771 : vector<1024x128xi1>, vector<1024x128xf32>
    %add3A_786 = arith.constant 7.040000e+03 : f32
    %add3A_787 = vector.broadcast %add3A_786 : f32 to vector<1x128xf32>
    %add3A_788 = arith.addf %convert_element_type3A_18, %add3A_787 : vector<1x128xf32>
    %broadcast_in_dim3A_789 = vector.shape_cast %add3A_788 : vector<1x128xf32> to vector<1x128xf32>
    %broadcast_in_dim3A_790 = vector.broadcast %broadcast_in_dim3A_789 : vector<1x128xf32> to vector<1024x128xf32>
    %select_n3A_791 = arith.select %lt3A_784, %broadcast_in_dim3A_790, %select_n3A_777 : vector<1024x128xi1>, vector<1024x128xf32>
    %slice3A_792 = vector.extract_strided_slice %get3A_17 {offsets = [0, 7168], sizes = [1, 128], strides = [1, 1]} : vector<1x8192xf32> to vector<1x128xf32>
    %add3A_793 = vector.broadcast %mul3A_10 : vector<1024x1xf32> to vector<1024x128xf32>
    %add3A_794 = vector.broadcast %slice3A_792 : vector<1x128xf32> to vector<1024x128xf32>
    %add3A_795 = arith.addf %add3A_793, %add3A_794 : vector<1024x128xf32>
    %slice3A_796 = vector.extract_strided_slice %dot_general3A_14 {offsets = [0, 7168], sizes = [1024, 128], strides = [1, 1]} : vector<1024x8192xf32> to vector<1024x128xf32>
    %sub3A_797 = arith.subf %add3A_795, %slice3A_796 : vector<1024x128xf32>
    %lt3A_798 = arith.cmpf olt, %sub3A_797, %select_n3A_785 : vector<1024x128xf32>
    %select_n3A_799 = arith.select %lt3A_798, %sub3A_797, %select_n3A_785 : vector<1024x128xi1>, vector<1024x128xf32>
    %add3A_800 = arith.constant 7.168000e+03 : f32
    %add3A_801 = vector.broadcast %add3A_800 : f32 to vector<1x128xf32>
    %add3A_802 = arith.addf %convert_element_type3A_18, %add3A_801 : vector<1x128xf32>
    %broadcast_in_dim3A_803 = vector.shape_cast %add3A_802 : vector<1x128xf32> to vector<1x128xf32>
    %broadcast_in_dim3A_804 = vector.broadcast %broadcast_in_dim3A_803 : vector<1x128xf32> to vector<1024x128xf32>
    %select_n3A_805 = arith.select %lt3A_798, %broadcast_in_dim3A_804, %select_n3A_791 : vector<1024x128xi1>, vector<1024x128xf32>
    %slice3A_806 = vector.extract_strided_slice %get3A_17 {offsets = [0, 7296], sizes = [1, 128], strides = [1, 1]} : vector<1x8192xf32> to vector<1x128xf32>
    %add3A_807 = vector.broadcast %mul3A_10 : vector<1024x1xf32> to vector<1024x128xf32>
    %add3A_808 = vector.broadcast %slice3A_806 : vector<1x128xf32> to vector<1024x128xf32>
    %add3A_809 = arith.addf %add3A_807, %add3A_808 : vector<1024x128xf32>
    %slice3A_810 = vector.extract_strided_slice %dot_general3A_14 {offsets = [0, 7296], sizes = [1024, 128], strides = [1, 1]} : vector<1024x8192xf32> to vector<1024x128xf32>
    %sub3A_811 = arith.subf %add3A_809, %slice3A_810 : vector<1024x128xf32>
    %lt3A_812 = arith.cmpf olt, %sub3A_811, %select_n3A_799 : vector<1024x128xf32>
    %select_n3A_813 = arith.select %lt3A_812, %sub3A_811, %select_n3A_799 : vector<1024x128xi1>, vector<1024x128xf32>
    %add3A_814 = arith.constant 7.296000e+03 : f32
    %add3A_815 = vector.broadcast %add3A_814 : f32 to vector<1x128xf32>
    %add3A_816 = arith.addf %convert_element_type3A_18, %add3A_815 : vector<1x128xf32>
    %broadcast_in_dim3A_817 = vector.shape_cast %add3A_816 : vector<1x128xf32> to vector<1x128xf32>
    %broadcast_in_dim3A_818 = vector.broadcast %broadcast_in_dim3A_817 : vector<1x128xf32> to vector<1024x128xf32>
    %select_n3A_819 = arith.select %lt3A_812, %broadcast_in_dim3A_818, %select_n3A_805 : vector<1024x128xi1>, vector<1024x128xf32>
    %slice3A_820 = vector.extract_strided_slice %get3A_17 {offsets = [0, 7424], sizes = [1, 128], strides = [1, 1]} : vector<1x8192xf32> to vector<1x128xf32>
    %add3A_821 = vector.broadcast %mul3A_10 : vector<1024x1xf32> to vector<1024x128xf32>
    %add3A_822 = vector.broadcast %slice3A_820 : vector<1x128xf32> to vector<1024x128xf32>
    %add3A_823 = arith.addf %add3A_821, %add3A_822 : vector<1024x128xf32>
    %slice3A_824 = vector.extract_strided_slice %dot_general3A_14 {offsets = [0, 7424], sizes = [1024, 128], strides = [1, 1]} : vector<1024x8192xf32> to vector<1024x128xf32>
    %sub3A_825 = arith.subf %add3A_823, %slice3A_824 : vector<1024x128xf32>
    %lt3A_826 = arith.cmpf olt, %sub3A_825, %select_n3A_813 : vector<1024x128xf32>
    %select_n3A_827 = arith.select %lt3A_826, %sub3A_825, %select_n3A_813 : vector<1024x128xi1>, vector<1024x128xf32>
    %add3A_828 = arith.constant 7.424000e+03 : f32
    %add3A_829 = vector.broadcast %add3A_828 : f32 to vector<1x128xf32>
    %add3A_830 = arith.addf %convert_element_type3A_18, %add3A_829 : vector<1x128xf32>
    %broadcast_in_dim3A_831 = vector.shape_cast %add3A_830 : vector<1x128xf32> to vector<1x128xf32>
    %broadcast_in_dim3A_832 = vector.broadcast %broadcast_in_dim3A_831 : vector<1x128xf32> to vector<1024x128xf32>
    %select_n3A_833 = arith.select %lt3A_826, %broadcast_in_dim3A_832, %select_n3A_819 : vector<1024x128xi1>, vector<1024x128xf32>
    %slice3A_834 = vector.extract_strided_slice %get3A_17 {offsets = [0, 7552], sizes = [1, 128], strides = [1, 1]} : vector<1x8192xf32> to vector<1x128xf32>
    %add3A_835 = vector.broadcast %mul3A_10 : vector<1024x1xf32> to vector<1024x128xf32>
    %add3A_836 = vector.broadcast %slice3A_834 : vector<1x128xf32> to vector<1024x128xf32>
    %add3A_837 = arith.addf %add3A_835, %add3A_836 : vector<1024x128xf32>
    %slice3A_838 = vector.extract_strided_slice %dot_general3A_14 {offsets = [0, 7552], sizes = [1024, 128], strides = [1, 1]} : vector<1024x8192xf32> to vector<1024x128xf32>
    %sub3A_839 = arith.subf %add3A_837, %slice3A_838 : vector<1024x128xf32>
    %lt3A_840 = arith.cmpf olt, %sub3A_839, %select_n3A_827 : vector<1024x128xf32>
    %select_n3A_841 = arith.select %lt3A_840, %sub3A_839, %select_n3A_827 : vector<1024x128xi1>, vector<1024x128xf32>
    %add3A_842 = arith.constant 7.552000e+03 : f32
    %add3A_843 = vector.broadcast %add3A_842 : f32 to vector<1x128xf32>
    %add3A_844 = arith.addf %convert_element_type3A_18, %add3A_843 : vector<1x128xf32>
    %broadcast_in_dim3A_845 = vector.shape_cast %add3A_844 : vector<1x128xf32> to vector<1x128xf32>
    %broadcast_in_dim3A_846 = vector.broadcast %broadcast_in_dim3A_845 : vector<1x128xf32> to vector<1024x128xf32>
    %select_n3A_847 = arith.select %lt3A_840, %broadcast_in_dim3A_846, %select_n3A_833 : vector<1024x128xi1>, vector<1024x128xf32>
    %slice3A_848 = vector.extract_strided_slice %get3A_17 {offsets = [0, 7680], sizes = [1, 128], strides = [1, 1]} : vector<1x8192xf32> to vector<1x128xf32>
    %add3A_849 = vector.broadcast %mul3A_10 : vector<1024x1xf32> to vector<1024x128xf32>
    %add3A_850 = vector.broadcast %slice3A_848 : vector<1x128xf32> to vector<1024x128xf32>
    %add3A_851 = arith.addf %add3A_849, %add3A_850 : vector<1024x128xf32>
    %slice3A_852 = vector.extract_strided_slice %dot_general3A_14 {offsets = [0, 7680], sizes = [1024, 128], strides = [1, 1]} : vector<1024x8192xf32> to vector<1024x128xf32>
    %sub3A_853 = arith.subf %add3A_851, %slice3A_852 : vector<1024x128xf32>
    %lt3A_854 = arith.cmpf olt, %sub3A_853, %select_n3A_841 : vector<1024x128xf32>
    %select_n3A_855 = arith.select %lt3A_854, %sub3A_853, %select_n3A_841 : vector<1024x128xi1>, vector<1024x128xf32>
    %add3A_856 = arith.constant 7.680000e+03 : f32
    %add3A_857 = vector.broadcast %add3A_856 : f32 to vector<1x128xf32>
    %add3A_858 = arith.addf %convert_element_type3A_18, %add3A_857 : vector<1x128xf32>
    %broadcast_in_dim3A_859 = vector.shape_cast %add3A_858 : vector<1x128xf32> to vector<1x128xf32>
    %broadcast_in_dim3A_860 = vector.broadcast %broadcast_in_dim3A_859 : vector<1x128xf32> to vector<1024x128xf32>
    %select_n3A_861 = arith.select %lt3A_854, %broadcast_in_dim3A_860, %select_n3A_847 : vector<1024x128xi1>, vector<1024x128xf32>
    %slice3A_862 = vector.extract_strided_slice %get3A_17 {offsets = [0, 7808], sizes = [1, 128], strides = [1, 1]} : vector<1x8192xf32> to vector<1x128xf32>
    %add3A_863 = vector.broadcast %mul3A_10 : vector<1024x1xf32> to vector<1024x128xf32>
    %add3A_864 = vector.broadcast %slice3A_862 : vector<1x128xf32> to vector<1024x128xf32>
    %add3A_865 = arith.addf %add3A_863, %add3A_864 : vector<1024x128xf32>
    %slice3A_866 = vector.extract_strided_slice %dot_general3A_14 {offsets = [0, 7808], sizes = [1024, 128], strides = [1, 1]} : vector<1024x8192xf32> to vector<1024x128xf32>
    %sub3A_867 = arith.subf %add3A_865, %slice3A_866 : vector<1024x128xf32>
    %lt3A_868 = arith.cmpf olt, %sub3A_867, %select_n3A_855 : vector<1024x128xf32>
    %select_n3A_869 = arith.select %lt3A_868, %sub3A_867, %select_n3A_855 : vector<1024x128xi1>, vector<1024x128xf32>
    %add3A_870 = arith.constant 7.808000e+03 : f32
    %add3A_871 = vector.broadcast %add3A_870 : f32 to vector<1x128xf32>
    %add3A_872 = arith.addf %convert_element_type3A_18, %add3A_871 : vector<1x128xf32>
    %broadcast_in_dim3A_873 = vector.shape_cast %add3A_872 : vector<1x128xf32> to vector<1x128xf32>
    %broadcast_in_dim3A_874 = vector.broadcast %broadcast_in_dim3A_873 : vector<1x128xf32> to vector<1024x128xf32>
    %select_n3A_875 = arith.select %lt3A_868, %broadcast_in_dim3A_874, %select_n3A_861 : vector<1024x128xi1>, vector<1024x128xf32>
    %slice3A_876 = vector.extract_strided_slice %get3A_17 {offsets = [0, 7936], sizes = [1, 128], strides = [1, 1]} : vector<1x8192xf32> to vector<1x128xf32>
    %add3A_877 = vector.broadcast %mul3A_10 : vector<1024x1xf32> to vector<1024x128xf32>
    %add3A_878 = vector.broadcast %slice3A_876 : vector<1x128xf32> to vector<1024x128xf32>
    %add3A_879 = arith.addf %add3A_877, %add3A_878 : vector<1024x128xf32>
    %slice3A_880 = vector.extract_strided_slice %dot_general3A_14 {offsets = [0, 7936], sizes = [1024, 128], strides = [1, 1]} : vector<1024x8192xf32> to vector<1024x128xf32>
    %sub3A_881 = arith.subf %add3A_879, %slice3A_880 : vector<1024x128xf32>
    %lt3A_882 = arith.cmpf olt, %sub3A_881, %select_n3A_869 : vector<1024x128xf32>
    %select_n3A_883 = arith.select %lt3A_882, %sub3A_881, %select_n3A_869 : vector<1024x128xi1>, vector<1024x128xf32>
    %add3A_884 = arith.constant 7.936000e+03 : f32
    %add3A_885 = vector.broadcast %add3A_884 : f32 to vector<1x128xf32>
    %add3A_886 = arith.addf %convert_element_type3A_18, %add3A_885 : vector<1x128xf32>
    %broadcast_in_dim3A_887 = vector.shape_cast %add3A_886 : vector<1x128xf32> to vector<1x128xf32>
    %broadcast_in_dim3A_888 = vector.broadcast %broadcast_in_dim3A_887 : vector<1x128xf32> to vector<1024x128xf32>
    %select_n3A_889 = arith.select %lt3A_882, %broadcast_in_dim3A_888, %select_n3A_875 : vector<1024x128xi1>, vector<1024x128xf32>
    %slice3A_890 = vector.extract_strided_slice %get3A_17 {offsets = [0, 8064], sizes = [1, 128], strides = [1, 1]} : vector<1x8192xf32> to vector<1x128xf32>
    %add3A_891 = vector.broadcast %mul3A_10 : vector<1024x1xf32> to vector<1024x128xf32>
    %add3A_892 = vector.broadcast %slice3A_890 : vector<1x128xf32> to vector<1024x128xf32>
    %add3A_893 = arith.addf %add3A_891, %add3A_892 : vector<1024x128xf32>
    %slice3A_894 = vector.extract_strided_slice %dot_general3A_14 {offsets = [0, 8064], sizes = [1024, 128], strides = [1, 1]} : vector<1024x8192xf32> to vector<1024x128xf32>
    %sub3A_895 = arith.subf %add3A_893, %slice3A_894 : vector<1024x128xf32>
    %lt3A_896 = arith.cmpf olt, %sub3A_895, %select_n3A_883 : vector<1024x128xf32>
    %select_n3A_897 = arith.select %lt3A_896, %sub3A_895, %select_n3A_883 : vector<1024x128xi1>, vector<1024x128xf32>
    %add3A_898 = arith.constant 8.064000e+03 : f32
    %add3A_899 = vector.broadcast %add3A_898 : f32 to vector<1x128xf32>
    %add3A_900 = arith.addf %convert_element_type3A_18, %add3A_899 : vector<1x128xf32>
    %broadcast_in_dim3A_901 = vector.shape_cast %add3A_900 : vector<1x128xf32> to vector<1x128xf32>
    %broadcast_in_dim3A_902 = vector.broadcast %broadcast_in_dim3A_901 : vector<1x128xf32> to vector<1024x128xf32>
    %select_n3A_903 = arith.select %lt3A_896, %broadcast_in_dim3A_902, %select_n3A_889 : vector<1024x128xi1>, vector<1024x128xf32>
    %reduce_min3A = arith.constant dense<0x7F800000> : vector<1024xf32>
    %reduce_min3A_904 = vector.multi_reduction <minimumf>, %select_n3A_897, %reduce_min3A [1] : vector<1024x128xf32> to vector<1024xf32>
    %broadcast_in_dim3A_905 = vector.shape_cast %reduce_min3A_904 : vector<1024xf32> to vector<1024x1xf32>
    %eq3A_906 = vector.broadcast %broadcast_in_dim3A_905 : vector<1024x1xf32> to vector<1024x128xf32>
    %eq3A_907 = arith.cmpf oeq, %select_n3A_897, %eq3A_906 : vector<1024x128xf32>
    %jit3A = arith.constant 8.192000e+03 : f32
    %broadcast_in_dim3A_908 = vector.broadcast %jit3A : f32 to vector<1024x128xf32>
    %select_n3A_909 = arith.select %eq3A_907, %select_n3A_903, %broadcast_in_dim3A_908 : vector<1024x128xi1>, vector<1024x128xf32>
    %reduce_min3A_910 = arith.constant dense<0x7F800000> : vector<1024xf32>
    %reduce_min3A_911 = vector.multi_reduction <minimumf>, %select_n3A_909, %reduce_min3A_910 [1] : vector<1024x128xf32> to vector<1024xf32>
    %broadcast_in_dim3A_912 = vector.shape_cast %reduce_min3A_911 : vector<1024xf32> to vector<1024x1xf32>
    %convert_element_type3A_913 = arith.fptosi %broadcast_in_dim3A_912 : vector<1024x1xf32> to vector<1024x1xi32>
    %reshape3A = vector.shape_cast %convert_element_type3A_913 : vector<1024x1xi32> to vector<8x128xi32>
    %swap3A = arith.constant 0 : index
    %swap3A_914 = arith.constant 0 : index
    %swap3A_915 = vector.load %arg3[%swap3A, %swap3A_914] : memref<8x128xi32, #tpu.memory_space<vmem>>, vector<8x128xi32>
    tpu.vector_store %arg3[%swap3A, %swap3A_914], %reshape3A {strides = array<i32>} : memref<8x128xi32, #tpu.memory_space<vmem>>, vector<8x128xi32>,
    %get3A_916 = arith.constant 0 : index
    %get3A_917 = arith.constant 0 : index
    %get3A_918 = vector.load %arg4[%get3A_916, %get3A_917] : memref<1x1xf32, #tpu.memory_space<vmem>>, vector<1x1xf32>
    %reduce_sum3A_919 = vector.shape_cast %broadcast_in_dim3A_905 : vector<1024x1xf32> to vector<1x1024x1xf32>
    %reduce_sum3A_920 = arith.constant dense<0.000000e+00> : vector<1xf32>
    %reduce_sum3A_921 = vector.multi_reduction <add>, %reduce_sum3A_919, %reduce_sum3A_920 [1, 2] : vector<1x1024x1xf32> to vector<1xf32>
    %reduce_sum3A_922 = vector.shape_cast %reduce_sum3A_921 : vector<1xf32> to vector<1x1x1xf32>
    %reduce_sum3A_923 = vector.extract %reduce_sum3A_922[0, 0, 0] : f32 from vector<1x1x1xf32>
    %broadcast_in_dim3A_924 = vector.broadcast %reduce_sum3A_923 : f32 to vector<1x1xf32>
    %add3A_925 = arith.addf %get3A_918, %broadcast_in_dim3A_924 : vector<1x1xf32>
    %swap3A_926 = arith.constant 0 : index
    %swap3A_927 = arith.constant 0 : index
    %swap3A_928 = vector.load %arg4[%swap3A_926, %swap3A_927] : memref<1x1xf32, #tpu.memory_space<vmem>>, vector<1x1xf32>
    tpu.vector_store %arg4[%swap3A_926, %swap3A_927], %add3A_925 {strides = array<i32>} : memref<1x1xf32, #tpu.memory_space<vmem>>, vector<1x1xf32>,
    return
  }
  func.func @transform_0(%arg0: i32) -> (i32, i32) {
    %c0_i32 = arith.constant 0 : i32
    %c0_i32_0 = arith.constant 0 : i32
    return %arg0, %c0_i32 : i32, i32
  }
  func.func @transform_1(%arg0: i32) -> (i32, i32) {
    %c0_i32 = arith.constant 0 : i32
    %c0_i32_0 = arith.constant 0 : i32
    %c0_i32_1 = arith.constant 0 : i32
    return %c0_i32, %c0_i32_0 : i32, i32
  }
  func.func @transform_2(%arg0: i32) -> (i32, i32) {
    %c0_i32 = arith.constant 0 : i32
    %c0_i32_0 = arith.constant 0 : i32
    return %arg0, %c0_i32 : i32, i32
  }
  func.func @transform_3(%arg0: i32) -> (i32, i32) {
    %c0_i32 = arith.constant 0 : i32
    %c0_i32_0 = arith.constant 0 : i32
    %c0_i32_1 = arith.constant 0 : i32
    return %c0_i32, %c0_i32_0 : i32, i32
  }
}

module attributes {stable_mosaic.version = 14 : i64} {
  func.func @_finalize_kernel(%arg0: memref<2x65536xf32, #tpu.memory_space<vmem>>, %arg1: memref<1x1xf32, #tpu.memory_space<vmem>>, %arg2: memref<1x1xf32, #tpu.memory_space<vmem>>, %arg3: memref<1x1xf32, #tpu.memory_space<vmem>>) attributes {dimension_semantics = [], scalar_prefetch = 0 : i64, scratch_operands = 0 : i64, tpu.core_type = #tpu.core_type<tc>} {
    %get3A = arith.constant 0 : index
    %get3A_0 = arith.constant 0 : index
    %get3A_1 = vector.load %arg0[%get3A, %get3A_0] : memref<2x65536xf32, #tpu.memory_space<vmem>>, vector<2x65536xf32>
    %reduce_sum3A = arith.constant dense<0.000000e+00> : vector<65536xf32>
    %reduce_sum3A_2 = vector.multi_reduction <add>, %get3A_1, %reduce_sum3A [0] : vector<2x65536xf32> to vector<65536xf32>
    %broadcast_in_dim3A = vector.shape_cast %reduce_sum3A_2 : vector<65536xf32> to vector<1x65536xf32>
    %mul3A = arith.constant 1.52587891E-5 : f32
    %mul3A_3 = vector.broadcast %mul3A : f32 to vector<1x65536xf32>
    %mul3A_4 = arith.mulf %broadcast_in_dim3A, %mul3A_3 : vector<1x65536xf32>
    %add3A = arith.constant 1.000000e-10 : f32
    %add3A_5 = vector.broadcast %add3A : f32 to vector<1x65536xf32>
    %add3A_6 = arith.addf %mul3A_4, %add3A_5 : vector<1x65536xf32>
    %log3A = math.log %add3A_6 : vector<1x65536xf32>
    %mul3A_7 = arith.mulf %mul3A_4, %log3A : vector<1x65536xf32>
    %reduce_sum3A_8 = vector.shape_cast %mul3A_7 : vector<1x65536xf32> to vector<1x1x65536xf32>
    %reduce_sum3A_9 = arith.constant dense<0.000000e+00> : vector<1xf32>
    %reduce_sum3A_10 = vector.multi_reduction <add>, %reduce_sum3A_8, %reduce_sum3A_9 [1, 2] : vector<1x1x65536xf32> to vector<1xf32>
    %reduce_sum3A_11 = vector.shape_cast %reduce_sum3A_10 : vector<1xf32> to vector<1x1x1xf32>
    %reduce_sum3A_12 = vector.extract %reduce_sum3A_11[0, 0, 0] : f32 from vector<1x1x1xf32>
    %neg3A = arith.constant 0.000000e+00 : f32
    %neg3A_13 = arith.subf %neg3A, %reduce_sum3A_12 : f32
    %exp3A = math.exp %neg3A_13 : f32
    %broadcast_in_dim3A_14 = vector.broadcast %exp3A : f32 to vector<1x1xf32>
    %swap3A = arith.constant 0 : index
    %swap3A_15 = arith.constant 0 : index
    %swap3A_16 = vector.load %arg3[%swap3A, %swap3A_15] : memref<1x1xf32, #tpu.memory_space<vmem>>, vector<1x1xf32>
    tpu.vector_store %arg3[%swap3A, %swap3A_15], %broadcast_in_dim3A_14 {strides = array<i32>} : memref<1x1xf32, #tpu.memory_space<vmem>>, vector<1x1xf32>,
    %get3A_17 = arith.constant 0 : index
    %get3A_18 = arith.constant 0 : index
    %get3A_19 = vector.load %arg1[%get3A_17, %get3A_18] : memref<1x1xf32, #tpu.memory_space<vmem>>, vector<1x1xf32>
    %get3A_20 = vector.extract %get3A_19[0, 0] : f32 from vector<1x1xf32>
    %mul3A_21 = arith.constant 2.500000e-01 : f32
    %mul3A_22 = arith.mulf %mul3A_21, %get3A_20 : f32
    %div3A = arith.constant 0x4A000000 : f32
    %div3A_23 = arith.divf %mul3A_22, %div3A : f32
    %broadcast_in_dim3A_24 = vector.broadcast %div3A_23 : f32 to vector<1x1xf32>
    %swap3A_25 = arith.constant 0 : index
    %swap3A_26 = arith.constant 0 : index
    %swap3A_27 = vector.load %arg2[%swap3A_25, %swap3A_26] : memref<1x1xf32, #tpu.memory_space<vmem>>, vector<1x1xf32>
    tpu.vector_store %arg2[%swap3A_25, %swap3A_26], %broadcast_in_dim3A_24 {strides = array<i32>} : memref<1x1xf32, #tpu.memory_space<vmem>>, vector<1x1xf32>,
    return
  }
}

</mosaic_0001>

<sc_bundles>
// kernel: kernel.5.cloned.1.call-start
scs
__scs_entry_jumppad:
0x0: {  	(pc) =	sbr.rel $0x88, $3  }
0x1: {  	(tag) =	ssettag $0x0;
	lr =	simm.s32 $0x1  }
0x2: {  	[smem:$0x3F9F] =	sst lr;
	_ =	strace $0xD0000000  }
0x3: {  	_ = 	snop  }
0x4: {  	_ = 	snop  }
0x5: {  	_ = 	snop  }
0x6: {  	_ = 	snop  }
0x7: {  	_ = 	snop  }
__scs_overlays_trampoline_lowered:
0x8: {  	[smem:$0x3FAE] =	sst s0  }
0x9: {  	[smem:$0x3FAF] =	sst s1  }
0xa: {  	[smem:$0x3FB0] =	sst s2  }
0xb: {  	[smem:$0x3FB1] =	sst s3  }
0xc: {  	[smem:$0x3FB2] =	sst s4  }
0xd: {  	[smem:$0x3FB3] =	sst s5  }
0xe: {  	[smem:$0x3FB4] =	sst s6  }
0xf: {  	[smem:$0x3FB5] =	sst s7  }
0x10: {  	[smem:$0x3FB6] =	sst s8  }
0x11: {  	[smem:$0x3FB7] =	sst s9;
	s0 =	simm.s32 @!p0 $0x0  }
0x12: {  	s1 =	sld [smem:$0x3F9D];
	s0 =	simm.s32 @p0 $0x1  }
0x13: {  	[smem:$0x3FB8] =	sst s0;
	s0 =	simm.s32 @!p1 $0x0  }
0x14: {  	s2 =	sld [smem:$0x3F9C];
	s0 =	simm.s32 @p1 $0x1  }
0x15: {  	[smem:$0x3FB9] =	sst s0;
	s0 =	simm.s32 @!p2 $0x0  }
0x16: {  	s3 =	sld [smem:$0x3FDB];
	s0 =	simm.s32 @p2 $0x1  }
0x17: {  	s4 =	simm.s32 $0x1BF5;
	[smem:$0x3FBB] =	sst s0  }
0x18: {  	s0 =	sld [smem:$0x3F9E];
	_ =	swait.ge [sflag:s4], $0x0  }
0x19: {  	s7 =	sld [smem:$0x3F9F]  }
0x1a: {  	s8 =	sadd.s32 $0xFFFFE003, lr  }
0x1b: {  	s9 =	sadd.s32 $0xFFFFFEF7, lr;
	s5 =	simm.s32 $0xFFFFFFFF;
	p2 =	slt.u32 s8, $0xFFFFF086  }
0x1c: {  	p1 =	slt.u32 s9, $0xF7A;
	s5 =	simm.s32 @!p2 $0x0  }
0x1d: {  	s5 =	simm.s32 @p1 $0x1;
	p0 =	seq.s32 s7, s2  }
0x1e: {  	s7 =	smul.u32 @!p0 $0xF7A, s2;
	p2 =	seq.s32 @!p0 s5, $0x0  }
0x1f: {  	s9 =	smul.u32 $0xF7A, s1;
	s8 =	simm.s32 @!p0 $0x1BF5;
	p2 =	por !p2, p0  }
0x20: {  	[sflag:s8] =	ssyncset.s32 @!p0 $0xFFFFF086;
	s6 =	sadd.s32 @!p0 s3, s7;
	s7 =	simm.s32 @!p0 $0x108  }
0x21: {  	s3 =	sadd.s32 s3, s9;
	s6 =	sadd.s32 @!p0 $0x88, s6;
	s7 =	simm.s32 @p2 $0x1082  }
0x22: {  	[simem:s7], [sflag:s8] =	dma.local @!p0 [hbm:s6], $0xF7A  }
0x23: {  	s9 =	sor.u32 $0xD0000000, s2;
	s6 =	simm.s32 $0x108;
	_ =	swait.ge @!p0 [sflag:s8], $0x0  }
0x24: {  	s3 =	sadd.s32 $0x88, s3;
	s6 =	simm.s32 @!p1 $0x1082;
	[sflag:s4] =	ssyncset.s32 $0xFFFFF086  }
0x25: {  	[simem:s6], [sflag:s4] =	dma.local [hbm:s3], $0xF7A  }
0x26: {  	[smem:$0x3F9F] =	sst s1;
	(tag) =	ssettag s2;
	_ =	strace s9  }
0x27: {  	s1 =	sld [smem:$0x3FAF]  }
0x28: {  	s2 =	sld [smem:$0x3FB0]  }
0x29: {  	s4 =	sld [smem:$0x3FB2]  }
0x2a: {  	p0 =	seq.s32 s5, $0x0;
	s5 =	sld [smem:$0x3FB3]  }
0x2b: {  	s6 =	sld [smem:$0x3FB4]  }
0x2c: {  	s7 =	sld [smem:$0x3FB5]  }
0x2d: {  	s3 =	simm.s32 $0x108;
	s8 =	sld [smem:$0x3FB6]  }
0x2e: {  	s3 =	simm.s32 @!p0 $0x1082;
	s9 =	sld [smem:$0x3FB7]  }
0x2f: {  	lr =	sadd.s32 s0, s3;
	s0 =	sld [smem:$0x3FAE]  }
0x30: {  	s3 =	sld [smem:$0x3FB1]  }
0x31: {  	[smem:$0x3FBA] =	sst s10  }
0x32: {  	s10 =	sld [smem:$0x3FB8];
	_ =	sdelay $0x3  }
0x33: {  	p0 =	seq.s32 s10, $0x1;
	s10 =	sld [smem:$0x3FBA];
	_ =	sdelay $0x3  }
0x34: {  	[smem:$0x3FBA] =	sst s10  }
0x35: {  	s10 =	sld [smem:$0x3FB9];
	_ =	sdelay $0x3  }
0x36: {  	p1 =	seq.s32 s10, $0x1;
	s10 =	sld [smem:$0x3FBA];
	_ =	sdelay $0x3  }
0x37: {  	[smem:$0x3FBA] =	sst s10  }
0x38: {  	s10 =	sld [smem:$0x3FBB]  }
0x39: {  	_ = 	snop;
	(pc) =	sbr.ind lr, $3  }
0x3a: {  	_ = 	snop  }
0x3b: {  	_ = 	snop  }
0x3c: {  	p2 =	seq.s32 s10, $0x1;
	s10 =	sld [smem:$0x3FBA]  }
0x3d: {  	_ =	shalt  }
0x3e: {  	_ =	shalt  }
0x3f: {  	_ =	shalt  }
0x40: {  	_ =	shalt  }
0x41: {  	_ =	shalt  }
0x42: {  	_ =	shalt  }
0x43: {  	_ =	shalt  }
0x44: {  	_ =	shalt  }
0x45: {  	_ =	shalt  }
0x46: {  	_ =	shalt  }
0x47: {  	_ =	shalt  }
0x48: {  	_ =	shalt  }
0x49: {  	_ =	shalt  }
0x4a: {  	_ =	shalt  }
0x4b: {  	_ =	shalt  }
0x4c: {  	_ =	shalt  }
0x4d: {  	_ =	shalt  }
0x4e: {  	_ =	shalt  }
0x4f: {  	_ =	shalt  }
0x50: {  	_ =	shalt  }
0x51: {  	_ =	shalt  }
0x52: {  	_ =	shalt  }
0x53: {  	_ =	shalt  }
0x54: {  	_ =	shalt  }
0x55: {  	_ =	shalt  }
0x56: {  	_ =	shalt  }
0x57: {  	_ =	shalt  }
0x58: {  	_ =	shalt  }
0x59: {  	_ =	shalt  }
0x5a: {  	_ =	shalt  }
0x5b: {  	_ =	shalt  }
0x5c: {  	_ =	shalt  }
0x5d: {  	_ =	shalt  }
0x5e: {  	_ =	shalt  }
0x5f: {  	_ =	shalt  }
0x60: {  	_ =	shalt  }
0x61: {  	_ =	shalt  }
0x62: {  	_ =	shalt  }
0x63: {  	_ =	shalt  }
0x64: {  	_ =	shalt  }
0x65: {  	_ =	shalt  }
0x66: {  	_ =	shalt  }
0x67: {  	_ =	shalt  }
0x68: {  	_ =	shalt  }
0x69: {  	_ =	shalt  }
0x6a: {  	_ =	shalt  }
0x6b: {  	_ =	shalt  }
0x6c: {  	_ =	shalt  }
0x6d: {  	_ =	shalt  }
0x6e: {  	_ =	shalt  }
0x6f: {  	_ =	shalt  }
0x70: {  	_ =	shalt  }
0x71: {  	_ =	shalt  }
0x72: {  	_ =	shalt  }
0x73: {  	_ =	shalt  }
0x74: {  	_ =	shalt  }
0x75: {  	_ =	shalt  }
0x76: {  	_ =	shalt  }
0x77: {  	_ =	shalt  }
0x78: {  	_ =	shalt  }
0x79: {  	_ =	shalt  }
0x7a: {  	_ =	shalt  }
0x7b: {  	_ =	shalt  }
0x7c: {  	_ =	shalt  }
0x7d: {  	_ =	shalt  }
0x7e: {  	_ =	shalt  }
0x7f: {  	_ =	shalt  }
0x80: {  	_ =	shalt  }
0x81: {  	_ =	shalt  }
0x82: {  	_ =	shalt  }
0x83: {  	_ =	shalt  }
0x84: {  	_ =	shalt  }
0x85: {  	_ =	shalt  }
0x86: {  	_ =	shalt  }
0x87: {  	_ =	shalt  }
.Lfunc_end0:
.L_simem_size_0:
called_computation_lowered:
.L_overlay_start_0:
0x88: {  	s2 =	sld [smem:$0x3FD9]  }
0x89: {  	s3 =	sld [smem:$0x3FFE];
	_ =	sdelay $0x1  }
0x8a: {  	s1 =	srdreg.scid  }
0x8b: {  	s0 =	sand.u32 $0x1, s1  }
0x8c: {  	s14 =	sshll.u32 s0, $0xA;
	s2 =	sadd.s32 s3, s2  }
0x8d: {  	s2 =	sadd.s32 s2, s14  }
0x8e: {  	[smem:$0x3FC6] =	sst s2  }
0x8f: {  	_ = 	snop  }
0x90: {  	s2 =	sld [smem:$0x3FD0];
	_ =	sdelay $0x2  }
0x91: {  	s15 =	simm.s32 $0xA;
	s4 =	simm.s32 $0x10  }
0x92: {  	[smem:s4], [sflag:s15] =	dma.local [hbm:s2], $0x1  }
0x93: {  	_ =	swait.eq [sflag:s15], $0x1  }
0x94: {  	[sflag:s15] =	ssyncset.done $0x0  }
0x95: {  	[sflag:s15] =	ssyncadd.s32 $0xFFFFFFFF  }
0x96: {  	s16 =	sld [smem:$0x11];
	(tm) =	ssettm $0x1  }
0x97: {  	s17 =	sld [smem:$0x3FFB];
	_ =	sdelay $0x3  }
0x98: {  	_ =	strace s17  }
0x99: {  	s3 =	sld [smem:$0x3FFC];
	_ =	sdelay $0x3  }
0x9a: {  	_ =	strace s3  }
0x9b: {  	s3 =	sld [smem:$0x3FFD];
	_ =	sdelay $0x3  }
0x9c: {  	_ =	strace s3  }
0x9d: {  	_ =	strace $0x8FFFFFFF  }
0x9e: {  	s18 =	sld [smem:$0x3FDB];
	_ =	sdelay $0x1  }
0x9f: {  	s19 =	simm.s32 $_scs_section_size  }
0xa0: {  	s5 =	simm.s32 $_size__tile_overlayer_lowered;
	s6 =	simm.s32 $_tile_overlayer_lowered  }
0xa1: {  	s22 =	simm.s32 $0x1BFF;
	s21 =	sshll.u32 s6, $0x1;
	s3 =	sadd.s32 s19, s18  }
0xa2: {  	s7 =	simm.s32 $0x0;
	s20 =	sshll.u32 s5, $0x1;
	s5 =	sadd.s32 s21, s3  }
0xa3: {  	[timem:s7], [sflag:s22] =	dma.local [hbm:s5], s20  }
0xa4: {  	_ =	swait.ge [sflag:s22], s20  }
0xa5: {  	s4 =	ssub.s32 $0x0, s20;
	[sflag:s22] =	ssyncset.done $0x0  }
0xa6: {  	[sflag:s22] =	ssyncadd.s32 s4;
	_ =	sdelay $0x1  }
0xa7: {  	s23 =	simm.s32 $0x1B8B  }
0xa8: {  	_ =	swait.ge [sflag:s23], $0x1  }
0xa9: {  	[sflag:s23] =	ssyncset.done $0x0  }
0xaa: {  	s25 =	simm.s32 $0x1B8E;
	s24 =	sld [smem:$0x3FFE];
	[sflag:s23] =	ssyncadd.s32 $0xFFFFFFFF  }
0xab: {  	s26 =	simm.s32 $execute0_lowered;
	[smem:$0x3FD2] =	sst s25  }
0xac: {  	s5 =	sshll.u32 s26, $0x1;
	_ =	strace $0x80000046;
	[dreg:$0x1] =	wrdreg $0xFFFFFFFF  }
0xad: {  	s28 =	simm.s32 $_size_execute0_lowered;
	s3 =	sadd.s32 s3, s5;
	[dreg:$0x0] =	wrdreg $0x0  }
0xae: {  	s5 =	sshll.u32 s28, $0x1;
	[dreg:$0x2] =	wrdreg s3  }
0xaf: {  	[dreg:$0x3] =	wrdreg s5  }
0xb0: {  	[dreg:$0x4] =	wrdreg $0xC0  }
0xb1: {  	_ =	task [dreg:s7], $0x5FFFF  }
0xb2: {  	[dreg:$0x1] =	wrdreg $0xFFFFFFFF  }
0xb3: {  	[dreg:$0x0] =	wrdreg $0x60  }
0xb4: {  	[dreg:$0x2] =	wrdreg s24  }
0xb5: {  	[dreg:$0x3] =	wrdreg s16  }
0xb6: {  	[dreg:$0x4] =	wrdreg $0x8C000  }
0xb7: {  	[dreg:$0x5] =	wrdreg $0x9  }
0xb8: {  	_ =	task.clear_ibuf [dreg:s7], $0x6FFFF;
	_ =	strace $0x90000046  }
0xb9: {  	s29 =	simm.s32 $0x9;
	_ =	strace $0x80000048  }
0xba: {  	_ =	swait.ge [sflag:s29], $0x1  }
0xbb: {  	[sflag:s29] =	ssyncadd.s32 $0xFFFFFFFF  }
0xbc: {  	_ =	strace $0x90000048  }
0xbd: {  	_ =	sfence  }
0xbe: {  	s30 =	sld [smem:$0x0];
	_ =	sdelay $0x2  }
0xbf: {  	s31 =	sshll.u32 s1, $0xD;
	s1 =	sshrl.u32 s1, $0x2  }
0xc0: {  	s3 =	sand.u32 $0x4000, s31;
	s1 =	sadd.s32 s1, s30  }
0xc1: {  	s0 =	sor.u32 s3, s0;
	s1 =	sshll.u32 s1, $0x11  }
0xc2: {  	s0 =	sor.u32 s1, s0  }
0xc3: {  	s0 =	sadd.s32 $0x8F2B, s0  }
0xc4: {  	[sflag:s0] =	ssyncadd.remote.s32 $0x1  }
0xc5: {  	_ =	sfence.sel $0xFFFF  }
0xc6: {  	[dreg:$0x0] =	wrdreg $0xFFFFFFFF;
	(pc) =	sbr.abs _section_cstart, $3  }
0xc7: {  	[dreg:$0x1] =	wrdreg $0xFFFFFFFF  }
0xc8: {  	_ =	task.clear_ibuf [dreg:s7], $0x2FFFF;
	_ =	strace $0x9FFFFFFF  }
0xc9: {  	(tm) =	ssettm $0x7FFFFFFF  }
tec
execute0_lowered:
.L_overlay_start_1:
0x0: {  	(tag) =	ssettag $0x1  }
0x1: {  	s0 =	rddreg [dreg:$0x0]  }
0x2: {  	s1 =	rddreg [dreg:$0x1]  }
0x3: {  	s11 =	rddreg [dreg:$0x2]  }
0x4: {  	s3 =	srdreg.scid;
	s4 =	stileid.u32  }
0x5: {  	s2 =	simm.s32 $0x0;
	s28 =	simm.s32 $0x100;
	s29 =	simm.s32 $0x180  }
0x6: {  	s30 =	simm.s32 $0x200;
	s31 =	simm.s32 $0x280;
	s17 =	simm.s32 $0x400  }
0x7: {  	s18 =	simm.s32 $0x580;
	p1 =	por $0x0, $0x0;
	s3 =	sand.u32 $0x1, s3  }
0x8: {  	s5 =	sshll.u32 s4, $0x1;
	[smem:$0x7FF] =	sst s2;
	s6 =	sadd.s32 $0x1000, s0  }
0x9: {  	s8 =	sadd.s32 $0xE00, s0;
	s19 =	sshll.u32 s4, $0x9;
	s24 =	sshll.u32 s4, $0xC  }
0xa: {  	p0 =	sne.s32 s4, $0x0;
	s26 =	sshll.u32 s4, $0x6;
	s4 =	simm.s32 $0x2  }
0xb: {  	s5 =	sor.u32 s3, s5;
	_ =	strace $0x80000047;
	[dreg:$0x4] =	wrdreg s8  }
0xc: {  	s9 =	sshll.u32 s3, $0xD;
	s8 =	sadd.s32 s19, s0;
	s3 =	ssub.s32 $0x2, s3  }
0xd: {  	s25 =	sadd.s32 s24, s11;
	s19 =	simm.s32 $0x600;
	s24 =	simm.s32 $0x5800  }
0xe: {  	s15 =	sshrl.u32 @!p0 s11, $0x3;
	s7 =	sshll.u32 s5, $0x8;
	s20 =	sshrl.u32 s3, $0x1  }
0xf: {  	s5 =	sshll.u32 s5, $0xD;
	s21 =	sadd.s32 $0xB000, s8;
	s8 =	simm.s32 $0x8800  }
0x10: {  	s7 =	sadd.s32 s7, s0;
	s0 =	sadd.s32 s9, s0;
	s16 =	sadd.s32 s1, s5  }
0x11: {  	s22 =	ssub.s32 s3, s20;
	[dreg:$0x6] =	wrdreg s21;
	s3 =	sshrl.u32 s25, $0x3  }
0x12: {  	s5 =	simm.s32 $0x3;
	s1 =	sor.u32 $0x1C03, s26;
	s10 =	smax.u32 s22, $0x1  }
0x13: {  	s9 =	simm.s32 $0x80;
	s20 =	simm.s32 $0x700;
	s13 =	sadd.s32 $0xFFFFFFFF, s10  }
0x14: {  	s21 =	simm.s32 $0x780;
	s25 =	simm.s32 $0x6800;
	p2 =	sne.s32 s13, $0x0  }
.Ltmp0:
0x15: {  	s7 =	sadd.s32 $0x9000, s7;
	[dreg:$0x9] =	wrdreg s3;
	(pc) =	sbr.rel @!p2 .LBB2_4-.Ltmp0, $4  }
0x16: {  	s26 =	simm.s32 $0x7800;
	s23 =	sadd.s32 $0x1000, s16;
	[dreg:$0x5] =	wrdreg s7  }
0x17: {  	s0 =	sadd.s32 $0xD000, s0;
	s3 =	simm.s32 $0x380;
	[dreg:$0x7] =	wrdreg s23  }
0x18: {  	s22 =	simm.s32 $0x2800;
	[dreg:$0x8] =	wrdreg s0;
	s0 =	simm.s32 $0x300  }
0x19: {  	s7 =	simm.s32 $0x800;
	s23 =	simm.s32 $0x3800;
	s10 =	simm.s32 $0x1  }
0x1a: {  	s12 =	rddreg [dreg:$0x5]  }
0x1b: {  	[tilespmem:s2], [sflag:$0x3] =	stream.linear.gather [hbm4b:s12+s2], $0x800, $0x38;
	[tilespmem:$0x9C00] =	vst v63  }
0x1c: {  	_ =	swait.ge [sflag:s5], $0x800;
	[dreg:$0xa] =	wrdreg s13  }
0x1d: {  	s24 =	rddreg [dreg:$0x6];
	[sflag:s5] =	ssyncset.done $0x0  }
0x1e: {  	s25 =	rddreg [dreg:$0x9];
	[sflag:s5] =	ssyncadd.s32 $0xFFFFF800  }
0x1f: {  	[spmem:s25], [sflag:s1] =	dma.local [hbm:s24], $0x200  }
0x20: {  	_ =	swait.ge [sflag:s5], $0x200  }
0x21: {  	[sflag:s5] =	ssyncset.done $0x0  }
0x22: {  	s14 =	rddreg [dreg:$0x4];
	[sflag:s5] =	ssyncadd.s32 $0xFFFFFE00  }
0x23: {  	[tilespmem:s8], [sflag:$0x3] =	stream.linear.gather [hbm4b:s14+s2], $0x400, $0x38;
	[tilespmem:$0x9C00] =	vst v63  }
0x24: {  	_ =	swait.ge [sflag:s5], $0x400  }
0x25: {  	[sflag:s5] =	ssyncset.done $0x0  }
0x26: {  	[sflag:s5] =	ssyncadd.s32 $0xFFFFFC00  }
0x27: {  	[bflag:$0x0] =	sbarrier.arrive $0xFFFF  }
0x28: {  	[spmem:s11] =	stream.indirect.scatter.add.f32 [tilespmem:s8], [sflag:$0x2], $0x8, s2, s9, $0xb8;
	[tilespmem:$0x9C00] =	vst v63  }
0x29: {  	_ = 	snop  }
0x2a: {  	[spmem:s11] =	stream.indirect.scatter.add.f32 [tilespmem:s8], [sflag:$0x2], $0x8, s9, s9, $0xb8;
	[tilespmem:$0x9C00] =	vst v63  }
0x2b: {  	_ = 	snop  }
0x2c: {  	[spmem:s11] =	stream.indirect.scatter.add.f32 [tilespmem:s8], [sflag:$0x2], $0x8, s28, s9, $0xb8;
	[tilespmem:$0x9C00] =	vst v63  }
0x2d: {  	_ = 	snop  }
0x2e: {  	[spmem:s11] =	stream.indirect.scatter.add.f32 [tilespmem:s8], [sflag:$0x2], $0x8, s29, s9, $0xb8;
	[tilespmem:$0x9C00] =	vst v63  }
0x2f: {  	_ = 	snop  }
0x30: {  	[spmem:s11] =	stream.indirect.scatter.add.f32 [tilespmem:s8], [sflag:$0x2], $0x8, s30, s9, $0xb8;
	[tilespmem:$0x9C00] =	vst v63  }
0x31: {  	_ = 	snop  }
0x32: {  	[spmem:s11] =	stream.indirect.scatter.add.f32 [tilespmem:s8], [sflag:$0x2], $0x8, s31, s9, $0xb8;
	[tilespmem:$0x9C00] =	vst v63  }
0x33: {  	_ = 	snop  }
0x34: {  	[spmem:s11] =	stream.indirect.scatter.add.f32 [tilespmem:s8], [sflag:$0x2], $0x8, s0, s9, $0xb8;
	[tilespmem:$0x9C00] =	vst v63  }
0x35: {  	_ = 	snop  }
0x36: {  	[spmem:s11] =	stream.indirect.scatter.add.f32 [tilespmem:s8], [sflag:$0x2], $0x8, s3, s9, $0xb8;
	[tilespmem:$0x9C00] =	vst v63  }
0x37: {  	_ = 	snop  }
0x38: {  	[spmem:s11] =	stream.indirect.scatter.add.f32 [tilespmem:s8], [sflag:$0x2], $0x8, s17, s9, $0xb8;
	[tilespmem:$0x9C00] =	vst v63  }
0x39: {  	s12 =	simm.s32 $0x480  }
0x3a: {  	[spmem:s11] =	stream.indirect.scatter.add.f32 [tilespmem:s8], [sflag:$0x2], $0x8, s12, s9, $0xb8;
	[tilespmem:$0x9C00] =	vst v63  }
0x3b: {  	s13 =	simm.s32 $0x500  }
0x3c: {  	[spmem:s11] =	stream.indirect.scatter.add.f32 [tilespmem:s8], [sflag:$0x2], $0x8, s13, s9, $0xb8;
	[tilespmem:$0x9C00] =	vst v63  }
0x3d: {  	_ = 	snop  }
0x3e: {  	[spmem:s11] =	stream.indirect.scatter.add.f32 [tilespmem:s8], [sflag:$0x2], $0x8, s18, s9, $0xb8;
	[tilespmem:$0x9C00] =	vst v63  }
0x3f: {  	_ = 	snop  }
0x40: {  	[spmem:s11] =	stream.indirect.scatter.add.f32 [tilespmem:s8], [sflag:$0x2], $0x8, s19, s9, $0xb8;
	[tilespmem:$0x9C00] =	vst v63  }
0x41: {  	s14 =	simm.s32 $0x680  }
0x42: {  	[spmem:s11] =	stream.indirect.scatter.add.f32 [tilespmem:s8], [sflag:$0x2], $0x8, s14, s9, $0xb8;
	[tilespmem:$0x9C00] =	vst v63  }
0x43: {  	_ = 	snop  }
0x44: {  	[spmem:s11] =	stream.indirect.scatter.add.f32 [tilespmem:s8], [sflag:$0x2], $0x8, s20, s9, $0xb8;
	[tilespmem:$0x9C00] =	vst v63  }
0x45: {  	_ = 	snop  }
0x46: {  	[spmem:s11] =	stream.indirect.scatter.add.f32 [tilespmem:s8], [sflag:$0x2], $0x8, s21, s9, $0xb8;
	[tilespmem:$0x9C00] =	vst v63  }
0x47: {  	_ = 	snop  }
0x48: {  	[tilespmem:s7], [sflag:$0x1] =	stream.indirect.gather [hbm4b:s6+s9], $0x20, s2, s9, $0xb8;
	[tilespmem:$0x9C00] =	vst v63  }
0x49: {  	s22 =	simm.s32 $0x1800  }
0x4a: {  	[tilespmem:s22], [sflag:$0x1] =	stream.indirect.gather [hbm4b:s6+s9], $0x20, s9, s9, $0xb8;
	[tilespmem:$0x9C00] =	vst v63  }
0x4b: {  	s23 =	simm.s32 $0x2800  }
0x4c: {  	[tilespmem:s23], [sflag:$0x1] =	stream.indirect.gather [hbm4b:s6+s9], $0x20, s28, s9, $0xb8;
	[tilespmem:$0x9C00] =	vst v63  }
0x4d: {  	s23 =	simm.s32 $0x3800  }
0x4e: {  	[tilespmem:s23], [sflag:$0x1] =	stream.indirect.gather [hbm4b:s6+s9], $0x20, s29, s9, $0xb8;
	[tilespmem:$0x9C00] =	vst v63  }
0x4f: {  	s24 =	simm.s32 $0x4800  }
0x50: {  	[tilespmem:s24], [sflag:$0x1] =	stream.indirect.gather [hbm4b:s6+s9], $0x20, s30, s9, $0xb8;
	[tilespmem:$0x9C00] =	vst v63  }
0x51: {  	s25 =	simm.s32 $0x5800  }
0x52: {  	[tilespmem:s25], [sflag:$0x1] =	stream.indirect.gather [hbm4b:s6+s9], $0x20, s31, s9, $0xb8;
	[tilespmem:$0x9C00] =	vst v63  }
0x53: {  	s25 =	simm.s32 $0x6800  }
0x54: {  	[tilespmem:s25], [sflag:$0x1] =	stream.indirect.gather [hbm4b:s6+s9], $0x20, s0, s9, $0xb8;
	[tilespmem:$0x9C00] =	vst v63  }
0x55: {  	_ = 	snop  }
0x56: {  	[tilespmem:s26], [sflag:$0x1] =	stream.indirect.gather [hbm4b:s6+s9], $0x20, s3, s9, $0xb8;
	[tilespmem:$0x9C00] =	vst v63  }
0x57: {  	_ =	swait.ge [sflag:s10], $0x1000  }
0x58: {  	[sflag:s10] =	ssyncset.done $0x0  }
0x59: {  	[sflag:s10] =	ssyncadd.s32 $0xFFFFF000  }
0x5a: {  	_ =	swait.ge [sflag:s10], $0x1000  }
0x5b: {  	[sflag:s10] =	ssyncset.done $0x0  }
0x5c: {  	[sflag:s10] =	ssyncadd.s32 $0xFFFFF000  }
0x5d: {  	_ =	swait.ge [sflag:s10], $0x1000  }
0x5e: {  	[sflag:s10] =	ssyncset.done $0x0  }
0x5f: {  	[sflag:s10] =	ssyncadd.s32 $0xFFFFF000  }
0x60: {  	_ =	swait.ge [sflag:s10], $0x1000  }
0x61: {  	[sflag:s10] =	ssyncset.done $0x0  }
0x62: {  	[sflag:s10] =	ssyncadd.s32 $0xFFFFF000  }
0x63: {  	_ =	swait.ge [sflag:s10], $0x1000  }
0x64: {  	[sflag:s10] =	ssyncset.done $0x0  }
0x65: {  	[sflag:s10] =	ssyncadd.s32 $0xFFFFF000  }
0x66: {  	_ =	swait.ge [sflag:s10], $0x1000  }
0x67: {  	[sflag:s10] =	ssyncset.done $0x0  }
0x68: {  	[sflag:s10] =	ssyncadd.s32 $0xFFFFF000  }
0x69: {  	_ =	swait.ge [sflag:s10], $0x1000  }
0x6a: {  	[sflag:s10] =	ssyncset.done $0x0  }
0x6b: {  	[sflag:s10] =	ssyncadd.s32 $0xFFFFF000  }
0x6c: {  	_ =	swait.ge [sflag:s10], $0x1000  }
0x6d: {  	[sflag:s10] =	ssyncset.done $0x0  }
0x6e: {  	[sflag:s10] =	ssyncadd.s32 $0xFFFFF000  }
0x6f: {  	[hbm4b:s16+s2] =	stream.linear.scatter [tilespmem:s7], [sflag:$0x3], $0x8000, $0x38;
	[tilespmem:$0x9C00] =	vst v63  }
0x70: {  	_ =	swait.ge [sflag:s5], $0x8000  }
0x71: {  	[sflag:s5] =	ssyncset.done $0x0  }
0x72: {  	[sflag:s5] =	ssyncadd.s32 $0xFFFF8000  }
0x73: {  	[tilespmem:s7], [sflag:$0x1] =	stream.indirect.gather [hbm4b:s6+s9], $0x20, s17, s9, $0xb8;
	[tilespmem:$0x9C00] =	vst v63  }
0x74: {  	_ = 	snop  }
0x75: {  	[tilespmem:s22], [sflag:$0x1] =	stream.indirect.gather [hbm4b:s6+s9], $0x20, s12, s9, $0xb8;
	[tilespmem:$0x9C00] =	vst v63  }
0x76: {  	s22 =	simm.s32 $0x2800  }
0x77: {  	[tilespmem:s22], [sflag:$0x1] =	stream.indirect.gather [hbm4b:s6+s9], $0x20, s13, s9, $0xb8;
	[tilespmem:$0x9C00] =	vst v63  }
0x78: {  	_ = 	snop  }
0x79: {  	[tilespmem:s23], [sflag:$0x1] =	stream.indirect.gather [hbm4b:s6+s9], $0x20, s18, s9, $0xb8;
	[tilespmem:$0x9C00] =	vst v63  }
0x7a: {  	_ = 	snop  }
0x7b: {  	[tilespmem:s24], [sflag:$0x1] =	stream.indirect.gather [hbm4b:s6+s9], $0x20, s19, s9, $0xb8;
	[tilespmem:$0x9C00] =	vst v63  }
0x7c: {  	s24 =	simm.s32 $0x5800  }
0x7d: {  	[tilespmem:s24], [sflag:$0x1] =	stream.indirect.gather [hbm4b:s6+s9], $0x20, s14, s9, $0xb8;
	[tilespmem:$0x9C00] =	vst v63  }
0x7e: {  	_ = 	snop  }
0x7f: {  	[tilespmem:s25], [sflag:$0x1] =	stream.indirect.gather [hbm4b:s6+s9], $0x20, s20, s9, $0xb8;
	[tilespmem:$0x9C00] =	vst v63  }
0x80: {  	_ = 	snop  }
0x81: {  	[tilespmem:s26], [sflag:$0x1] =	stream.indirect.gather [hbm4b:s6+s9], $0x20, s21, s9, $0xb8;
	[tilespmem:$0x9C00] =	vst v63  }
0x82: {  	_ =	swait.ge [sflag:s10], $0x1000  }
0x83: {  	[sflag:s10] =	ssyncset.done $0x0  }
0x84: {  	[sflag:s10] =	ssyncadd.s32 $0xFFFFF000  }
0x85: {  	_ =	swait.ge [sflag:s10], $0x1000  }
0x86: {  	[sflag:s10] =	ssyncset.done $0x0  }
0x87: {  	[sflag:s10] =	ssyncadd.s32 $0xFFFFF000  }
0x88: {  	_ =	swait.ge [sflag:s10], $0x1000  }
0x89: {  	[sflag:s10] =	ssyncset.done $0x0  }
0x8a: {  	[sflag:s10] =	ssyncadd.s32 $0xFFFFF000  }
0x8b: {  	_ =	swait.ge [sflag:s10], $0x1000  }
0x8c: {  	[sflag:s10] =	ssyncset.done $0x0  }
0x8d: {  	[sflag:s10] =	ssyncadd.s32 $0xFFFFF000  }
0x8e: {  	_ =	swait.ge [sflag:s10], $0x1000  }
0x8f: {  	[sflag:s10] =	ssyncset.done $0x0  }
0x90: {  	[sflag:s10] =	ssyncadd.s32 $0xFFFFF000  }
0x91: {  	_ =	swait.ge [sflag:s10], $0x1000  }
0x92: {  	[sflag:s10] =	ssyncset.done $0x0  }
0x93: {  	[sflag:s10] =	ssyncadd.s32 $0xFFFFF000  }
0x94: {  	_ =	swait.ge [sflag:s10], $0x1000  }
0x95: {  	[sflag:s10] =	ssyncset.done $0x0  }
0x96: {  	[sflag:s10] =	ssyncadd.s32 $0xFFFFF000  }
0x97: {  	_ =	swait.ge [sflag:s10], $0x1000  }
0x98: {  	[sflag:s10] =	ssyncset.done $0x0  }
0x99: {  	s20 =	rddreg [dreg:$0x7];
	[sflag:s10] =	ssyncadd.s32 $0xFFFFF000  }
0x9a: {  	[hbm4b:s20+s2] =	stream.linear.scatter [tilespmem:s7], [sflag:$0x3], $0x8000, $0x38;
	[tilespmem:$0x9C00] =	vst v63  }
0x9b: {  	_ =	swait.ge [sflag:s5], $0x8000  }
0x9c: {  	[sflag:s5] =	ssyncset.done $0x0  }
0x9d: {  	[sflag:s5] =	ssyncadd.s32 $0xFFFF8000  }
0x9e: {  	_ =	swait.ge [sflag:s4], $0x400  }
0x9f: {  	[sflag:s4] =	ssyncset.done $0x0  }
0xa0: {  	[sflag:s4] =	ssyncadd.s32 $0xFFFFFC00  }
0xa1: {  	_ =	swait.ge [sflag:s4], $0x400  }
0xa2: {  	[sflag:s4] =	ssyncset.done $0x0  }
0xa3: {  	[sflag:s4] =	ssyncadd.s32 $0xFFFFFC00  }
0xa4: {  	_ =	swait.ge [sflag:s4], $0x400  }
0xa5: {  	[sflag:s4] =	ssyncset.done $0x0  }
0xa6: {  	[sflag:s4] =	ssyncadd.s32 $0xFFFFFC00  }
0xa7: {  	_ =	swait.ge [sflag:s4], $0x400  }
0xa8: {  	[sflag:s4] =	ssyncset.done $0x0  }
0xa9: {  	[sflag:s4] =	ssyncadd.s32 $0xFFFFFC00  }
0xaa: {  	_ =	swait.ge [sflag:s4], $0x400  }
0xab: {  	[sflag:s4] =	ssyncset.done $0x0  }
0xac: {  	[sflag:s4] =	ssyncadd.s32 $0xFFFFFC00  }
0xad: {  	_ =	swait.ge [sflag:s4], $0x400  }
0xae: {  	[sflag:s4] =	ssyncset.done $0x0  }
0xaf: {  	[sflag:s4] =	ssyncadd.s32 $0xFFFFFC00  }
0xb0: {  	_ =	swait.ge [sflag:s4], $0x400  }
0xb1: {  	[sflag:s4] =	ssyncset.done $0x0  }
0xb2: {  	[sflag:s4] =	ssyncadd.s32 $0xFFFFFC00  }
0xb3: {  	_ =	swait.ge [sflag:s4], $0x400  }
0xb4: {  	[sflag:s4] =	ssyncset.done $0x0  }
0xb5: {  	[sflag:s4] =	ssyncadd.s32 $0xFFFFFC00  }
0xb6: {  	_ =	swait.ge [sflag:s4], $0x400  }
0xb7: {  	[sflag:s4] =	ssyncset.done $0x0  }
0xb8: {  	[sflag:s4] =	ssyncadd.s32 $0xFFFFFC00  }
0xb9: {  	_ =	swait.ge [sflag:s4], $0x400  }
0xba: {  	[sflag:s4] =	ssyncset.done $0x0  }
0xbb: {  	[sflag:s4] =	ssyncadd.s32 $0xFFFFFC00  }
0xbc: {  	_ =	swait.ge [sflag:s4], $0x400  }
0xbd: {  	[sflag:s4] =	ssyncset.done $0x0  }
0xbe: {  	[sflag:s4] =	ssyncadd.s32 $0xFFFFFC00  }
0xbf: {  	_ =	swait.ge [sflag:s4], $0x400  }
0xc0: {  	[sflag:s4] =	ssyncset.done $0x0  }
0xc1: {  	[sflag:s4] =	ssyncadd.s32 $0xFFFFFC00  }
0xc2: {  	_ =	swait.ge [sflag:s4], $0x400  }
0xc3: {  	[sflag:s4] =	ssyncset.done $0x0  }
0xc4: {  	[sflag:s4] =	ssyncadd.s32 $0xFFFFFC00  }
0xc5: {  	_ =	swait.ge [sflag:s4], $0x400  }
0xc6: {  	[sflag:s4] =	ssyncset.done $0x0  }
0xc7: {  	[sflag:s4] =	ssyncadd.s32 $0xFFFFFC00  }
0xc8: {  	_ =	swait.ge [sflag:s4], $0x400  }
0xc9: {  	[sflag:s4] =	ssyncset.done $0x0  }
0xca: {  	[sflag:s4] =	ssyncadd.s32 $0xFFFFFC00  }
0xcb: {  	_ =	swait.ge [sflag:s4], $0x400  }
0xcc: {  	[sflag:s4] =	ssyncset.done $0x0  }
0xcd: {  	[sflag:s4] =	ssyncadd.s32 $0xFFFFFC00  }
0xce: {  	[bflag:$0x0] =	sbarrier.arrive $0xFFFF  }
0xcf: {  	s21 =	rddreg [dreg:$0xa]  }
0xd0: {  	s13 =	sadd.s32 $0xFFFFFFFF, s21  }
0xd1: {  	p2 =	sne.s32 s13, $0x0  }
.Ltmp1:
0xd2: {  	_ = 	snop;
	(pc) =	sbr.rel @!p2 .LBB2_4-.Ltmp1, $4  }
0xd3: {  	s12 =	rddreg [dreg:$0x8]  }
0xd4: {  	[hbm:s12], [sflag:s1] =	dma.local @!p0 [spmem:s15], $0x2000  }
0xd5: {  	s12 =	simm.s32 @!p0 $0x3  }
0xd6: {  	p1 =	por $0x1, $0x1;
	_ =	swait.ge @!p0 [sflag:s12], $0x2000  }
0xd7: {  	s20 =	simm.s32 $0x680  }
.LBB2_3:
0xd8: {  	[sflag:s12] =	ssyncset.done @!p0 $0x0  }
0xd9: {  	s14 =	rddreg [dreg:$0x5];
	[sflag:s12] =	ssyncadd.s32 @!p0 $0xFFFFE000  }
0xda: {  	[tilespmem:s2], [sflag:$0x3] =	stream.linear.gather [hbm4b:s14+s2], $0x800, $0x38;
	[tilespmem:$0x9C00] =	vst v63  }
0xdb: {  	_ =	swait.ge [sflag:s5], $0x800  }
0xdc: {  	[sflag:s5] =	ssyncset.done $0x0;
	s24 =	rddreg [dreg:$0x6]  }
0xdd: {  	s18 =	rddreg [dreg:$0x9];
	[sflag:s5] =	ssyncadd.s32 $0xFFFFF800  }
0xde: {  	[spmem:s18], [sflag:s1] =	dma.local [hbm:s24], $0x200  }
0xdf: {  	_ =	swait.ge [sflag:s5], $0x200  }
0xe0: {  	[sflag:s5] =	ssyncset.done $0x0  }
0xe1: {  	s19 =	rddreg [dreg:$0x4];
	[sflag:s5] =	ssyncadd.s32 $0xFFFFFE00  }
0xe2: {  	[tilespmem:s8], [sflag:$0x3] =	stream.linear.gather [hbm4b:s19+s2], $0x400, $0x38;
	[tilespmem:$0x9C00] =	vst v63  }
0xe3: {  	_ =	swait.ge [sflag:s5], $0x400  }
0xe4: {  	[sflag:s5] =	ssyncset.done $0x0  }
0xe5: {  	[sflag:s5] =	ssyncadd.s32 $0xFFFFFC00  }
0xe6: {  	[bflag:$0x0] =	sbarrier.arrive $0xFFFF  }
0xe7: {  	[spmem:s11] =	stream.indirect.scatter.add.f32 [tilespmem:s8], [sflag:$0x2], $0x8, s2, s9, $0xb8;
	[tilespmem:$0x9C00] =	vst v63  }
0xe8: {  	_ = 	snop  }
0xe9: {  	[spmem:s11] =	stream.indirect.scatter.add.f32 [tilespmem:s8], [sflag:$0x2], $0x8, s9, s9, $0xb8;
	[tilespmem:$0x9C00] =	vst v63  }
0xea: {  	_ = 	snop  }
0xeb: {  	[spmem:s11] =	stream.indirect.scatter.add.f32 [tilespmem:s8], [sflag:$0x2], $0x8, s28, s9, $0xb8;
	[tilespmem:$0x9C00] =	vst v63  }
0xec: {  	_ = 	snop  }
0xed: {  	[spmem:s11] =	stream.indirect.scatter.add.f32 [tilespmem:s8], [sflag:$0x2], $0x8, s29, s9, $0xb8;
	[tilespmem:$0x9C00] =	vst v63  }
0xee: {  	_ = 	snop  }
0xef: {  	[spmem:s11] =	stream.indirect.scatter.add.f32 [tilespmem:s8], [sflag:$0x2], $0x8, s30, s9, $0xb8;
	[tilespmem:$0x9C00] =	vst v63  }
0xf0: {  	_ = 	snop  }
0xf1: {  	[spmem:s11] =	stream.indirect.scatter.add.f32 [tilespmem:s8], [sflag:$0x2], $0x8, s31, s9, $0xb8;
	[tilespmem:$0x9C00] =	vst v63  }
0xf2: {  	_ = 	snop  }
0xf3: {  	[spmem:s11] =	stream.indirect.scatter.add.f32 [tilespmem:s8], [sflag:$0x2], $0x8, s0, s9, $0xb8;
	[tilespmem:$0x9C00] =	vst v63  }
0xf4: {  	s17 =	smov.u32 s16  }
0xf5: {  	[spmem:s11] =	stream.indirect.scatter.add.f32 [tilespmem:s8], [sflag:$0x2], $0x8, s3, s9, $0xb8;
	[tilespmem:$0x9C00] =	vst v63  }
0xf6: {  	s16 =	smov.u32 s17;
	s17 =	simm.s32 $0x400  }
0xf7: {  	[spmem:s11] =	stream.indirect.scatter.add.f32 [tilespmem:s8], [sflag:$0x2], $0x8, s17, s9, $0xb8;
	[tilespmem:$0x9C00] =	vst v63  }
0xf8: {  	s14 =	simm.s32 $0x480  }
0xf9: {  	[spmem:s11] =	stream.indirect.scatter.add.f32 [tilespmem:s8], [sflag:$0x2], $0x8, s14, s9, $0xb8;
	[tilespmem:$0x9C00] =	vst v63  }
0xfa: {  	s18 =	simm.s32 $0x500  }
0xfb: {  	[spmem:s11] =	stream.indirect.scatter.add.f32 [tilespmem:s8], [sflag:$0x2], $0x8, s18, s9, $0xb8;
	[tilespmem:$0x9C00] =	vst v63  }
0xfc: {  	s19 =	simm.s32 $0x580  }
0xfd: {  	[spmem:s11] =	stream.indirect.scatter.add.f32 [tilespmem:s8], [sflag:$0x2], $0x8, s19, s9, $0xb8;
	[tilespmem:$0x9C00] =	vst v63  }
0xfe: {  	s19 =	simm.s32 $0x600  }
0xff: {  	[spmem:s11] =	stream.indirect.scatter.add.f32 [tilespmem:s8], [sflag:$0x2], $0x8, s19, s9, $0xb8;
	[tilespmem:$0x9C00] =	vst v63  }
0x100: {  	_ = 	snop  }
0x101: {  	[spmem:s11] =	stream.indirect.scatter.add.f32 [tilespmem:s8], [sflag:$0x2], $0x8, s20, s9, $0xb8;
	[tilespmem:$0x9C00] =	vst v63  }
0x102: {  	s21 =	simm.s32 $0x700  }
0x103: {  	[spmem:s11] =	stream.indirect.scatter.add.f32 [tilespmem:s8], [sflag:$0x2], $0x8, s21, s9, $0xb8;
	[tilespmem:$0x9C00] =	vst v63  }
0x104: {  	s21 =	simm.s32 $0x780  }
0x105: {  	[spmem:s11] =	stream.indirect.scatter.add.f32 [tilespmem:s8], [sflag:$0x2], $0x8, s21, s9, $0xb8;
	[tilespmem:$0x9C00] =	vst v63  }
0x106: {  	_ = 	snop  }
0x107: {  	[tilespmem:s7], [sflag:$0x1] =	stream.indirect.gather [hbm4b:s6+s9], $0x20, s2, s9, $0xb8;
	[tilespmem:$0x9C00] =	vst v63  }
0x108: {  	s22 =	simm.s32 $0x1800  }
0x109: {  	[tilespmem:s22], [sflag:$0x1] =	stream.indirect.gather [hbm4b:s6+s9], $0x20, s9, s9, $0xb8;
	[tilespmem:$0x9C00] =	vst v63  }
0x10a: {  	s23 =	simm.s32 $0x2800  }
0x10b: {  	[tilespmem:s23], [sflag:$0x1] =	stream.indirect.gather [hbm4b:s6+s9], $0x20, s28, s9, $0xb8;
	[tilespmem:$0x9C00] =	vst v63  }
0x10c: {  	s23 =	simm.s32 $0x3800  }
0x10d: {  	[tilespmem:s23], [sflag:$0x1] =	stream.indirect.gather [hbm4b:s6+s9], $0x20, s29, s9, $0xb8;
	[tilespmem:$0x9C00] =	vst v63  }
0x10e: {  	s25 =	smov.u32 s15;
	s24 =	simm.s32 $0x4800  }
0x10f: {  	[tilespmem:s24], [sflag:$0x1] =	stream.indirect.gather [hbm4b:s6+s9], $0x20, s30, s9, $0xb8;
	[tilespmem:$0x9C00] =	vst v63  }
0x110: {  	s15 =	smov.u32 s25;
	s25 =	simm.s32 $0x5800  }
0x111: {  	[tilespmem:s25], [sflag:$0x1] =	stream.indirect.gather [hbm4b:s6+s9], $0x20, s31, s9, $0xb8;
	[tilespmem:$0x9C00] =	vst v63  }
0x112: {  	s25 =	simm.s32 $0x6800  }
0x113: {  	[tilespmem:s25], [sflag:$0x1] =	stream.indirect.gather [hbm4b:s6+s9], $0x20, s0, s9, $0xb8;
	[tilespmem:$0x9C00] =	vst v63  }
0x114: {  	_ = 	snop  }
0x115: {  	[tilespmem:s26], [sflag:$0x1] =	stream.indirect.gather [hbm4b:s6+s9], $0x20, s3, s9, $0xb8;
	[tilespmem:$0x9C00] =	vst v63  }
0x116: {  	_ =	swait.ge [sflag:s10], $0x1000  }
0x117: {  	[sflag:s10] =	ssyncset.done $0x0  }
0x118: {  	[sflag:s10] =	ssyncadd.s32 $0xFFFFF000  }
0x119: {  	_ =	swait.ge [sflag:s10], $0x1000  }
0x11a: {  	[sflag:s10] =	ssyncset.done $0x0  }
0x11b: {  	[sflag:s10] =	ssyncadd.s32 $0xFFFFF000  }
0x11c: {  	_ =	swait.ge [sflag:s10], $0x1000  }
0x11d: {  	[sflag:s10] =	ssyncset.done $0x0  }
0x11e: {  	[sflag:s10] =	ssyncadd.s32 $0xFFFFF000  }
0x11f: {  	_ =	swait.ge [sflag:s10], $0x1000  }
0x120: {  	[sflag:s10] =	ssyncset.done $0x0  }
0x121: {  	[sflag:s10] =	ssyncadd.s32 $0xFFFFF000  }
0x122: {  	_ =	swait.ge [sflag:s10], $0x1000  }
0x123: {  	[sflag:s10] =	ssyncset.done $0x0  }
0x124: {  	[sflag:s10] =	ssyncadd.s32 $0xFFFFF000  }
0x125: {  	_ =	swait.ge [sflag:s10], $0x1000  }
0x126: {  	[sflag:s10] =	ssyncset.done $0x0  }
0x127: {  	[sflag:s10] =	ssyncadd.s32 $0xFFFFF000  }
0x128: {  	_ =	swait.ge [sflag:s10], $0x1000  }
0x129: {  	[sflag:s10] =	ssyncset.done $0x0  }
0x12a: {  	[sflag:s10] =	ssyncadd.s32 $0xFFFFF000  }
0x12b: {  	_ =	swait.ge [sflag:s10], $0x1000  }
0x12c: {  	[sflag:s10] =	ssyncset.done $0x0  }
0x12d: {  	[sflag:s10] =	ssyncadd.s32 $0xFFFFF000  }
0x12e: {  	[hbm4b:s16+s2] =	stream.linear.scatter [tilespmem:s7], [sflag:$0x3], $0x8000, $0x38;
	[tilespmem:$0x9C00] =	vst v63  }
0x12f: {  	_ =	swait.ge [sflag:s5], $0x8000  }
0x130: {  	[sflag:s5] =	ssyncset.done $0x0  }
0x131: {  	[sflag:s5] =	ssyncadd.s32 $0xFFFF8000  }
0x132: {  	[tilespmem:s7], [sflag:$0x1] =	stream.indirect.gather [hbm4b:s6+s9], $0x20, s17, s9, $0xb8;
	[tilespmem:$0x9C00] =	vst v63  }
0x133: {  	_ = 	snop  }
0x134: {  	[tilespmem:s22], [sflag:$0x1] =	stream.indirect.gather [hbm4b:s6+s9], $0x20, s14, s9, $0xb8;
	[tilespmem:$0x9C00] =	vst v63  }
0x135: {  	s22 =	simm.s32 $0x2800  }
0x136: {  	[tilespmem:s22], [sflag:$0x1] =	stream.indirect.gather [hbm4b:s6+s9], $0x20, s18, s9, $0xb8;
	[tilespmem:$0x9C00] =	vst v63  }
0x137: {  	s18 =	simm.s32 $0x580  }
0x138: {  	[tilespmem:s23], [sflag:$0x1] =	stream.indirect.gather [hbm4b:s6+s9], $0x20, s18, s9, $0xb8;
	[tilespmem:$0x9C00] =	vst v63  }
0x139: {  	_ = 	snop  }
0x13a: {  	[tilespmem:s24], [sflag:$0x1] =	stream.indirect.gather [hbm4b:s6+s9], $0x20, s19, s9, $0xb8;
	[tilespmem:$0x9C00] =	vst v63  }
0x13b: {  	s24 =	simm.s32 $0x5800  }
0x13c: {  	[tilespmem:s24], [sflag:$0x1] =	stream.indirect.gather [hbm4b:s6+s9], $0x20, s20, s9, $0xb8;
	[tilespmem:$0x9C00] =	vst v63  }
0x13d: {  	s14 =	simm.s32 $0x700  }
0x13e: {  	[tilespmem:s25], [sflag:$0x1] =	stream.indirect.gather [hbm4b:s6+s9], $0x20, s14, s9, $0xb8;
	[tilespmem:$0x9C00] =	vst v63  }
0x13f: {  	_ = 	snop  }
0x140: {  	[tilespmem:s26], [sflag:$0x1] =	stream.indirect.gather [hbm4b:s6+s9], $0x20, s21, s9, $0xb8;
	[tilespmem:$0x9C00] =	vst v63  }
0x141: {  	_ =	swait.ge [sflag:s10], $0x1000  }
0x142: {  	[sflag:s10] =	ssyncset.done $0x0  }
0x143: {  	[sflag:s10] =	ssyncadd.s32 $0xFFFFF000  }
0x144: {  	_ =	swait.ge [sflag:s10], $0x1000  }
0x145: {  	[sflag:s10] =	ssyncset.done $0x0  }
0x146: {  	[sflag:s10] =	ssyncadd.s32 $0xFFFFF000  }
0x147: {  	_ =	swait.ge [sflag:s10], $0x1000  }
0x148: {  	[sflag:s10] =	ssyncset.done $0x0  }
0x149: {  	[sflag:s10] =	ssyncadd.s32 $0xFFFFF000  }
0x14a: {  	_ =	swait.ge [sflag:s10], $0x1000  }
0x14b: {  	[sflag:s10] =	ssyncset.done $0x0  }
0x14c: {  	[sflag:s10] =	ssyncadd.s32 $0xFFFFF000  }
0x14d: {  	_ =	swait.ge [sflag:s10], $0x1000  }
0x14e: {  	[sflag:s10] =	ssyncset.done $0x0  }
0x14f: {  	[sflag:s10] =	ssyncadd.s32 $0xFFFFF000  }
0x150: {  	_ =	swait.ge [sflag:s10], $0x1000  }
0x151: {  	[sflag:s10] =	ssyncset.done $0x0  }
0x152: {  	[sflag:s10] =	ssyncadd.s32 $0xFFFFF000  }
0x153: {  	_ =	swait.ge [sflag:s10], $0x1000  }
0x154: {  	[sflag:s10] =	ssyncset.done $0x0  }
0x155: {  	[sflag:s10] =	ssyncadd.s32 $0xFFFFF000  }
0x156: {  	_ =	swait.ge [sflag:s10], $0x1000  }
0x157: {  	[sflag:s10] =	ssyncset.done $0x0  }
0x158: {  	s21 =	rddreg [dreg:$0x7];
	[sflag:s10] =	ssyncadd.s32 $0xFFFFF000  }
0x159: {  	[hbm4b:s21+s2] =	stream.linear.scatter [tilespmem:s7], [sflag:$0x3], $0x8000, $0x38;
	[tilespmem:$0x9C00] =	vst v63  }
0x15a: {  	_ =	swait.ge [sflag:s5], $0x8000  }
0x15b: {  	[sflag:s5] =	ssyncset.done $0x0  }
0x15c: {  	[sflag:s5] =	ssyncadd.s32 $0xFFFF8000  }
0x15d: {  	_ =	swait.ge [sflag:s4], $0x400  }
0x15e: {  	[sflag:s4] =	ssyncset.done $0x0  }
0x15f: {  	[sflag:s4] =	ssyncadd.s32 $0xFFFFFC00  }
0x160: {  	_ =	swait.ge [sflag:s4], $0x400  }
0x161: {  	[sflag:s4] =	ssyncset.done $0x0  }
0x162: {  	[sflag:s4] =	ssyncadd.s32 $0xFFFFFC00  }
0x163: {  	_ =	swait.ge [sflag:s4], $0x400  }
0x164: {  	[sflag:s4] =	ssyncset.done $0x0  }
0x165: {  	[sflag:s4] =	ssyncadd.s32 $0xFFFFFC00  }
0x166: {  	_ =	swait.ge [sflag:s4], $0x400  }
0x167: {  	[sflag:s4] =	ssyncset.done $0x0  }
0x168: {  	[sflag:s4] =	ssyncadd.s32 $0xFFFFFC00  }
0x169: {  	_ =	swait.ge [sflag:s4], $0x400  }
0x16a: {  	[sflag:s4] =	ssyncset.done $0x0  }
0x16b: {  	[sflag:s4] =	ssyncadd.s32 $0xFFFFFC00  }
0x16c: {  	_ =	swait.ge [sflag:s4], $0x400  }
0x16d: {  	[sflag:s4] =	ssyncset.done $0x0  }
0x16e: {  	[sflag:s4] =	ssyncadd.s32 $0xFFFFFC00  }
0x16f: {  	_ =	swait.ge [sflag:s4], $0x400  }
0x170: {  	[sflag:s4] =	ssyncset.done $0x0  }
0x171: {  	[sflag:s4] =	ssyncadd.s32 $0xFFFFFC00  }
0x172: {  	_ =	swait.ge [sflag:s4], $0x400  }
0x173: {  	[sflag:s4] =	ssyncset.done $0x0  }
0x174: {  	[sflag:s4] =	ssyncadd.s32 $0xFFFFFC00  }
0x175: {  	_ =	swait.ge [sflag:s4], $0x400  }
0x176: {  	[sflag:s4] =	ssyncset.done $0x0  }
0x177: {  	[sflag:s4] =	ssyncadd.s32 $0xFFFFFC00  }
0x178: {  	_ =	swait.ge [sflag:s4], $0x400  }
0x179: {  	[sflag:s4] =	ssyncset.done $0x0  }
0x17a: {  	[sflag:s4] =	ssyncadd.s32 $0xFFFFFC00  }
0x17b: {  	_ =	swait.ge [sflag:s4], $0x400  }
0x17c: {  	[sflag:s4] =	ssyncset.done $0x0  }
0x17d: {  	[sflag:s4] =	ssyncadd.s32 $0xFFFFFC00  }
0x17e: {  	_ =	swait.ge [sflag:s4], $0x400  }
0x17f: {  	[sflag:s4] =	ssyncset.done $0x0  }
0x180: {  	[sflag:s4] =	ssyncadd.s32 $0xFFFFFC00  }
0x181: {  	_ =	swait.ge [sflag:s4], $0x400  }
0x182: {  	[sflag:s4] =	ssyncset.done $0x0  }
0x183: {  	[sflag:s4] =	ssyncadd.s32 $0xFFFFFC00  }
0x184: {  	_ =	swait.ge [sflag:s4], $0x400  }
0x185: {  	[sflag:s4] =	ssyncset.done $0x0  }
0x186: {  	[sflag:s4] =	ssyncadd.s32 $0xFFFFFC00  }
0x187: {  	_ =	swait.ge [sflag:s4], $0x400  }
0x188: {  	[sflag:s4] =	ssyncset.done $0x0  }
0x189: {  	[sflag:s4] =	ssyncadd.s32 $0xFFFFFC00  }
0x18a: {  	s13 =	sadd.s32 $0xFFFFFFFF, s13;
	_ =	swait.ge [sflag:s4], $0x400  }
0x18b: {  	p2 =	sne.s32 s13, $0x0;
	[sflag:s4] =	ssyncset.done $0x0  }
.Ltmp2:
0x18c: {  	[sflag:s4] =	ssyncadd.s32 $0xFFFFFC00;
	(pc) =	sbr.rel @p2 .LBB2_3-.Ltmp2, $4  }
0x18d: {  	[bflag:$0x0] =	sbarrier.arrive $0xFFFF  }
0x18e: {  	s14 =	rddreg [dreg:$0x8]  }
0x18f: {  	[hbm:s14], [sflag:s1] =	dma.local @!p0 [spmem:s15], $0x2000  }
0x190: {  	_ =	swait.ge @!p0 [sflag:s12], $0x2000  }
.LBB2_4:
0x191: {  	p1 =	por p0, !p1  }
0x192: {  	[sflag:s12] =	ssyncset.done @!p1 $0x0  }
0x193: {  	s13 =	rddreg [dreg:$0x5];
	[sflag:s12] =	ssyncadd.s32 @!p1 $0xFFFFE000  }
0x194: {  	[tilespmem:s2], [sflag:$0x3] =	stream.linear.gather [hbm4b:s13+s2], $0x800, $0x38;
	[tilespmem:$0x9C00] =	vst v63  }
0x195: {  	_ =	swait.ge [sflag:s5], $0x800  }
0x196: {  	s14 =	rddreg [dreg:$0x6];
	[sflag:s5] =	ssyncset.done $0x0  }
0x197: {  	s20 =	rddreg [dreg:$0x9];
	[sflag:s5] =	ssyncadd.s32 $0xFFFFF800  }
0x198: {  	[spmem:s20], [sflag:s1] =	dma.local [hbm:s14], $0x200  }
0x199: {  	_ =	swait.ge [sflag:s5], $0x200  }
0x19a: {  	[sflag:s5] =	ssyncset.done $0x0  }
0x19b: {  	s21 =	rddreg [dreg:$0x4];
	[sflag:s5] =	ssyncadd.s32 $0xFFFFFE00  }
0x19c: {  	[tilespmem:s8], [sflag:$0x3] =	stream.linear.gather [hbm4b:s21+s2], $0x400, $0x38;
	[tilespmem:$0x9C00] =	vst v63  }
0x19d: {  	_ =	swait.ge [sflag:s5], $0x400  }
0x19e: {  	[sflag:s5] =	ssyncset.done $0x0  }
0x19f: {  	[sflag:s5] =	ssyncadd.s32 $0xFFFFFC00  }
0x1a0: {  	[bflag:$0x0] =	sbarrier.arrive $0xFFFF  }
0x1a1: {  	[spmem:s11] =	stream.indirect.scatter.add.f32 [tilespmem:s8], [sflag:$0x2], $0x8, s2, s9, $0xb8;
	[tilespmem:$0x9C00] =	vst v63  }
0x1a2: {  	_ = 	snop  }
0x1a3: {  	[spmem:s11] =	stream.indirect.scatter.add.f32 [tilespmem:s8], [sflag:$0x2], $0x8, s9, s9, $0xb8;
	[tilespmem:$0x9C00] =	vst v63  }
0x1a4: {  	_ = 	snop  }
0x1a5: {  	[spmem:s11] =	stream.indirect.scatter.add.f32 [tilespmem:s8], [sflag:$0x2], $0x8, s28, s9, $0xb8;
	[tilespmem:$0x9C00] =	vst v63  }
0x1a6: {  	_ = 	snop  }
0x1a7: {  	[spmem:s11] =	stream.indirect.scatter.add.f32 [tilespmem:s8], [sflag:$0x2], $0x8, s29, s9, $0xb8;
	[tilespmem:$0x9C00] =	vst v63  }
0x1a8: {  	_ = 	snop  }
0x1a9: {  	[spmem:s11] =	stream.indirect.scatter.add.f32 [tilespmem:s8], [sflag:$0x2], $0x8, s30, s9, $0xb8;
	[tilespmem:$0x9C00] =	vst v63  }
0x1aa: {  	_ = 	snop  }
0x1ab: {  	[spmem:s11] =	stream.indirect.scatter.add.f32 [tilespmem:s8], [sflag:$0x2], $0x8, s31, s9, $0xb8;
	[tilespmem:$0x9C00] =	vst v63  }
0x1ac: {  	_ = 	snop  }
0x1ad: {  	[spmem:s11] =	stream.indirect.scatter.add.f32 [tilespmem:s8], [sflag:$0x2], $0x8, s0, s9, $0xb8;
	[tilespmem:$0x9C00] =	vst v63  }
0x1ae: {  	_ = 	snop  }
0x1af: {  	[spmem:s11] =	stream.indirect.scatter.add.f32 [tilespmem:s8], [sflag:$0x2], $0x8, s3, s9, $0xb8;
	[tilespmem:$0x9C00] =	vst v63  }
0x1b0: {  	_ = 	snop  }
0x1b1: {  	[spmem:s11] =	stream.indirect.scatter.add.f32 [tilespmem:s8], [sflag:$0x2], $0x8, s17, s9, $0xb8;
	[tilespmem:$0x9C00] =	vst v63  }
0x1b2: {  	s12 =	simm.s32 $0x480  }
0x1b3: {  	[spmem:s11] =	stream.indirect.scatter.add.f32 [tilespmem:s8], [sflag:$0x2], $0x8, s12, s9, $0xb8;
	[tilespmem:$0x9C00] =	vst v63  }
0x1b4: {  	s13 =	simm.s32 $0x500  }
0x1b5: {  	[spmem:s11] =	stream.indirect.scatter.add.f32 [tilespmem:s8], [sflag:$0x2], $0x8, s13, s9, $0xb8;
	[tilespmem:$0x9C00] =	vst v63  }
0x1b6: {  	_ = 	snop  }
0x1b7: {  	[spmem:s11] =	stream.indirect.scatter.add.f32 [tilespmem:s8], [sflag:$0x2], $0x8, s18, s9, $0xb8;
	[tilespmem:$0x9C00] =	vst v63  }
0x1b8: {  	_ = 	snop  }
0x1b9: {  	[spmem:s11] =	stream.indirect.scatter.add.f32 [tilespmem:s8], [sflag:$0x2], $0x8, s19, s9, $0xb8;
	[tilespmem:$0x9C00] =	vst v63  }
0x1ba: {  	s20 =	simm.s32 $0x680  }
0x1bb: {  	[spmem:s11] =	stream.indirect.scatter.add.f32 [tilespmem:s8], [sflag:$0x2], $0x8, s20, s9, $0xb8;
	[tilespmem:$0x9C00] =	vst v63  }
0x1bc: {  	s21 =	simm.s32 $0x700  }
0x1bd: {  	[spmem:s11] =	stream.indirect.scatter.add.f32 [tilespmem:s8], [sflag:$0x2], $0x8, s21, s9, $0xb8;
	[tilespmem:$0x9C00] =	vst v63  }
0x1be: {  	s14 =	simm.s32 $0x780  }
0x1bf: {  	[spmem:s11] =	stream.indirect.scatter.add.f32 [tilespmem:s8], [sflag:$0x2], $0x8, s14, s9, $0xb8;
	[tilespmem:$0x9C00] =	vst v63  }
0x1c0: {  	_ = 	snop  }
0x1c1: {  	[tilespmem:s7], [sflag:$0x1] =	stream.indirect.gather [hbm4b:s6+s9], $0x20, s2, s9, $0xb8;
	[tilespmem:$0x9C00] =	vst v63  }
0x1c2: {  	s11 =	simm.s32 $0x1800  }
0x1c3: {  	[tilespmem:s11], [sflag:$0x1] =	stream.indirect.gather [hbm4b:s6+s9], $0x20, s9, s9, $0xb8;
	[tilespmem:$0x9C00] =	vst v63  }
0x1c4: {  	_ = 	snop  }
0x1c5: {  	[tilespmem:s22], [sflag:$0x1] =	stream.indirect.gather [hbm4b:s6+s9], $0x20, s28, s9, $0xb8;
	[tilespmem:$0x9C00] =	vst v63  }
0x1c6: {  	_ = 	snop  }
0x1c7: {  	[tilespmem:s23], [sflag:$0x1] =	stream.indirect.gather [hbm4b:s6+s9], $0x20, s29, s9, $0xb8;
	[tilespmem:$0x9C00] =	vst v63  }
0x1c8: {  	s29 =	simm.s32 $0x4800  }
0x1c9: {  	[tilespmem:s29], [sflag:$0x1] =	stream.indirect.gather [hbm4b:s6+s9], $0x20, s30, s9, $0xb8;
	[tilespmem:$0x9C00] =	vst v63  }
0x1ca: {  	_ = 	snop  }
0x1cb: {  	[tilespmem:s24], [sflag:$0x1] =	stream.indirect.gather [hbm4b:s6+s9], $0x20, s31, s9, $0xb8;
	[tilespmem:$0x9C00] =	vst v63  }
0x1cc: {  	_ = 	snop  }
0x1cd: {  	[tilespmem:s25], [sflag:$0x1] =	stream.indirect.gather [hbm4b:s6+s9], $0x20, s0, s9, $0xb8;
	[tilespmem:$0x9C00] =	vst v63  }
0x1ce: {  	_ = 	snop  }
0x1cf: {  	[tilespmem:s26], [sflag:$0x1] =	stream.indirect.gather [hbm4b:s6+s9], $0x20, s3, s9, $0xb8;
	[tilespmem:$0x9C00] =	vst v63  }
0x1d0: {  	_ =	swait.ge [sflag:s10], $0x1000  }
0x1d1: {  	[sflag:s10] =	ssyncset.done $0x0  }
0x1d2: {  	[sflag:s10] =	ssyncadd.s32 $0xFFFFF000  }
0x1d3: {  	_ =	swait.ge [sflag:s10], $0x1000  }
0x1d4: {  	[sflag:s10] =	ssyncset.done $0x0  }
0x1d5: {  	[sflag:s10] =	ssyncadd.s32 $0xFFFFF000  }
0x1d6: {  	_ =	swait.ge [sflag:s10], $0x1000  }
0x1d7: {  	[sflag:s10] =	ssyncset.done $0x0  }
0x1d8: {  	[sflag:s10] =	ssyncadd.s32 $0xFFFFF000  }
0x1d9: {  	_ =	swait.ge [sflag:s10], $0x1000  }
0x1da: {  	[sflag:s10] =	ssyncset.done $0x0  }
0x1db: {  	[sflag:s10] =	ssyncadd.s32 $0xFFFFF000  }
0x1dc: {  	_ =	swait.ge [sflag:s10], $0x1000  }
0x1dd: {  	[sflag:s10] =	ssyncset.done $0x0  }
0x1de: {  	[sflag:s10] =	ssyncadd.s32 $0xFFFFF000  }
0x1df: {  	_ =	swait.ge [sflag:s10], $0x1000  }
0x1e0: {  	[sflag:s10] =	ssyncset.done $0x0  }
0x1e1: {  	[sflag:s10] =	ssyncadd.s32 $0xFFFFF000  }
0x1e2: {  	_ =	swait.ge [sflag:s10], $0x1000  }
0x1e3: {  	[sflag:s10] =	ssyncset.done $0x0  }
0x1e4: {  	[sflag:s10] =	ssyncadd.s32 $0xFFFFF000  }
0x1e5: {  	_ =	swait.ge [sflag:s10], $0x1000  }
0x1e6: {  	[sflag:s10] =	ssyncset.done $0x0  }
0x1e7: {  	[sflag:s10] =	ssyncadd.s32 $0xFFFFF000  }
0x1e8: {  	[hbm4b:s16+s2] =	stream.linear.scatter [tilespmem:s7], [sflag:$0x3], $0x8000, $0x38;
	[tilespmem:$0x9C00] =	vst v63  }
0x1e9: {  	_ =	swait.ge [sflag:s5], $0x8000  }
0x1ea: {  	[sflag:s5] =	ssyncset.done $0x0  }
0x1eb: {  	[sflag:s5] =	ssyncadd.s32 $0xFFFF8000  }
0x1ec: {  	[tilespmem:s7], [sflag:$0x1] =	stream.indirect.gather [hbm4b:s6+s9], $0x20, s17, s9, $0xb8;
	[tilespmem:$0x9C00] =	vst v63  }
0x1ed: {  	_ = 	snop  }
0x1ee: {  	[tilespmem:s11], [sflag:$0x1] =	stream.indirect.gather [hbm4b:s6+s9], $0x20, s12, s9, $0xb8;
	[tilespmem:$0x9C00] =	vst v63  }
0x1ef: {  	_ = 	snop  }
0x1f0: {  	[tilespmem:s22], [sflag:$0x1] =	stream.indirect.gather [hbm4b:s6+s9], $0x20, s13, s9, $0xb8;
	[tilespmem:$0x9C00] =	vst v63  }
0x1f1: {  	_ = 	snop  }
0x1f2: {  	[tilespmem:s23], [sflag:$0x1] =	stream.indirect.gather [hbm4b:s6+s9], $0x20, s18, s9, $0xb8;
	[tilespmem:$0x9C00] =	vst v63  }
0x1f3: {  	_ = 	snop  }
0x1f4: {  	[tilespmem:s29], [sflag:$0x1] =	stream.indirect.gather [hbm4b:s6+s9], $0x20, s19, s9, $0xb8;
	[tilespmem:$0x9C00] =	vst v63  }
0x1f5: {  	_ = 	snop  }
0x1f6: {  	[tilespmem:s24], [sflag:$0x1] =	stream.indirect.gather [hbm4b:s6+s9], $0x20, s20, s9, $0xb8;
	[tilespmem:$0x9C00] =	vst v63  }
0x1f7: {  	_ = 	snop  }
0x1f8: {  	[tilespmem:s25], [sflag:$0x1] =	stream.indirect.gather [hbm4b:s6+s9], $0x20, s21, s9, $0xb8;
	[tilespmem:$0x9C00] =	vst v63  }
0x1f9: {  	_ = 	snop  }
0x1fa: {  	[tilespmem:s26], [sflag:$0x1] =	stream.indirect.gather [hbm4b:s6+s9], $0x20, s14, s9, $0xb8;
	[tilespmem:$0x9C00] =	vst v63  }
0x1fb: {  	_ =	swait.ge [sflag:s10], $0x1000  }
0x1fc: {  	[sflag:s10] =	ssyncset.done $0x0  }
0x1fd: {  	[sflag:s10] =	ssyncadd.s32 $0xFFFFF000  }
0x1fe: {  	_ =	swait.ge [sflag:s10], $0x1000  }
0x1ff: {  	[sflag:s10] =	ssyncset.done $0x0  }
0x200: {  	[sflag:s10] =	ssyncadd.s32 $0xFFFFF000  }
0x201: {  	_ =	swait.ge [sflag:s10], $0x1000  }
0x202: {  	[sflag:s10] =	ssyncset.done $0x0  }
0x203: {  	[sflag:s10] =	ssyncadd.s32 $0xFFFFF000  }
0x204: {  	_ =	swait.ge [sflag:s10], $0x1000  }
0x205: {  	[sflag:s10] =	ssyncset.done $0x0  }
0x206: {  	[sflag:s10] =	ssyncadd.s32 $0xFFFFF000  }
0x207: {  	_ =	swait.ge [sflag:s10], $0x1000  }
0x208: {  	[sflag:s10] =	ssyncset.done $0x0  }
0x209: {  	[sflag:s10] =	ssyncadd.s32 $0xFFFFF000  }
0x20a: {  	_ =	swait.ge [sflag:s10], $0x1000  }
0x20b: {  	[sflag:s10] =	ssyncset.done $0x0  }
0x20c: {  	[sflag:s10] =	ssyncadd.s32 $0xFFFFF000  }
0x20d: {  	_ =	swait.ge [sflag:s10], $0x1000  }
0x20e: {  	[sflag:s10] =	ssyncset.done $0x0  }
0x20f: {  	[sflag:s10] =	ssyncadd.s32 $0xFFFFF000  }
0x210: {  	_ =	swait.ge [sflag:s10], $0x1000  }
0x211: {  	[sflag:s10] =	ssyncset.done $0x0  }
0x212: {  	s31 =	rddreg [dreg:$0x7];
	[sflag:s10] =	ssyncadd.s32 $0xFFFFF000  }
0x213: {  	[hbm4b:s31+s2] =	stream.linear.scatter [tilespmem:s7], [sflag:$0x3], $0x8000, $0x38;
	[tilespmem:$0x9C00] =	vst v63  }
0x214: {  	_ =	swait.ge [sflag:s5], $0x8000  }
0x215: {  	[sflag:s5] =	ssyncset.done $0x0  }
0x216: {  	[sflag:s5] =	ssyncadd.s32 $0xFFFF8000  }
0x217: {  	_ =	swait.ge [sflag:s4], $0x400  }
0x218: {  	[sflag:s4] =	ssyncset.done $0x0  }
0x219: {  	[sflag:s4] =	ssyncadd.s32 $0xFFFFFC00  }
0x21a: {  	_ =	swait.ge [sflag:s4], $0x400  }
0x21b: {  	[sflag:s4] =	ssyncset.done $0x0  }
0x21c: {  	[sflag:s4] =	ssyncadd.s32 $0xFFFFFC00  }
0x21d: {  	_ =	swait.ge [sflag:s4], $0x400  }
0x21e: {  	[sflag:s4] =	ssyncset.done $0x0  }
0x21f: {  	[sflag:s4] =	ssyncadd.s32 $0xFFFFFC00  }
0x220: {  	_ =	swait.ge [sflag:s4], $0x400  }
0x221: {  	[sflag:s4] =	ssyncset.done $0x0  }
0x222: {  	[sflag:s4] =	ssyncadd.s32 $0xFFFFFC00  }
0x223: {  	_ =	swait.ge [sflag:s4], $0x400  }
0x224: {  	[sflag:s4] =	ssyncset.done $0x0  }
0x225: {  	[sflag:s4] =	ssyncadd.s32 $0xFFFFFC00  }
0x226: {  	_ =	swait.ge [sflag:s4], $0x400  }
0x227: {  	[sflag:s4] =	ssyncset.done $0x0  }
0x228: {  	[sflag:s4] =	ssyncadd.s32 $0xFFFFFC00  }
0x229: {  	_ =	swait.ge [sflag:s4], $0x400  }
0x22a: {  	[sflag:s4] =	ssyncset.done $0x0  }
0x22b: {  	[sflag:s4] =	ssyncadd.s32 $0xFFFFFC00  }
0x22c: {  	_ =	swait.ge [sflag:s4], $0x400  }
0x22d: {  	[sflag:s4] =	ssyncset.done $0x0  }
0x22e: {  	[sflag:s4] =	ssyncadd.s32 $0xFFFFFC00  }
0x22f: {  	_ =	swait.ge [sflag:s4], $0x400  }
0x230: {  	[sflag:s4] =	ssyncset.done $0x0  }
0x231: {  	[sflag:s4] =	ssyncadd.s32 $0xFFFFFC00  }
0x232: {  	_ =	swait.ge [sflag:s4], $0x400  }
0x233: {  	[sflag:s4] =	ssyncset.done $0x0  }
0x234: {  	[sflag:s4] =	ssyncadd.s32 $0xFFFFFC00  }
0x235: {  	_ =	swait.ge [sflag:s4], $0x400  }
0x236: {  	[sflag:s4] =	ssyncset.done $0x0  }
0x237: {  	[sflag:s4] =	ssyncadd.s32 $0xFFFFFC00  }
0x238: {  	_ =	swait.ge [sflag:s4], $0x400  }
0x239: {  	[sflag:s4] =	ssyncset.done $0x0  }
0x23a: {  	[sflag:s4] =	ssyncadd.s32 $0xFFFFFC00  }
0x23b: {  	_ =	swait.ge [sflag:s4], $0x400  }
0x23c: {  	[sflag:s4] =	ssyncset.done $0x0  }
0x23d: {  	[sflag:s4] =	ssyncadd.s32 $0xFFFFFC00  }
0x23e: {  	_ =	swait.ge [sflag:s4], $0x400  }
0x23f: {  	[sflag:s4] =	ssyncset.done $0x0  }
0x240: {  	[sflag:s4] =	ssyncadd.s32 $0xFFFFFC00  }
0x241: {  	_ =	swait.ge [sflag:s4], $0x400  }
0x242: {  	[sflag:s4] =	ssyncset.done $0x0  }
0x243: {  	[sflag:s4] =	ssyncadd.s32 $0xFFFFFC00  }
0x244: {  	_ =	swait.ge [sflag:s4], $0x400  }
0x245: {  	[sflag:s4] =	ssyncset.done $0x0  }
0x246: {  	[sflag:s4] =	ssyncadd.s32 $0xFFFFFC00  }
0x247: {  	[bflag:$0x0] =	sbarrier.arrive $0xFFFF  }
0x248: {  	s0 =	rddreg [dreg:$0x8]  }
0x249: {  	[hbm:s0], [sflag:s1] =	dma.local @!p0 [spmem:s15], $0x2000  }
0x24a: {  	s0 =	simm.s32 @!p0 $0x3  }
0x24b: {  	_ =	swait.ge @!p0 [sflag:s0], $0x2000  }
0x24c: {  	[sflag:s0] =	ssyncset.done @!p0 $0x0  }
0x24d: {  	[sflag:s0] =	ssyncadd.s32 @!p0 $0xFFFFE000  }
0x24e: {  	_ =	sfence.sel $0x180000  }
0x24f: {  	[bflag:$0x0] =	sbarrier.arrive $0xFFFF  }
0x250: {  	_ =	strace $0x90000047  }
0x251: {  	[bflag:$0x2] =	sbarrier.arrive $0xFFFF  }
0x252: {  	s0 =	rddreg [dreg:$0x3]  }
0x253: {  	s0 =	sadd.s32 @!p0 $0x100000, s0  }
0x254: {  	[sflag:s0] =	ssyncadd.tile.s32 @!p0 $0x1;
	_ =	shalt  }
.Lfunc_end2:
_tile_overlayer_lowered:
.L_overlay_start_2:
0x255: {  	(tag) =	ssettag $0x2  }
0x256: {  	s0 =	rddreg [dreg:$0x0];
	s2 =	stileid.u32  }
0x257: {  	s1 =	rddreg [dreg:$0x1];
	p0 =	sne.s32 s2, $0x0  }
0x258: {  	s3 =	rddreg [dreg:$0x2];
	[bflag:$0x3] =	sbarrier.arrive $0xFFFF;
	s2 =	simm.s32 @!p0 $0x1C03  }
0x259: {  	[timem:s3], [sflag:s2] =	dma.local @!p0 [hbm:s0], s1  }
0x25a: {  	s0 =	simm.s32 @!p0 $0x3  }
0x25b: {  	_ =	swait.ge @!p0 [sflag:s0], s1  }
0x25c: {  	s1 =	ssub.s32 @!p0 $0x0, s1;
	[sflag:s0] =	ssyncset.done @!p0 $0x0  }
0x25d: {  	[sflag:s0] =	ssyncadd.s32 @!p0 s1  }
0x25e: {  	[bflag:$0x3] =	sbarrier.arrive $0xFFFF  }
0x25f: {  	_ =	shalt  }

</sc_bundles>
